<compile_context>
chip_gen: v7x
topology: tpu7x:2x2x1
jax: 0.10.2.dev20260603
libtpu: 0.0.44.dev20260713+nightly
codegen_flags: <defaults>
</compile_context>

<pallas_src>
import functools

import jax
import jax.numpy as jnp
from jax import lax
from jax.experimental import pallas as pl
from jax.experimental.pallas import tpu as pltpu
from jax.experimental.pallas import tpu_sc as plsc

B = 1024
LH = 50
NP = 5
NCX = 4
D = 64
NI = 100000
TOPK = 100

NW = 32
RPW = B // NW
LANES = 16

VB = 2048
NPAD = 102400
NBLK = NPAD // VB
TPB = VB // 128
NCM = NPAD // LANES
NL2 = NCM // LANES
NL3 = 32
NEG = -1e30
BIGI = 1 << 30


def _iota16():
    return lax.broadcasted_iota(jnp.int32, (LANES,), 0)


def _gather_body(item_idx_hbm, prof_hbm, ctx_hbm, ivec_hbm, ptab_hbm, ctab_hbm,
                 items_out, prof_out, ctx_out, idx_v, pidx_v, cidx_v,
                 rows_v, prow_v, crow_v, sem):
    wid = lax.axis_index("s") * 2 + lax.axis_index("c")
    base = wid * RPW
    pltpu.sync_copy(item_idx_hbm.at[pl.ds(base, RPW)], idx_v)
    pltpu.sync_copy(prof_hbm.at[pl.ds(base, RPW)], pidx_v)
    pltpu.sync_copy(ctx_hbm.at[pl.ds(base, RPW)], cidx_v)

    def row(r, _):
        b = base + r
        pltpu.async_copy(ivec_hbm.at[idx_v.at[r]], rows_v, sem).wait()
        pltpu.sync_copy(rows_v, items_out.at[b])
        pltpu.async_copy(ptab_hbm.at[pidx_v.at[r]], prow_v, sem).wait()
        pltpu.sync_copy(prow_v, prof_out.at[b])
        pltpu.async_copy(ctab_hbm.at[cidx_v.at[r]], crow_v, sem).wait()
        pltpu.sync_copy(crow_v, ctx_out.at[b])
        return _

    lax.fori_loop(0, RPW, row, None)


def _sc_gather(item_indices, profile, context, item_vectors, profile_table, context_table):
    mesh = plsc.VectorSubcoreMesh(core_axis_name="c", subcore_axis_name="s")
    f = pl.kernel(
        _gather_body,
        out_type=[
            jax.ShapeDtypeStruct((B, LH, 128), jnp.float32),
            jax.ShapeDtypeStruct((B, NP, 128), jnp.float32),
            jax.ShapeDtypeStruct((B, NCX, 128), jnp.float32),
        ],
        mesh=mesh,
        compiler_params=pltpu.CompilerParams(needs_layout_passes=False),
        scratch_types=[
            pltpu.VMEM((RPW, LH), jnp.int32),
            pltpu.VMEM((RPW, NP), jnp.int32),
            pltpu.VMEM((RPW, NCX), jnp.int32),
            pltpu.VMEM((LH, 128), jnp.float32),
            pltpu.VMEM((NP, 128), jnp.float32),
            pltpu.VMEM((NCX, 128), jnp.float32),
            pltpu.SemaphoreType.DMA,
        ],
    )
    return f(item_indices, profile, context, item_vectors, profile_table, context_table)


BBLK = 128

def _pool_body(items_ref, prof_ref, ctx_ref, w1_ref, b1_ref, w2_ref, b2_ref, u_ref):
    p = jnp.mean(prof_ref[...][:, :, 0:D], axis=1)
    c = jnp.mean(ctx_ref[...][:, :, 0:D], axis=1)
    it = jnp.mean(items_ref[...][:, :, 0:D], axis=1)
    h = jnp.concatenate([p, c, it], axis=-1)
    h = jnp.maximum(jnp.dot(h, w1_ref[...],
                            preferred_element_type=jnp.float32) + b1_ref[...], 0.0)
    u_ref[...] = jnp.dot(h, w2_ref[...],
                         preferred_element_type=jnp.float32) + b2_ref[...]


def _tc_pool(items_g, prof_g, ctx_g, W1, b1, W2, b2):
    return pl.pallas_call(
        _pool_body,
        grid=(B // BBLK,),
        in_specs=[
            pl.BlockSpec((BBLK, LH, 128), lambda i: (i, 0, 0)),
            pl.BlockSpec((BBLK, NP, 128), lambda i: (i, 0, 0)),
            pl.BlockSpec((BBLK, NCX, 128), lambda i: (i, 0, 0)),
            pl.BlockSpec((3 * D, 2 * D), lambda i: (0, 0)),
            pl.BlockSpec((1, 2 * D), lambda i: (0, 0)),
            pl.BlockSpec((2 * D, D), lambda i: (0, 0)),
            pl.BlockSpec((1, D), lambda i: (0, 0)),
        ],
        out_specs=pl.BlockSpec((BBLK, D), lambda i: (i, 0)),
        out_shape=jax.ShapeDtypeStruct((B, D), jnp.float32),
    )(items_g, prof_g, ctx_g, W1, b1, W2, b2)


def _score_body(u_in_ref, vt_ref, scores_ref, cm_ref):
    j = pl.program_id(0)
    s = jnp.dot(u_in_ref[...], vt_ref[...], preferred_element_type=jnp.float32)
    col = j * VB + lax.broadcasted_iota(jnp.int32, (B, VB), 1)
    s = jnp.where(col < NI, s, NEG)
    for t in range(TPB):
        scores_ref[pl.ds(t * B, B), :] = s[:, t * 128:(t + 1) * 128]
    cm = s[:, 0:128]
    for t in range(1, TPB):
        cm = jnp.maximum(cm, s[:, t * 128:(t + 1) * 128])
    cm_ref[...] = cm


def _tc_score(u, vt):
    return pl.pallas_call(
        _score_body,
        grid=(NBLK,),
        in_specs=[
            pl.BlockSpec((B, D), lambda j: (0, 0)),
            pl.BlockSpec((D, VB), lambda j: (0, j)),
        ],
        out_specs=[
            pl.BlockSpec((TPB * B, 128), lambda j: (j, 0)),
            pl.BlockSpec((B, 128), lambda j: (0, j)),
        ],
        out_shape=[
            jax.ShapeDtypeStruct((NBLK * TPB * B, 128), jnp.float32),
            jax.ShapeDtypeStruct((B, NCM), jnp.float32),
        ],
    )(u, vt)


NCAND = 128

def _select_body(scores_hbm, cm_hbm, rec_hbm, cm_v, l2_v, l3_v,
                 ccand_v, cval_v, bases_v, fbases_v, idx_v, cand_v, out_v, sem):
    wid = lax.axis_index("s") * 2 + lax.axis_index("c")
    iota = _iota16()

    def row(r, _):
        b = wid * RPW + r
        pltpu.sync_copy(cm_hbm.at[b], cm_v)

        def bl2(g, _c):
            v = cm_v[pl.ds(g * LANES, LANES)]
            m = jnp.max(v, axis=0)
            ov = l2_v[pl.ds((g // LANES) * LANES, LANES)]
            l2_v[pl.ds((g // LANES) * LANES, LANES)] = jnp.where(
                iota == g % LANES, m, ov)
            return _c
        lax.fori_loop(0, NL2, bl2, None)

        def bl3(g, _c):
            v = l2_v[pl.ds(g * LANES, LANES)]
            m = jnp.max(v, axis=0)
            ov = l3_v[pl.ds((g // LANES) * LANES, LANES)]
            l3_v[pl.ds((g // LANES) * LANES, LANES)] = jnp.where(
                iota == g % LANES, m, ov)
            return _c
        l3_v[pl.ds(0, LANES)] = jnp.full((LANES,), NEG, jnp.float32)
        l3_v[pl.ds(LANES, LANES)] = jnp.full((LANES,), NEG, jnp.float32)
        lax.fori_loop(0, NL2 // LANES, bl3, None)

        def pick_chunk(k, _c):
            v0 = l3_v[pl.ds(0, LANES)]
            v1 = l3_v[pl.ds(LANES, LANES)]
            m = jnp.max(jnp.maximum(v0, v1), axis=0)
            c0 = jnp.where(v0 == m, iota, BIGI)
            c1 = jnp.where(v1 == m, iota + LANES, BIGI)
            g3 = jnp.min(jnp.minimum(c0, c1), axis=0)
            v = l2_v[pl.ds(g3 * LANES, LANES)]
            g2 = g3 * LANES + jnp.min(jnp.where(v == m, iota, BIGI), axis=0)
            cv = cm_v[pl.ds(g2 * LANES, LANES)]
            cl = jnp.min(jnp.where(cv == m, iota, BIGI), axis=0)
            cc = g2 * LANES + cl
            kb = (k // LANES) * LANES
            occ = ccand_v[pl.ds(kb, LANES)]
            ccand_v[pl.ds(kb, LANES)] = jnp.where(iota == k - kb, cc, occ)
            ocv = cval_v[pl.ds(kb, LANES)]
            cval_v[pl.ds(kb, LANES)] = jnp.where(iota == k - kb, m, ocv)
            cv2 = jnp.where(iota == cl, NEG, cv)
            cm_v[pl.ds(g2 * LANES, LANES)] = cv2
            m2 = jnp.max(cv2, axis=0)
            l2v2 = jnp.where(iota == g2 - g3 * LANES, m2, v)
            l2_v[pl.ds(g3 * LANES, LANES)] = l2v2
            m3 = jnp.max(l2v2, axis=0)
            l3b = (g3 // LANES) * LANES
            l3o = l3_v[pl.ds(l3b, LANES)]
            l3_v[pl.ds(l3b, LANES)] = jnp.where(iota == g3 - l3b, m3, l3o)
            return _c
        lax.fori_loop(0, NCAND, pick_chunk, None)

        for v in range(NCAND // LANES):
            cc = ccand_v[pl.ds(v * LANES, LANES)]
            bases_v[pl.ds(v * LANES, LANES)] = (cc >> 7) * VB + (cc & 127)
            fbases_v[pl.ds(v * LANES, LANES)] = (
                (cc >> 7) * (LANES * B * 128) + (b * 128) + (cc & 127))
        for q in range(LANES):
            for v in range(NCAND // LANES):
                fb = fbases_v[pl.ds(v * LANES, LANES)]
                idx_v[pl.ds(q * NCAND + v * LANES, LANES)] = fb + (q * B * 128)
        pltpu.async_copy(scores_hbm.at[idx_v], cand_v, sem).wait()

        def bclev2(v, _c):
            cvv = cval_v[pl.ds(v * LANES, LANES)]
            m = jnp.max(cvv, axis=0)
            ol = l3_v[pl.ds(0, LANES)]
            l3_v[pl.ds(0, LANES)] = jnp.where(iota == v, m, ol)
            return _c
        l3_v[pl.ds(0, LANES)] = jnp.full((LANES,), NEG, jnp.float32)
        lax.fori_loop(0, NCAND // LANES, bclev2, None)

        def extract(k, _c):
            cv2 = l3_v[pl.ds(0, LANES)]
            m = jnp.max(cv2, axis=0)
            q2 = jnp.min(jnp.where(cv2 == m, iota, BIGI), axis=0)
            c1 = cval_v[pl.ds(q2 * LANES, LANES)]
            li = jnp.min(jnp.where(c1 == m, iota, BIGI), axis=0)
            ci = q2 * LANES + li
            civ = iota * 0 + ci
            gv = plsc.load_gather(cand_v, [iota * NCAND + civ])
            t = jnp.min(jnp.where(gv == m, iota, BIGI), axis=0)
            basev = plsc.load_gather(bases_v, [civ])
            itemv = basev + t * 128
            kb = (k // LANES) * LANES
            ovv = out_v[pl.ds(kb, LANES)]
            out_v[pl.ds(kb, LANES)] = jnp.where(iota == k - kb, itemv, ovv)
            gv2 = jnp.where(iota == t, NEG, gv)
            plsc.store_scatter(cand_v, [iota * NCAND + civ], gv2)
            m1 = jnp.max(gv2, axis=0)
            c1v2 = jnp.where(iota == li, m1, c1)
            cval_v[pl.ds(q2 * LANES, LANES)] = c1v2
            m2 = jnp.max(c1v2, axis=0)
            l3_v[pl.ds(0, LANES)] = jnp.where(iota == q2, m2, cv2)
            return _c
        lax.fori_loop(0, TOPK, extract, None)
        pltpu.sync_copy(out_v, rec_hbm.at[b])
        return _

    lax.fori_loop(0, RPW, row, None)


def _sc_select(scores_flat, cm):
    mesh = plsc.VectorSubcoreMesh(core_axis_name="c", subcore_axis_name="s")
    f = pl.kernel(
        _select_body,
        out_type=jax.ShapeDtypeStruct((B, 128), jnp.int32),
        mesh=mesh,
        compiler_params=pltpu.CompilerParams(needs_layout_passes=False),
        scratch_types=[
            pltpu.VMEM((NCM,), jnp.float32),
            pltpu.VMEM((NL2,), jnp.float32),
            pltpu.VMEM((NL3,), jnp.float32),
            pltpu.VMEM((NCAND,), jnp.int32),
            pltpu.VMEM((NCAND,), jnp.float32),
            pltpu.VMEM((NCAND,), jnp.int32),
            pltpu.VMEM((NCAND,), jnp.int32),
            pltpu.VMEM((LANES * NCAND,), jnp.int32),
            pltpu.VMEM((LANES * NCAND,), jnp.float32),
            pltpu.VMEM((128,), jnp.int32),
            pltpu.SemaphoreType.DMA,
        ],
    )
    return f(scores_flat, cm)


def kernel(profile, context, item_indices, item_vectors, profile_table,
           context_table, W1, b1, W2, b2):
    pad128 = lambda t: jnp.pad(t, ((0, 0), (0, 128 - D)))
    items_g, prof_g, ctx_g = _sc_gather(
        item_indices, profile, context, pad128(item_vectors),
        pad128(profile_table), pad128(context_table))
    u = _tc_pool(items_g, prof_g, ctx_g, W1, b1.reshape(1, -1),
                 W2, b2.reshape(1, -1))
    vt = jnp.pad(item_vectors, ((0, NPAD - NI), (0, 0))).T
    scores, cm = _tc_score(u, vt)
    rec = _sc_select(scores.reshape(-1), cm)
    return rec[:, :TOPK]

# --- scband reference (transcript-rebuilt; emitter-appended) ---
"""Pipeline reference for scband-rec-infer-88553635709500 (READ-ONLY COPY).

The authoritative reference and input builder live on the scoring server;
editing this copy changes nothing except your own understanding.
"""

import jax, jax.numpy as jnp
import numpy as np

B = 1024
L = 50          # hist_len (item sequence length)
P = 5           # profile feature fields
C = 4           # context feature fields
ITEM_VOCAB = 100000
PROF_VOCAB = 1000
CTX_VOCAB = 500
D = 64          # embed_dim / item vector dim
TOP_K = 100


def setup_inputs(seed: int = 0) -> dict:
    key = jax.random.key(seed)
    ks = jax.random.split(key, 10)
    profile = jax.random.randint(ks[0], (B, P), 0, PROF_VOCAB, dtype=jnp.int32)
    context = jax.random.randint(ks[1], (B, C), 0, CTX_VOCAB, dtype=jnp.int32)
    item_indices = jax.random.randint(ks[2], (B, L), 0, ITEM_VOCAB, dtype=jnp.int32)
    # constructor tensors / learned params
    item_vectors = jax.random.normal(ks[3], (ITEM_VOCAB, D), dtype=jnp.float32) * 0.05
    profile_table = jax.random.normal(ks[4], (PROF_VOCAB, D), dtype=jnp.float32) * 0.05
    context_table = jax.random.normal(ks[5], (CTX_VOCAB, D), dtype=jnp.float32) * 0.05
    W1 = jax.random.normal(ks[6], (3 * D, 2 * D), dtype=jnp.float32) * 0.05
    b1 = jnp.zeros((2 * D,), dtype=jnp.float32)
    W2 = jax.random.normal(ks[7], (2 * D, D), dtype=jnp.float32) * 0.05
    b2 = jnp.zeros((D,), dtype=jnp.float32)
    return {
        'profile': profile, 'context': context, 'item_indices': item_indices,
        'item_vectors': item_vectors, 'profile_table': profile_table,
        'context_table': context_table, 'W1': W1, 'b1': b1, 'W2': W2, 'b2': b2,
    }


def _user_model(profile, context, items, profile_table, context_table, W1, b1, W2, b2):
    # stand-in for the wrapped keras user_model: embed + pool + 2-layer MLP tower
    p = jnp.mean(jnp.take(profile_table, profile, axis=0), axis=1)   # [B, D]
    c = jnp.mean(jnp.take(context_table, context, axis=0), axis=1)   # [B, D]
    it = jnp.mean(items, axis=1)                                     # [B, D]
    h = jnp.concatenate([p, c, it], axis=-1)                         # [B, 3D]
    h = jax.nn.relu(h @ W1 + b1)                                     # [B, 2D]
    user_vector = h @ W2 + b2                                        # [B, D]
    return h, user_vector


def reference(profile, context, item_indices, item_vectors, profile_table,
              context_table, W1, b1, W2, b2):
    batch_size = item_indices.shape[0]
    seq_length = item_indices.shape[1]
    flat_idx = jnp.reshape(item_indices, [-1])
    # gather item vectors for the user's history
    items = jnp.reshape(jnp.take(item_vectors, flat_idx, axis=0),
                        (batch_size, seq_length, -1))
    _, user_vector = _user_model(profile, context, items, profile_table,
                                 context_table, W1, b1, W2, b2)
    # full-catalog scoring
    score = user_vector @ item_vectors.T                             # [B, ITEM_VOCAB]
    # argsort descending, take top_k (skip_used_items=False)
    recommend = jnp.argsort(-score, axis=-1)[:, :TOP_K]
    return recommend

if __name__ == "__main__":
    import jax
    _d = setup_inputs()
    print(jax.jit(kernel)(*tuple(_d.values())))

</pallas_src>

<mosaic_0001>
#map = affine_map<(d0, d1) -> (0)>
#map1 = affine_map<(d0, d1) -> (0, 0)>
module attributes {stable_mosaic.version = 14 : i64} {
  func.func @_select_body(%arg0: i32, %arg1: i32, %arg2: memref<104857600xf32, #tpu.memory_space<hbm>>, %arg3: memref<1024x6400xf32, #tpu.memory_space<hbm>>, %arg4: memref<1024x128xi32, #tpu.memory_space<hbm>>, %arg5: memref<6400xf32, #tpu.memory_space<vmem>>, %arg6: memref<400xf32, #tpu.memory_space<vmem>>, %arg7: memref<32xf32, #tpu.memory_space<vmem>>, %arg8: memref<128xi32, #tpu.memory_space<vmem>>, %arg9: memref<128xf32, #tpu.memory_space<vmem>>, %arg10: memref<128xi32, #tpu.memory_space<vmem>>, %arg11: memref<128xi32, #tpu.memory_space<vmem>>, %arg12: memref<2048xi32, #tpu.memory_space<vmem>>, %arg13: memref<2048xf32, #tpu.memory_space<vmem>>, %arg14: memref<128xi32, #tpu.memory_space<vmem>>, %arg15: memref<!tpu.dma_semaphore, #tpu.memory_space<semaphore_mem>>) attributes {dimension_semantics = [#tpu.dimension_semantics<core_parallel>, #tpu.dimension_semantics<subcore_parallel>], iteration_bounds = array<i64: 2, 16>, scalar_prefetch = 0 : i64, scratch_operands = 11 : i64, tpu.core_type = #tpu.core_type<sc_vector_subcore>, window_params = [{transform_indices = #map}, {transform_indices = #map1}, {transform_indices = #map1}]} {
    %mul3A = arith.constant 2 : i32
    %mul3A_0 = arith.muli %arg1, %mul3A : i32
    %add3A = arith.addi %mul3A_0, %arg0 : i32
    %iota3A = tpu.iota {dimensions = array<i32: 0>} : vector<16xi32>
    %scan3A = arith.constant 0 : i32
    %scan3A_1 = arith.constant 32 : i32
    %scan3A_2 = arith.addi %scan3A, %scan3A_1 : i32
    %scan3A_3 = arith.constant 1 : i32
    scf.for %scan3A_5 = %scan3A to %scan3A_2 step %scan3A_3  : i32 {
      %mul3A_6 = arith.constant 32 : i32
      %mul3A_7 = arith.muli %add3A, %mul3A_6 : i32
      %add3A_8 = arith.addi %mul3A_7, %scan3A_5 : i32
      "tpu.region"() ({
        %run_scoped3A = tpu.sem_alloc : memref<!tpu.dma_semaphore, #tpu.memory_space<semaphore_mem>>
        %dma_start3A_1179 = arith.constant 0 : i32
        %dma_start3A_1180 = tpu.memref_slice %arg3[%add3A_8, %dma_start3A_1179] : memref<1024x6400xf32, #tpu.memory_space<hbm>> -> memref<1x6400xf32, #tpu.memory_space<hbm>>
        %dma_start3A_1181 = tpu.memref_squeeze %dma_start3A_1180 : memref<1x6400xf32, #tpu.memory_space<hbm>> -> memref<6400xf32, #tpu.memory_space<hbm>>
        %dma_start3A_1182 = arith.constant 0 : i32
        %dma_start3A_1183 = tpu.memref_slice %arg3[%add3A_8, %dma_start3A_1182] : memref<1024x6400xf32, #tpu.memory_space<hbm>> -> memref<1x6400xf32, #tpu.memory_space<hbm>>
        %dma_start3A_1184 = tpu.memref_squeeze %dma_start3A_1183 : memref<1x6400xf32, #tpu.memory_space<hbm>> -> memref<6400xf32, #tpu.memory_space<hbm>>
        tpu.enqueue_dma source(%dma_start3A_1184 : memref<6400xf32, #tpu.memory_space<hbm>>) target(%arg5 : memref<6400xf32, #tpu.memory_space<vmem>>) target_semaphore(%run_scoped3A : memref<!tpu.dma_semaphore, #tpu.memory_space<semaphore_mem>>)
        %dma_wait3A_1185 = arith.constant 0 : i32
        %dma_wait3A_1186 = tpu.memref_slice %arg3[%add3A_8, %dma_wait3A_1185] : memref<1024x6400xf32, #tpu.memory_space<hbm>> -> memref<1x6400xf32, #tpu.memory_space<hbm>>
        %dma_wait3A_1187 = tpu.memref_squeeze %dma_wait3A_1186 : memref<1x6400xf32, #tpu.memory_space<hbm>> -> memref<6400xf32, #tpu.memory_space<hbm>>
        %dma_wait3A_1188 = arith.constant 0 : i32
        %dma_wait3A_1189 = tpu.memref_slice %arg3[%add3A_8, %dma_wait3A_1188] : memref<1024x6400xf32, #tpu.memory_space<hbm>> -> memref<1x6400xf32, #tpu.memory_space<hbm>>
        %dma_wait3A_1190 = tpu.memref_squeeze %dma_wait3A_1189 : memref<1x6400xf32, #tpu.memory_space<hbm>> -> memref<6400xf32, #tpu.memory_space<hbm>>
        tpu.wait_dma2 semaphore(%run_scoped3A : memref<!tpu.dma_semaphore, #tpu.memory_space<semaphore_mem>>) src(%dma_wait3A_1190 : memref<6400xf32, #tpu.memory_space<hbm>>) dst(%arg5 : memref<6400xf32, #tpu.memory_space<vmem>>)
        tpu.yield
      }) : () -> ()
      %scan3A_9 = arith.constant 0 : i32
      %scan3A_10 = arith.constant 400 : i32
      %scan3A_11 = arith.addi %scan3A_9, %scan3A_10 : i32
      %scan3A_12 = arith.constant 1 : i32
      scf.for %scan3A_1179 = %scan3A_9 to %scan3A_11 step %scan3A_12  : i32 {
        %mul3A_1180 = arith.constant 16 : i32
        %mul3A_1181 = arith.muli %scan3A_1179, %mul3A_1180 : i32
        %get3A_1182 = arith.index_cast %mul3A_1181 : i32 to index
        %get3A_1183 = tpu.vector_load %arg5[%get3A_1182] {strides = array<i32>} : memref<6400xf32, #tpu.memory_space<vmem>>, vector<16xf32>,
        %reduce_max3A = arith.constant true
        %reduce_max3A_1184 = vector.broadcast %reduce_max3A : i1 to vector<16xi1>
        %reduce_max3A_1185 = tpu.scan <max>, %get3A_1183 masked %reduce_max3A_1184 : vector<16xf32>, vector<16xi1> -> vector<16xf32>
        %reduce_max3A_1186 = vector.extract %reduce_max3A_1185[15] : f32 from vector<16xf32>
        %jit3A = arith.constant 16 : i32
        %div3A = arith.divsi %scan3A_1179, %jit3A : i32
        %sign3A = arith.constant 0 : i32
        %sign3A_1187 = arith.cmpi sgt, %scan3A_1179, %sign3A : i32
        %sign3A_1188 = arith.extui %sign3A_1187 : i1 to i32
        %sign3A_1189 = arith.constant 0 : i32
        %sign3A_1190 = arith.cmpi slt, %scan3A_1179, %sign3A_1189 : i32
        %sign3A_1191 = arith.extui %sign3A_1190 : i1 to i32
        %sign3A_1192 = arith.subi %sign3A_1188, %sign3A_1191 : i32
        %sign3A_1193 = arith.constant 0 : i32
        %sign3A_1194 = arith.cmpi sgt, %jit3A, %sign3A_1193 : i32
        %sign3A_1195 = arith.extui %sign3A_1194 : i1 to i32
        %sign3A_1196 = arith.constant 0 : i32
        %sign3A_1197 = arith.cmpi slt, %jit3A, %sign3A_1196 : i32
        %sign3A_1198 = arith.extui %sign3A_1197 : i1 to i32
        %sign3A_1199 = arith.subi %sign3A_1195, %sign3A_1198 : i32
        %ne3A = arith.cmpi ne, %sign3A_1192, %sign3A_1199 : i32
        %rem3A = arith.remsi %scan3A_1179, %jit3A : i32
        %ne3A_1200 = arith.constant 0 : i32
        %ne3A_1201 = arith.cmpi ne, %rem3A, %ne3A_1200 : i32
        %and3A_1202 = arith.andi %ne3A, %ne3A_1201 : i1
        %sub3A = arith.constant 1 : i32
        %sub3A_1203 = arith.subi %div3A, %sub3A : i32
        %select_n3A = arith.select %and3A_1202, %sub3A_1203, %div3A : i32
        %mul3A_1204 = arith.constant 16 : i32
        %mul3A_1205 = arith.muli %select_n3A, %mul3A_1204 : i32
        %get3A_1206 = arith.index_cast %mul3A_1205 : i32 to index
        %get3A_1207 = tpu.vector_load %arg6[%get3A_1206] {strides = array<i32>} : memref<400xf32, #tpu.memory_space<vmem>>, vector<16xf32>,
        %jit3A_1208 = arith.constant 16 : i32
        %eq3A = arith.constant 0 : i32
        %eq3A_1209 = arith.cmpi eq, %jit3A_1208, %eq3A : i32
        %jit3A_1210 = arith.constant 1 : i32
        %select_n3A_1211 = arith.select %eq3A_1209, %jit3A_1210, %jit3A_1208 : i32
        %rem3A_1212 = arith.remsi %scan3A_1179, %select_n3A_1211 : i32
        %ne3A_1213 = arith.constant 0 : i32
        %ne3A_1214 = arith.cmpi ne, %rem3A_1212, %ne3A_1213 : i32
        %lt3A = arith.constant 0 : i32
        %lt3A_1215 = arith.cmpi slt, %rem3A_1212, %lt3A : i32
        %lt3A_1216 = arith.constant 0 : i32
        %lt3A_1217 = arith.cmpi slt, %select_n3A_1211, %lt3A_1216 : i32
        %ne3A_1218 = arith.xori %lt3A_1215, %lt3A_1217 : i1
        %and3A_1219 = arith.andi %ne3A_1218, %ne3A_1214 : i1
        %add3A_1220 = arith.addi %rem3A_1212, %select_n3A_1211 : i32
        %select_n3A_1221 = arith.select %and3A_1219, %add3A_1220, %rem3A_1212 : i32
        %eq3A_1222 = vector.broadcast %select_n3A_1221 : i32 to vector<16xi32>
        %eq3A_1223 = arith.cmpi eq, %iota3A, %eq3A_1222 : vector<16xi32>
        %broadcast_in_dim3A_1224 = vector.broadcast %reduce_max3A_1186 : f32 to vector<16xf32>
        %select_n3A_1225 = arith.select %eq3A_1223, %broadcast_in_dim3A_1224, %get3A_1207 : vector<16xi1>, vector<16xf32>
        %jit3A_1226 = arith.constant 16 : i32
        %div3A_1227 = arith.divsi %scan3A_1179, %jit3A_1226 : i32
        %sign3A_1228 = arith.constant 0 : i32
        %sign3A_1229 = arith.cmpi sgt, %scan3A_1179, %sign3A_1228 : i32
        %sign3A_1230 = arith.extui %sign3A_1229 : i1 to i32
        %sign3A_1231 = arith.constant 0 : i32
        %sign3A_1232 = arith.cmpi slt, %scan3A_1179, %sign3A_1231 : i32
        %sign3A_1233 = arith.extui %sign3A_1232 : i1 to i32
        %sign3A_1234 = arith.subi %sign3A_1230, %sign3A_1233 : i32
        %sign3A_1235 = arith.constant 0 : i32
        %sign3A_1236 = arith.cmpi sgt, %jit3A_1226, %sign3A_1235 : i32
        %sign3A_1237 = arith.extui %sign3A_1236 : i1 to i32
        %sign3A_1238 = arith.constant 0 : i32
        %sign3A_1239 = arith.cmpi slt, %jit3A_1226, %sign3A_1238 : i32
        %sign3A_1240 = arith.extui %sign3A_1239 : i1 to i32
        %sign3A_1241 = arith.subi %sign3A_1237, %sign3A_1240 : i32
        %ne3A_1242 = arith.cmpi ne, %sign3A_1234, %sign3A_1241 : i32
        %rem3A_1243 = arith.remsi %scan3A_1179, %jit3A_1226 : i32
        %ne3A_1244 = arith.constant 0 : i32
        %ne3A_1245 = arith.cmpi ne, %rem3A_1243, %ne3A_1244 : i32
        %and3A_1246 = arith.andi %ne3A_1242, %ne3A_1245 : i1
        %sub3A_1247 = arith.constant 1 : i32
        %sub3A_1248 = arith.subi %div3A_1227, %sub3A_1247 : i32
        %select_n3A_1249 = arith.select %and3A_1246, %sub3A_1248, %div3A_1227 : i32
        %mul3A_1250 = arith.constant 16 : i32
        %mul3A_1251 = arith.muli %select_n3A_1249, %mul3A_1250 : i32
        %swap3A_1252 = arith.index_cast %mul3A_1251 : i32 to index
        %swap3A_1253 = tpu.vector_load %arg6[%swap3A_1252] {strides = array<i32>} : memref<400xf32, #tpu.memory_space<vmem>>, vector<16xf32>,
        tpu.vector_store %arg6[%swap3A_1252], %select_n3A_1225 {strides = array<i32>} : memref<400xf32, #tpu.memory_space<vmem>>, vector<16xf32>,
      }
      %scan3A_13 = arith.constant 400 : i32
      %broadcast_in_dim3A = arith.constant -1.000000e+30 : f32
      %broadcast_in_dim3A_14 = vector.broadcast %broadcast_in_dim3A : f32 to vector<16xf32>
      %swap3A = arith.constant 0 : index
      %swap3A_15 = tpu.vector_load %arg7[%swap3A] {strides = array<i32>} : memref<32xf32, #tpu.memory_space<vmem>>, vector<16xf32>,
      tpu.vector_store %arg7[%swap3A], %broadcast_in_dim3A_14 {strides = array<i32>} : memref<32xf32, #tpu.memory_space<vmem>>, vector<16xf32>,
      %broadcast_in_dim3A_16 = arith.constant -1.000000e+30 : f32
      %broadcast_in_dim3A_17 = vector.broadcast %broadcast_in_dim3A_16 : f32 to vector<16xf32>
      %swap3A_18 = arith.constant 16 : index
      %swap3A_19 = tpu.vector_load %arg7[%swap3A_18] {strides = array<i32>} : memref<32xf32, #tpu.memory_space<vmem>>, vector<16xf32>,
      tpu.vector_store %arg7[%swap3A_18], %broadcast_in_dim3A_17 {strides = array<i32>} : memref<32xf32, #tpu.memory_space<vmem>>, vector<16xf32>,
      %scan3A_20 = arith.constant 0 : i32
      %scan3A_21 = arith.constant 25 : i32
      %scan3A_22 = arith.addi %scan3A_20, %scan3A_21 : i32
      %scan3A_23 = arith.constant 1 : i32
      scf.for %scan3A_1179 = %scan3A_20 to %scan3A_22 step %scan3A_23  : i32 {
        %mul3A_1180 = arith.constant 16 : i32
        %mul3A_1181 = arith.muli %scan3A_1179, %mul3A_1180 : i32
        %get3A_1182 = arith.index_cast %mul3A_1181 : i32 to index
        %get3A_1183 = tpu.vector_load %arg6[%get3A_1182] {strides = array<i32>} : memref<400xf32, #tpu.memory_space<vmem>>, vector<16xf32>,
        %reduce_max3A = arith.constant true
        %reduce_max3A_1184 = vector.broadcast %reduce_max3A : i1 to vector<16xi1>
        %reduce_max3A_1185 = tpu.scan <max>, %get3A_1183 masked %reduce_max3A_1184 : vector<16xf32>, vector<16xi1> -> vector<16xf32>
        %reduce_max3A_1186 = vector.extract %reduce_max3A_1185[15] : f32 from vector<16xf32>
        %jit3A = arith.constant 16 : i32
        %div3A = arith.divsi %scan3A_1179, %jit3A : i32
        %sign3A = arith.constant 0 : i32
        %sign3A_1187 = arith.cmpi sgt, %scan3A_1179, %sign3A : i32
        %sign3A_1188 = arith.extui %sign3A_1187 : i1 to i32
        %sign3A_1189 = arith.constant 0 : i32
        %sign3A_1190 = arith.cmpi slt, %scan3A_1179, %sign3A_1189 : i32
        %sign3A_1191 = arith.extui %sign3A_1190 : i1 to i32
        %sign3A_1192 = arith.subi %sign3A_1188, %sign3A_1191 : i32
        %sign3A_1193 = arith.constant 0 : i32
        %sign3A_1194 = arith.cmpi sgt, %jit3A, %sign3A_1193 : i32
        %sign3A_1195 = arith.extui %sign3A_1194 : i1 to i32
        %sign3A_1196 = arith.constant 0 : i32
        %sign3A_1197 = arith.cmpi slt, %jit3A, %sign3A_1196 : i32
        %sign3A_1198 = arith.extui %sign3A_1197 : i1 to i32
        %sign3A_1199 = arith.subi %sign3A_1195, %sign3A_1198 : i32
        %ne3A = arith.cmpi ne, %sign3A_1192, %sign3A_1199 : i32
        %rem3A = arith.remsi %scan3A_1179, %jit3A : i32
        %ne3A_1200 = arith.constant 0 : i32
        %ne3A_1201 = arith.cmpi ne, %rem3A, %ne3A_1200 : i32
        %and3A_1202 = arith.andi %ne3A, %ne3A_1201 : i1
        %sub3A = arith.constant 1 : i32
        %sub3A_1203 = arith.subi %div3A, %sub3A : i32
        %select_n3A = arith.select %and3A_1202, %sub3A_1203, %div3A : i32
        %mul3A_1204 = arith.constant 16 : i32
        %mul3A_1205 = arith.muli %select_n3A, %mul3A_1204 : i32
        %get3A_1206 = arith.index_cast %mul3A_1205 : i32 to index
        %get3A_1207 = tpu.vector_load %arg7[%get3A_1206] {strides = array<i32>} : memref<32xf32, #tpu.memory_space<vmem>>, vector<16xf32>,
        %jit3A_1208 = arith.constant 16 : i32
        %eq3A = arith.constant 0 : i32
        %eq3A_1209 = arith.cmpi eq, %jit3A_1208, %eq3A : i32
        %jit3A_1210 = arith.constant 1 : i32
        %select_n3A_1211 = arith.select %eq3A_1209, %jit3A_1210, %jit3A_1208 : i32
        %rem3A_1212 = arith.remsi %scan3A_1179, %select_n3A_1211 : i32
        %ne3A_1213 = arith.constant 0 : i32
        %ne3A_1214 = arith.cmpi ne, %rem3A_1212, %ne3A_1213 : i32
        %lt3A = arith.constant 0 : i32
        %lt3A_1215 = arith.cmpi slt, %rem3A_1212, %lt3A : i32
        %lt3A_1216 = arith.constant 0 : i32
        %lt3A_1217 = arith.cmpi slt, %select_n3A_1211, %lt3A_1216 : i32
        %ne3A_1218 = arith.xori %lt3A_1215, %lt3A_1217 : i1
        %and3A_1219 = arith.andi %ne3A_1218, %ne3A_1214 : i1
        %add3A_1220 = arith.addi %rem3A_1212, %select_n3A_1211 : i32
        %select_n3A_1221 = arith.select %and3A_1219, %add3A_1220, %rem3A_1212 : i32
        %eq3A_1222 = vector.broadcast %select_n3A_1221 : i32 to vector<16xi32>
        %eq3A_1223 = arith.cmpi eq, %iota3A, %eq3A_1222 : vector<16xi32>
        %broadcast_in_dim3A_1224 = vector.broadcast %reduce_max3A_1186 : f32 to vector<16xf32>
        %select_n3A_1225 = arith.select %eq3A_1223, %broadcast_in_dim3A_1224, %get3A_1207 : vector<16xi1>, vector<16xf32>
        %jit3A_1226 = arith.constant 16 : i32
        %div3A_1227 = arith.divsi %scan3A_1179, %jit3A_1226 : i32
        %sign3A_1228 = arith.constant 0 : i32
        %sign3A_1229 = arith.cmpi sgt, %scan3A_1179, %sign3A_1228 : i32
        %sign3A_1230 = arith.extui %sign3A_1229 : i1 to i32
        %sign3A_1231 = arith.constant 0 : i32
        %sign3A_1232 = arith.cmpi slt, %scan3A_1179, %sign3A_1231 : i32
        %sign3A_1233 = arith.extui %sign3A_1232 : i1 to i32
        %sign3A_1234 = arith.subi %sign3A_1230, %sign3A_1233 : i32
        %sign3A_1235 = arith.constant 0 : i32
        %sign3A_1236 = arith.cmpi sgt, %jit3A_1226, %sign3A_1235 : i32
        %sign3A_1237 = arith.extui %sign3A_1236 : i1 to i32
        %sign3A_1238 = arith.constant 0 : i32
        %sign3A_1239 = arith.cmpi slt, %jit3A_1226, %sign3A_1238 : i32
        %sign3A_1240 = arith.extui %sign3A_1239 : i1 to i32
        %sign3A_1241 = arith.subi %sign3A_1237, %sign3A_1240 : i32
        %ne3A_1242 = arith.cmpi ne, %sign3A_1234, %sign3A_1241 : i32
        %rem3A_1243 = arith.remsi %scan3A_1179, %jit3A_1226 : i32
        %ne3A_1244 = arith.constant 0 : i32
        %ne3A_1245 = arith.cmpi ne, %rem3A_1243, %ne3A_1244 : i32
        %and3A_1246 = arith.andi %ne3A_1242, %ne3A_1245 : i1
        %sub3A_1247 = arith.constant 1 : i32
        %sub3A_1248 = arith.subi %div3A_1227, %sub3A_1247 : i32
        %select_n3A_1249 = arith.select %and3A_1246, %sub3A_1248, %div3A_1227 : i32
        %mul3A_1250 = arith.constant 16 : i32
        %mul3A_1251 = arith.muli %select_n3A_1249, %mul3A_1250 : i32
        %swap3A_1252 = arith.index_cast %mul3A_1251 : i32 to index
        %swap3A_1253 = tpu.vector_load %arg7[%swap3A_1252] {strides = array<i32>} : memref<32xf32, #tpu.memory_space<vmem>>, vector<16xf32>,
        tpu.vector_store %arg7[%swap3A_1252], %select_n3A_1225 {strides = array<i32>} : memref<32xf32, #tpu.memory_space<vmem>>, vector<16xf32>,
      }
      %scan3A_24 = arith.constant 25 : i32
      %scan3A_25 = arith.constant 0 : i32
      %scan3A_26 = arith.constant 128 : i32
      %scan3A_27 = arith.addi %scan3A_25, %scan3A_26 : i32
      %scan3A_28 = arith.constant 1 : i32
      scf.for %scan3A_1179 = %scan3A_25 to %scan3A_27 step %scan3A_28  : i32 {
        %get3A_1180 = arith.constant 0 : index
        %get3A_1181 = tpu.vector_load %arg7[%get3A_1180] {strides = array<i32>} : memref<32xf32, #tpu.memory_space<vmem>>, vector<16xf32>,
        %get3A_1182 = arith.constant 16 : index
        %get3A_1183 = tpu.vector_load %arg7[%get3A_1182] {strides = array<i32>} : memref<32xf32, #tpu.memory_space<vmem>>, vector<16xf32>,
        %max3A = arith.maximumf %get3A_1181, %get3A_1183 : vector<16xf32>
        %reduce_max3A = arith.constant true
        %reduce_max3A_1184 = vector.broadcast %reduce_max3A : i1 to vector<16xi1>
        %reduce_max3A_1185 = tpu.scan <max>, %max3A masked %reduce_max3A_1184 : vector<16xf32>, vector<16xi1> -> vector<16xf32>
        %reduce_max3A_1186 = vector.extract %reduce_max3A_1185[15] : f32 from vector<16xf32>
        %eq3A = vector.broadcast %reduce_max3A_1186 : f32 to vector<16xf32>
        %eq3A_1187 = arith.cmpf oeq, %get3A_1181, %eq3A : vector<16xf32>
        %jit3A = arith.constant 1073741824 : i32
        %broadcast_in_dim3A_1188 = vector.broadcast %jit3A : i32 to vector<16xi32>
        %select_n3A = arith.select %eq3A_1187, %iota3A, %broadcast_in_dim3A_1188 : vector<16xi1>, vector<16xi32>
        %eq3A_1189 = vector.broadcast %reduce_max3A_1186 : f32 to vector<16xf32>
        %eq3A_1190 = arith.cmpf oeq, %get3A_1183, %eq3A_1189 : vector<16xf32>
        %add3A_1191 = arith.constant 16 : i32
        %add3A_1192 = vector.broadcast %add3A_1191 : i32 to vector<16xi32>
        %add3A_1193 = arith.addi %iota3A, %add3A_1192 : vector<16xi32>
        %jit3A_1194 = arith.constant 1073741824 : i32
        %broadcast_in_dim3A_1195 = vector.broadcast %jit3A_1194 : i32 to vector<16xi32>
        %select_n3A_1196 = arith.select %eq3A_1190, %add3A_1193, %broadcast_in_dim3A_1195 : vector<16xi1>, vector<16xi32>
        %min3A = arith.minsi %select_n3A, %select_n3A_1196 : vector<16xi32>
        %reduce_min3A = arith.constant true
        %reduce_min3A_1197 = vector.broadcast %reduce_min3A : i1 to vector<16xi1>
        %reduce_min3A_1198 = arith.constant -2147483648 : i32
        %reduce_min3A_1199 = vector.broadcast %reduce_min3A_1198 : i32 to vector<16xi32>
        %reduce_min3A_1200 = arith.xori %min3A, %reduce_min3A_1199 : vector<16xi32>
        %reduce_min3A_1201 = tpu.scan <min>, %reduce_min3A_1200 masked %reduce_min3A_1197 : vector<16xi32>, vector<16xi1> -> vector<16xi32>
        %reduce_min3A_1202 = arith.xori %reduce_min3A_1201, %reduce_min3A_1199 : vector<16xi32>
        %reduce_min3A_1203 = vector.extract %reduce_min3A_1202[15] : i32 from vector<16xi32>
        %mul3A_1204 = arith.constant 16 : i32
        %mul3A_1205 = arith.muli %reduce_min3A_1203, %mul3A_1204 : i32
        %get3A_1206 = arith.index_cast %mul3A_1205 : i32 to index
        %get3A_1207 = tpu.vector_load %arg6[%get3A_1206] {strides = array<i32>} : memref<400xf32, #tpu.memory_space<vmem>>, vector<16xf32>,
        %mul3A_1208 = arith.constant 16 : i32
        %mul3A_1209 = arith.muli %reduce_min3A_1203, %mul3A_1208 : i32
        %eq3A_1210 = vector.broadcast %reduce_max3A_1186 : f32 to vector<16xf32>
        %eq3A_1211 = arith.cmpf oeq, %get3A_1207, %eq3A_1210 : vector<16xf32>
        %jit3A_1212 = arith.constant 1073741824 : i32
        %broadcast_in_dim3A_1213 = vector.broadcast %jit3A_1212 : i32 to vector<16xi32>
        %select_n3A_1214 = arith.select %eq3A_1211, %iota3A, %broadcast_in_dim3A_1213 : vector<16xi1>, vector<16xi32>
        %reduce_min3A_1215 = arith.constant true
        %reduce_min3A_1216 = vector.broadcast %reduce_min3A_1215 : i1 to vector<16xi1>
        %reduce_min3A_1217 = arith.constant -2147483648 : i32
        %reduce_min3A_1218 = vector.broadcast %reduce_min3A_1217 : i32 to vector<16xi32>
        %reduce_min3A_1219 = arith.xori %select_n3A_1214, %reduce_min3A_1218 : vector<16xi32>
        %reduce_min3A_1220 = tpu.scan <min>, %reduce_min3A_1219 masked %reduce_min3A_1216 : vector<16xi32>, vector<16xi1> -> vector<16xi32>
        %reduce_min3A_1221 = arith.xori %reduce_min3A_1220, %reduce_min3A_1218 : vector<16xi32>
        %reduce_min3A_1222 = vector.extract %reduce_min3A_1221[15] : i32 from vector<16xi32>
        %add3A_1223 = arith.addi %mul3A_1209, %reduce_min3A_1222 : i32
        %mul3A_1224 = arith.constant 16 : i32
        %mul3A_1225 = arith.muli %add3A_1223, %mul3A_1224 : i32
        %get3A_1226 = arith.index_cast %mul3A_1225 : i32 to index
        %get3A_1227 = tpu.vector_load %arg5[%get3A_1226] {strides = array<i32>} : memref<6400xf32, #tpu.memory_space<vmem>>, vector<16xf32>,
        %eq3A_1228 = vector.broadcast %reduce_max3A_1186 : f32 to vector<16xf32>
        %eq3A_1229 = arith.cmpf oeq, %get3A_1227, %eq3A_1228 : vector<16xf32>
        %jit3A_1230 = arith.constant 1073741824 : i32
        %broadcast_in_dim3A_1231 = vector.broadcast %jit3A_1230 : i32 to vector<16xi32>
        %select_n3A_1232 = arith.select %eq3A_1229, %iota3A, %broadcast_in_dim3A_1231 : vector<16xi1>, vector<16xi32>
        %reduce_min3A_1233 = arith.constant true
        %reduce_min3A_1234 = vector.broadcast %reduce_min3A_1233 : i1 to vector<16xi1>
        %reduce_min3A_1235 = arith.constant -2147483648 : i32
        %reduce_min3A_1236 = vector.broadcast %reduce_min3A_1235 : i32 to vector<16xi32>
        %reduce_min3A_1237 = arith.xori %select_n3A_1232, %reduce_min3A_1236 : vector<16xi32>
        %reduce_min3A_1238 = tpu.scan <min>, %reduce_min3A_1237 masked %reduce_min3A_1234 : vector<16xi32>, vector<16xi1> -> vector<16xi32>
        %reduce_min3A_1239 = arith.xori %reduce_min3A_1238, %reduce_min3A_1236 : vector<16xi32>
        %reduce_min3A_1240 = vector.extract %reduce_min3A_1239[15] : i32 from vector<16xi32>
        %mul3A_1241 = arith.constant 16 : i32
        %mul3A_1242 = arith.muli %add3A_1223, %mul3A_1241 : i32
        %add3A_1243 = arith.addi %mul3A_1242, %reduce_min3A_1240 : i32
        %jit3A_1244 = arith.constant 16 : i32
        %div3A = arith.divsi %scan3A_1179, %jit3A_1244 : i32
        %sign3A = arith.constant 0 : i32
        %sign3A_1245 = arith.cmpi sgt, %scan3A_1179, %sign3A : i32
        %sign3A_1246 = arith.extui %sign3A_1245 : i1 to i32
        %sign3A_1247 = arith.constant 0 : i32
        %sign3A_1248 = arith.cmpi slt, %scan3A_1179, %sign3A_1247 : i32
        %sign3A_1249 = arith.extui %sign3A_1248 : i1 to i32
        %sign3A_1250 = arith.subi %sign3A_1246, %sign3A_1249 : i32
        %sign3A_1251 = arith.constant 0 : i32
        %sign3A_1252 = arith.cmpi sgt, %jit3A_1244, %sign3A_1251 : i32
        %sign3A_1253 = arith.extui %sign3A_1252 : i1 to i32
        %sign3A_1254 = arith.constant 0 : i32
        %sign3A_1255 = arith.cmpi slt, %jit3A_1244, %sign3A_1254 : i32
        %sign3A_1256 = arith.extui %sign3A_1255 : i1 to i32
        %sign3A_1257 = arith.subi %sign3A_1253, %sign3A_1256 : i32
        %ne3A = arith.cmpi ne, %sign3A_1250, %sign3A_1257 : i32
        %rem3A = arith.remsi %scan3A_1179, %jit3A_1244 : i32
        %ne3A_1258 = arith.constant 0 : i32
        %ne3A_1259 = arith.cmpi ne, %rem3A, %ne3A_1258 : i32
        %and3A_1260 = arith.andi %ne3A, %ne3A_1259 : i1
        %sub3A = arith.constant 1 : i32
        %sub3A_1261 = arith.subi %div3A, %sub3A : i32
        %select_n3A_1262 = arith.select %and3A_1260, %sub3A_1261, %div3A : i32
        %mul3A_1263 = arith.constant 16 : i32
        %mul3A_1264 = arith.muli %select_n3A_1262, %mul3A_1263 : i32
        %get3A_1265 = arith.index_cast %mul3A_1264 : i32 to index
        %get3A_1266 = tpu.vector_load %arg8[%get3A_1265] {strides = array<i32>} : memref<128xi32, #tpu.memory_space<vmem>>, vector<16xi32>,
        %sub3A_1267 = arith.subi %scan3A_1179, %mul3A_1264 : i32
        %eq3A_1268 = vector.broadcast %sub3A_1267 : i32 to vector<16xi32>
        %eq3A_1269 = arith.cmpi eq, %iota3A, %eq3A_1268 : vector<16xi32>
        %broadcast_in_dim3A_1270 = vector.broadcast %add3A_1243 : i32 to vector<16xi32>
        %select_n3A_1271 = arith.select %eq3A_1269, %broadcast_in_dim3A_1270, %get3A_1266 : vector<16xi1>, vector<16xi32>
        %swap3A_1272 = arith.index_cast %mul3A_1264 : i32 to index
        %swap3A_1273 = tpu.vector_load %arg8[%swap3A_1272] {strides = array<i32>} : memref<128xi32, #tpu.memory_space<vmem>>, vector<16xi32>,
        tpu.vector_store %arg8[%swap3A_1272], %select_n3A_1271 {strides = array<i32>} : memref<128xi32, #tpu.memory_space<vmem>>, vector<16xi32>,
        %get3A_1274 = arith.index_cast %mul3A_1264 : i32 to index
        %get3A_1275 = tpu.vector_load %arg9[%get3A_1274] {strides = array<i32>} : memref<128xf32, #tpu.memory_space<vmem>>, vector<16xf32>,
        %sub3A_1276 = arith.subi %scan3A_1179, %mul3A_1264 : i32
        %eq3A_1277 = vector.broadcast %sub3A_1276 : i32 to vector<16xi32>
        %eq3A_1278 = arith.cmpi eq, %iota3A, %eq3A_1277 : vector<16xi32>
        %broadcast_in_dim3A_1279 = vector.broadcast %reduce_max3A_1186 : f32 to vector<16xf32>
        %select_n3A_1280 = arith.select %eq3A_1278, %broadcast_in_dim3A_1279, %get3A_1275 : vector<16xi1>, vector<16xf32>
        %swap3A_1281 = arith.index_cast %mul3A_1264 : i32 to index
        %swap3A_1282 = tpu.vector_load %arg9[%swap3A_1281] {strides = array<i32>} : memref<128xf32, #tpu.memory_space<vmem>>, vector<16xf32>,
        tpu.vector_store %arg9[%swap3A_1281], %select_n3A_1280 {strides = array<i32>} : memref<128xf32, #tpu.memory_space<vmem>>, vector<16xf32>,
        %eq3A_1283 = vector.broadcast %reduce_min3A_1240 : i32 to vector<16xi32>
        %eq3A_1284 = arith.cmpi eq, %iota3A, %eq3A_1283 : vector<16xi32>
        %jit3A_1285 = arith.constant -1.000000e+30 : f32
        %broadcast_in_dim3A_1286 = vector.broadcast %jit3A_1285 : f32 to vector<16xf32>
        %select_n3A_1287 = arith.select %eq3A_1284, %broadcast_in_dim3A_1286, %get3A_1227 : vector<16xi1>, vector<16xf32>
        %mul3A_1288 = arith.constant 16 : i32
        %mul3A_1289 = arith.muli %add3A_1223, %mul3A_1288 : i32
        %swap3A_1290 = arith.index_cast %mul3A_1289 : i32 to index
        %swap3A_1291 = tpu.vector_load %arg5[%swap3A_1290] {strides = array<i32>} : memref<6400xf32, #tpu.memory_space<vmem>>, vector<16xf32>,
        tpu.vector_store %arg5[%swap3A_1290], %select_n3A_1287 {strides = array<i32>} : memref<6400xf32, #tpu.memory_space<vmem>>, vector<16xf32>,
        %reduce_max3A_1292 = arith.constant true
        %reduce_max3A_1293 = vector.broadcast %reduce_max3A_1292 : i1 to vector<16xi1>
        %reduce_max3A_1294 = tpu.scan <max>, %select_n3A_1287 masked %reduce_max3A_1293 : vector<16xf32>, vector<16xi1> -> vector<16xf32>
        %reduce_max3A_1295 = vector.extract %reduce_max3A_1294[15] : f32 from vector<16xf32>
        %mul3A_1296 = arith.constant 16 : i32
        %mul3A_1297 = arith.muli %reduce_min3A_1203, %mul3A_1296 : i32
        %sub3A_1298 = arith.subi %add3A_1223, %mul3A_1297 : i32
        %eq3A_1299 = vector.broadcast %sub3A_1298 : i32 to vector<16xi32>
        %eq3A_1300 = arith.cmpi eq, %iota3A, %eq3A_1299 : vector<16xi32>
        %broadcast_in_dim3A_1301 = vector.broadcast %reduce_max3A_1295 : f32 to vector<16xf32>
        %select_n3A_1302 = arith.select %eq3A_1300, %broadcast_in_dim3A_1301, %get3A_1207 : vector<16xi1>, vector<16xf32>
        %mul3A_1303 = arith.constant 16 : i32
        %mul3A_1304 = arith.muli %reduce_min3A_1203, %mul3A_1303 : i32
        %swap3A_1305 = arith.index_cast %mul3A_1304 : i32 to index
        %swap3A_1306 = tpu.vector_load %arg6[%swap3A_1305] {strides = array<i32>} : memref<400xf32, #tpu.memory_space<vmem>>, vector<16xf32>,
        tpu.vector_store %arg6[%swap3A_1305], %select_n3A_1302 {strides = array<i32>} : memref<400xf32, #tpu.memory_space<vmem>>, vector<16xf32>,
        %reduce_max3A_1307 = arith.constant true
        %reduce_max3A_1308 = vector.broadcast %reduce_max3A_1307 : i1 to vector<16xi1>
        %reduce_max3A_1309 = tpu.scan <max>, %select_n3A_1302 masked %reduce_max3A_1308 : vector<16xf32>, vector<16xi1> -> vector<16xf32>
        %reduce_max3A_1310 = vector.extract %reduce_max3A_1309[15] : f32 from vector<16xf32>
        %jit3A_1311 = arith.constant 16 : i32
        %div3A_1312 = arith.divsi %reduce_min3A_1203, %jit3A_1311 : i32
        %sign3A_1313 = arith.constant 0 : i32
        %sign3A_1314 = arith.cmpi sgt, %reduce_min3A_1203, %sign3A_1313 : i32
        %sign3A_1315 = arith.extui %sign3A_1314 : i1 to i32
        %sign3A_1316 = arith.constant 0 : i32
        %sign3A_1317 = arith.cmpi slt, %reduce_min3A_1203, %sign3A_1316 : i32
        %sign3A_1318 = arith.extui %sign3A_1317 : i1 to i32
        %sign3A_1319 = arith.subi %sign3A_1315, %sign3A_1318 : i32
        %sign3A_1320 = arith.constant 0 : i32
        %sign3A_1321 = arith.cmpi sgt, %jit3A_1311, %sign3A_1320 : i32
        %sign3A_1322 = arith.extui %sign3A_1321 : i1 to i32
        %sign3A_1323 = arith.constant 0 : i32
        %sign3A_1324 = arith.cmpi slt, %jit3A_1311, %sign3A_1323 : i32
        %sign3A_1325 = arith.extui %sign3A_1324 : i1 to i32
        %sign3A_1326 = arith.subi %sign3A_1322, %sign3A_1325 : i32
        %ne3A_1327 = arith.cmpi ne, %sign3A_1319, %sign3A_1326 : i32
        %rem3A_1328 = arith.remsi %reduce_min3A_1203, %jit3A_1311 : i32
        %ne3A_1329 = arith.constant 0 : i32
        %ne3A_1330 = arith.cmpi ne, %rem3A_1328, %ne3A_1329 : i32
        %and3A_1331 = arith.andi %ne3A_1327, %ne3A_1330 : i1
        %sub3A_1332 = arith.constant 1 : i32
        %sub3A_1333 = arith.subi %div3A_1312, %sub3A_1332 : i32
        %select_n3A_1334 = arith.select %and3A_1331, %sub3A_1333, %div3A_1312 : i32
        %mul3A_1335 = arith.constant 16 : i32
        %mul3A_1336 = arith.muli %select_n3A_1334, %mul3A_1335 : i32
        %get3A_1337 = arith.index_cast %mul3A_1336 : i32 to index
        %get3A_1338 = tpu.vector_load %arg7[%get3A_1337] {strides = array<i32>} : memref<32xf32, #tpu.memory_space<vmem>>, vector<16xf32>,
        %sub3A_1339 = arith.subi %reduce_min3A_1203, %mul3A_1336 : i32
        %eq3A_1340 = vector.broadcast %sub3A_1339 : i32 to vector<16xi32>
        %eq3A_1341 = arith.cmpi eq, %iota3A, %eq3A_1340 : vector<16xi32>
        %broadcast_in_dim3A_1342 = vector.broadcast %reduce_max3A_1310 : f32 to vector<16xf32>
        %select_n3A_1343 = arith.select %eq3A_1341, %broadcast_in_dim3A_1342, %get3A_1338 : vector<16xi1>, vector<16xf32>
        %swap3A_1344 = arith.index_cast %mul3A_1336 : i32 to index
        %swap3A_1345 = tpu.vector_load %arg7[%swap3A_1344] {strides = array<i32>} : memref<32xf32, #tpu.memory_space<vmem>>, vector<16xf32>,
        tpu.vector_store %arg7[%swap3A_1344], %select_n3A_1343 {strides = array<i32>} : memref<32xf32, #tpu.memory_space<vmem>>, vector<16xf32>,
      }
      %scan3A_29 = arith.constant 128 : i32
      %get3A = arith.constant 0 : index
      %get3A_30 = tpu.vector_load %arg8[%get3A] {strides = array<i32>} : memref<128xi32, #tpu.memory_space<vmem>>, vector<16xi32>,
      %shift_right_arithmetic3A = arith.constant 7 : i32
      %shift_right_arithmetic3A_31 = vector.broadcast %shift_right_arithmetic3A : i32 to vector<16xi32>
      %shift_right_arithmetic3A_32 = arith.shrsi %get3A_30, %shift_right_arithmetic3A_31 : vector<16xi32>
      %mul3A_33 = arith.constant 2048 : i32
      %mul3A_34 = vector.broadcast %mul3A_33 : i32 to vector<16xi32>
      %mul3A_35 = arith.muli %shift_right_arithmetic3A_32, %mul3A_34 : vector<16xi32>
      %and3A = arith.constant 127 : i32
      %and3A_36 = vector.broadcast %and3A : i32 to vector<16xi32>
      %and3A_37 = arith.andi %get3A_30, %and3A_36 : vector<16xi32>
      %add3A_38 = arith.addi %mul3A_35, %and3A_37 : vector<16xi32>
      %swap3A_39 = arith.constant 0 : index
      %swap3A_40 = tpu.vector_load %arg10[%swap3A_39] {strides = array<i32>} : memref<128xi32, #tpu.memory_space<vmem>>, vector<16xi32>,
      tpu.vector_store %arg10[%swap3A_39], %add3A_38 {strides = array<i32>} : memref<128xi32, #tpu.memory_space<vmem>>, vector<16xi32>,
      %shift_right_arithmetic3A_41 = arith.constant 7 : i32
      %shift_right_arithmetic3A_42 = vector.broadcast %shift_right_arithmetic3A_41 : i32 to vector<16xi32>
      %shift_right_arithmetic3A_43 = arith.shrsi %get3A_30, %shift_right_arithmetic3A_42 : vector<16xi32>
      %mul3A_44 = arith.constant 2097152 : i32
      %mul3A_45 = vector.broadcast %mul3A_44 : i32 to vector<16xi32>
      %mul3A_46 = arith.muli %shift_right_arithmetic3A_43, %mul3A_45 : vector<16xi32>
      %mul3A_47 = arith.constant 128 : i32
      %mul3A_48 = arith.muli %add3A_8, %mul3A_47 : i32
      %add3A_49 = vector.broadcast %mul3A_48 : i32 to vector<16xi32>
      %add3A_50 = arith.addi %mul3A_46, %add3A_49 : vector<16xi32>
      %and3A_51 = arith.constant 127 : i32
      %and3A_52 = vector.broadcast %and3A_51 : i32 to vector<16xi32>
      %and3A_53 = arith.andi %get3A_30, %and3A_52 : vector<16xi32>
      %add3A_54 = arith.addi %add3A_50, %and3A_53 : vector<16xi32>
      %swap3A_55 = arith.constant 0 : index
      %swap3A_56 = tpu.vector_load %arg11[%swap3A_55] {strides = array<i32>} : memref<128xi32, #tpu.memory_space<vmem>>, vector<16xi32>,
      tpu.vector_store %arg11[%swap3A_55], %add3A_54 {strides = array<i32>} : memref<128xi32, #tpu.memory_space<vmem>>, vector<16xi32>,
      %get3A_57 = arith.constant 16 : index
      %get3A_58 = tpu.vector_load %arg8[%get3A_57] {strides = array<i32>} : memref<128xi32, #tpu.memory_space<vmem>>, vector<16xi32>,
      %shift_right_arithmetic3A_59 = arith.constant 7 : i32
      %shift_right_arithmetic3A_60 = vector.broadcast %shift_right_arithmetic3A_59 : i32 to vector<16xi32>
      %shift_right_arithmetic3A_61 = arith.shrsi %get3A_58, %shift_right_arithmetic3A_60 : vector<16xi32>
      %mul3A_62 = arith.constant 2048 : i32
      %mul3A_63 = vector.broadcast %mul3A_62 : i32 to vector<16xi32>
      %mul3A_64 = arith.muli %shift_right_arithmetic3A_61, %mul3A_63 : vector<16xi32>
      %and3A_65 = arith.constant 127 : i32
      %and3A_66 = vector.broadcast %and3A_65 : i32 to vector<16xi32>
      %and3A_67 = arith.andi %get3A_58, %and3A_66 : vector<16xi32>
      %add3A_68 = arith.addi %mul3A_64, %and3A_67 : vector<16xi32>
      %swap3A_69 = arith.constant 16 : index
      %swap3A_70 = tpu.vector_load %arg10[%swap3A_69] {strides = array<i32>} : memref<128xi32, #tpu.memory_space<vmem>>, vector<16xi32>,
      tpu.vector_store %arg10[%swap3A_69], %add3A_68 {strides = array<i32>} : memref<128xi32, #tpu.memory_space<vmem>>, vector<16xi32>,
      %shift_right_arithmetic3A_71 = arith.constant 7 : i32
      %shift_right_arithmetic3A_72 = vector.broadcast %shift_right_arithmetic3A_71 : i32 to vector<16xi32>
      %shift_right_arithmetic3A_73 = arith.shrsi %get3A_58, %shift_right_arithmetic3A_72 : vector<16xi32>
      %mul3A_74 = arith.constant 2097152 : i32
      %mul3A_75 = vector.broadcast %mul3A_74 : i32 to vector<16xi32>
      %mul3A_76 = arith.muli %shift_right_arithmetic3A_73, %mul3A_75 : vector<16xi32>
      %mul3A_77 = arith.constant 128 : i32
      %mul3A_78 = arith.muli %add3A_8, %mul3A_77 : i32
      %add3A_79 = vector.broadcast %mul3A_78 : i32 to vector<16xi32>
      %add3A_80 = arith.addi %mul3A_76, %add3A_79 : vector<16xi32>
      %and3A_81 = arith.constant 127 : i32
      %and3A_82 = vector.broadcast %and3A_81 : i32 to vector<16xi32>
      %and3A_83 = arith.andi %get3A_58, %and3A_82 : vector<16xi32>
      %add3A_84 = arith.addi %add3A_80, %and3A_83 : vector<16xi32>
      %swap3A_85 = arith.constant 16 : index
      %swap3A_86 = tpu.vector_load %arg11[%swap3A_85] {strides = array<i32>} : memref<128xi32, #tpu.memory_space<vmem>>, vector<16xi32>,
      tpu.vector_store %arg11[%swap3A_85], %add3A_84 {strides = array<i32>} : memref<128xi32, #tpu.memory_space<vmem>>, vector<16xi32>,
      %get3A_87 = arith.constant 32 : index
      %get3A_88 = tpu.vector_load %arg8[%get3A_87] {strides = array<i32>} : memref<128xi32, #tpu.memory_space<vmem>>, vector<16xi32>,
      %shift_right_arithmetic3A_89 = arith.constant 7 : i32
      %shift_right_arithmetic3A_90 = vector.broadcast %shift_right_arithmetic3A_89 : i32 to vector<16xi32>
      %shift_right_arithmetic3A_91 = arith.shrsi %get3A_88, %shift_right_arithmetic3A_90 : vector<16xi32>
      %mul3A_92 = arith.constant 2048 : i32
      %mul3A_93 = vector.broadcast %mul3A_92 : i32 to vector<16xi32>
      %mul3A_94 = arith.muli %shift_right_arithmetic3A_91, %mul3A_93 : vector<16xi32>
      %and3A_95 = arith.constant 127 : i32
      %and3A_96 = vector.broadcast %and3A_95 : i32 to vector<16xi32>
      %and3A_97 = arith.andi %get3A_88, %and3A_96 : vector<16xi32>
      %add3A_98 = arith.addi %mul3A_94, %and3A_97 : vector<16xi32>
      %swap3A_99 = arith.constant 32 : index
      %swap3A_100 = tpu.vector_load %arg10[%swap3A_99] {strides = array<i32>} : memref<128xi32, #tpu.memory_space<vmem>>, vector<16xi32>,
      tpu.vector_store %arg10[%swap3A_99], %add3A_98 {strides = array<i32>} : memref<128xi32, #tpu.memory_space<vmem>>, vector<16xi32>,
      %shift_right_arithmetic3A_101 = arith.constant 7 : i32
      %shift_right_arithmetic3A_102 = vector.broadcast %shift_right_arithmetic3A_101 : i32 to vector<16xi32>
      %shift_right_arithmetic3A_103 = arith.shrsi %get3A_88, %shift_right_arithmetic3A_102 : vector<16xi32>
      %mul3A_104 = arith.constant 2097152 : i32
      %mul3A_105 = vector.broadcast %mul3A_104 : i32 to vector<16xi32>
      %mul3A_106 = arith.muli %shift_right_arithmetic3A_103, %mul3A_105 : vector<16xi32>
      %mul3A_107 = arith.constant 128 : i32
      %mul3A_108 = arith.muli %add3A_8, %mul3A_107 : i32
      %add3A_109 = vector.broadcast %mul3A_108 : i32 to vector<16xi32>
      %add3A_110 = arith.addi %mul3A_106, %add3A_109 : vector<16xi32>
      %and3A_111 = arith.constant 127 : i32
      %and3A_112 = vector.broadcast %and3A_111 : i32 to vector<16xi32>
      %and3A_113 = arith.andi %get3A_88, %and3A_112 : vector<16xi32>
      %add3A_114 = arith.addi %add3A_110, %and3A_113 : vector<16xi32>
      %swap3A_115 = arith.constant 32 : index
      %swap3A_116 = tpu.vector_load %arg11[%swap3A_115] {strides = array<i32>} : memref<128xi32, #tpu.memory_space<vmem>>, vector<16xi32>,
      tpu.vector_store %arg11[%swap3A_115], %add3A_114 {strides = array<i32>} : memref<128xi32, #tpu.memory_space<vmem>>, vector<16xi32>,
      %get3A_117 = arith.constant 48 : index
      %get3A_118 = tpu.vector_load %arg8[%get3A_117] {strides = array<i32>} : memref<128xi32, #tpu.memory_space<vmem>>, vector<16xi32>,
      %shift_right_arithmetic3A_119 = arith.constant 7 : i32
      %shift_right_arithmetic3A_120 = vector.broadcast %shift_right_arithmetic3A_119 : i32 to vector<16xi32>
      %shift_right_arithmetic3A_121 = arith.shrsi %get3A_118, %shift_right_arithmetic3A_120 : vector<16xi32>
      %mul3A_122 = arith.constant 2048 : i32
      %mul3A_123 = vector.broadcast %mul3A_122 : i32 to vector<16xi32>
      %mul3A_124 = arith.muli %shift_right_arithmetic3A_121, %mul3A_123 : vector<16xi32>
      %and3A_125 = arith.constant 127 : i32
      %and3A_126 = vector.broadcast %and3A_125 : i32 to vector<16xi32>
      %and3A_127 = arith.andi %get3A_118, %and3A_126 : vector<16xi32>
      %add3A_128 = arith.addi %mul3A_124, %and3A_127 : vector<16xi32>
      %swap3A_129 = arith.constant 48 : index
      %swap3A_130 = tpu.vector_load %arg10[%swap3A_129] {strides = array<i32>} : memref<128xi32, #tpu.memory_space<vmem>>, vector<16xi32>,
      tpu.vector_store %arg10[%swap3A_129], %add3A_128 {strides = array<i32>} : memref<128xi32, #tpu.memory_space<vmem>>, vector<16xi32>,
      %shift_right_arithmetic3A_131 = arith.constant 7 : i32
      %shift_right_arithmetic3A_132 = vector.broadcast %shift_right_arithmetic3A_131 : i32 to vector<16xi32>
      %shift_right_arithmetic3A_133 = arith.shrsi %get3A_118, %shift_right_arithmetic3A_132 : vector<16xi32>
      %mul3A_134 = arith.constant 2097152 : i32
      %mul3A_135 = vector.broadcast %mul3A_134 : i32 to vector<16xi32>
      %mul3A_136 = arith.muli %shift_right_arithmetic3A_133, %mul3A_135 : vector<16xi32>
      %mul3A_137 = arith.constant 128 : i32
      %mul3A_138 = arith.muli %add3A_8, %mul3A_137 : i32
      %add3A_139 = vector.broadcast %mul3A_138 : i32 to vector<16xi32>
      %add3A_140 = arith.addi %mul3A_136, %add3A_139 : vector<16xi32>
      %and3A_141 = arith.constant 127 : i32
      %and3A_142 = vector.broadcast %and3A_141 : i32 to vector<16xi32>
      %and3A_143 = arith.andi %get3A_118, %and3A_142 : vector<16xi32>
      %add3A_144 = arith.addi %add3A_140, %and3A_143 : vector<16xi32>
      %swap3A_145 = arith.constant 48 : index
      %swap3A_146 = tpu.vector_load %arg11[%swap3A_145] {strides = array<i32>} : memref<128xi32, #tpu.memory_space<vmem>>, vector<16xi32>,
      tpu.vector_store %arg11[%swap3A_145], %add3A_144 {strides = array<i32>} : memref<128xi32, #tpu.memory_space<vmem>>, vector<16xi32>,
      %get3A_147 = arith.constant 64 : index
      %get3A_148 = tpu.vector_load %arg8[%get3A_147] {strides = array<i32>} : memref<128xi32, #tpu.memory_space<vmem>>, vector<16xi32>,
      %shift_right_arithmetic3A_149 = arith.constant 7 : i32
      %shift_right_arithmetic3A_150 = vector.broadcast %shift_right_arithmetic3A_149 : i32 to vector<16xi32>
      %shift_right_arithmetic3A_151 = arith.shrsi %get3A_148, %shift_right_arithmetic3A_150 : vector<16xi32>
      %mul3A_152 = arith.constant 2048 : i32
      %mul3A_153 = vector.broadcast %mul3A_152 : i32 to vector<16xi32>
      %mul3A_154 = arith.muli %shift_right_arithmetic3A_151, %mul3A_153 : vector<16xi32>
      %and3A_155 = arith.constant 127 : i32
      %and3A_156 = vector.broadcast %and3A_155 : i32 to vector<16xi32>
      %and3A_157 = arith.andi %get3A_148, %and3A_156 : vector<16xi32>
      %add3A_158 = arith.addi %mul3A_154, %and3A_157 : vector<16xi32>
      %swap3A_159 = arith.constant 64 : index
      %swap3A_160 = tpu.vector_load %arg10[%swap3A_159] {strides = array<i32>} : memref<128xi32, #tpu.memory_space<vmem>>, vector<16xi32>,
      tpu.vector_store %arg10[%swap3A_159], %add3A_158 {strides = array<i32>} : memref<128xi32, #tpu.memory_space<vmem>>, vector<16xi32>,
      %shift_right_arithmetic3A_161 = arith.constant 7 : i32
      %shift_right_arithmetic3A_162 = vector.broadcast %shift_right_arithmetic3A_161 : i32 to vector<16xi32>
      %shift_right_arithmetic3A_163 = arith.shrsi %get3A_148, %shift_right_arithmetic3A_162 : vector<16xi32>
      %mul3A_164 = arith.constant 2097152 : i32
      %mul3A_165 = vector.broadcast %mul3A_164 : i32 to vector<16xi32>
      %mul3A_166 = arith.muli %shift_right_arithmetic3A_163, %mul3A_165 : vector<16xi32>
      %mul3A_167 = arith.constant 128 : i32
      %mul3A_168 = arith.muli %add3A_8, %mul3A_167 : i32
      %add3A_169 = vector.broadcast %mul3A_168 : i32 to vector<16xi32>
      %add3A_170 = arith.addi %mul3A_166, %add3A_169 : vector<16xi32>
      %and3A_171 = arith.constant 127 : i32
      %and3A_172 = vector.broadcast %and3A_171 : i32 to vector<16xi32>
      %and3A_173 = arith.andi %get3A_148, %and3A_172 : vector<16xi32>
      %add3A_174 = arith.addi %add3A_170, %and3A_173 : vector<16xi32>
      %swap3A_175 = arith.constant 64 : index
      %swap3A_176 = tpu.vector_load %arg11[%swap3A_175] {strides = array<i32>} : memref<128xi32, #tpu.memory_space<vmem>>, vector<16xi32>,
      tpu.vector_store %arg11[%swap3A_175], %add3A_174 {strides = array<i32>} : memref<128xi32, #tpu.memory_space<vmem>>, vector<16xi32>,
      %get3A_177 = arith.constant 80 : index
      %get3A_178 = tpu.vector_load %arg8[%get3A_177] {strides = array<i32>} : memref<128xi32, #tpu.memory_space<vmem>>, vector<16xi32>,
      %shift_right_arithmetic3A_179 = arith.constant 7 : i32
      %shift_right_arithmetic3A_180 = vector.broadcast %shift_right_arithmetic3A_179 : i32 to vector<16xi32>
      %shift_right_arithmetic3A_181 = arith.shrsi %get3A_178, %shift_right_arithmetic3A_180 : vector<16xi32>
      %mul3A_182 = arith.constant 2048 : i32
      %mul3A_183 = vector.broadcast %mul3A_182 : i32 to vector<16xi32>
      %mul3A_184 = arith.muli %shift_right_arithmetic3A_181, %mul3A_183 : vector<16xi32>
      %and3A_185 = arith.constant 127 : i32
      %and3A_186 = vector.broadcast %and3A_185 : i32 to vector<16xi32>
      %and3A_187 = arith.andi %get3A_178, %and3A_186 : vector<16xi32>
      %add3A_188 = arith.addi %mul3A_184, %and3A_187 : vector<16xi32>
      %swap3A_189 = arith.constant 80 : index
      %swap3A_190 = tpu.vector_load %arg10[%swap3A_189] {strides = array<i32>} : memref<128xi32, #tpu.memory_space<vmem>>, vector<16xi32>,
      tpu.vector_store %arg10[%swap3A_189], %add3A_188 {strides = array<i32>} : memref<128xi32, #tpu.memory_space<vmem>>, vector<16xi32>,
      %shift_right_arithmetic3A_191 = arith.constant 7 : i32
      %shift_right_arithmetic3A_192 = vector.broadcast %shift_right_arithmetic3A_191 : i32 to vector<16xi32>
      %shift_right_arithmetic3A_193 = arith.shrsi %get3A_178, %shift_right_arithmetic3A_192 : vector<16xi32>
      %mul3A_194 = arith.constant 2097152 : i32
      %mul3A_195 = vector.broadcast %mul3A_194 : i32 to vector<16xi32>
      %mul3A_196 = arith.muli %shift_right_arithmetic3A_193, %mul3A_195 : vector<16xi32>
      %mul3A_197 = arith.constant 128 : i32
      %mul3A_198 = arith.muli %add3A_8, %mul3A_197 : i32
      %add3A_199 = vector.broadcast %mul3A_198 : i32 to vector<16xi32>
      %add3A_200 = arith.addi %mul3A_196, %add3A_199 : vector<16xi32>
      %and3A_201 = arith.constant 127 : i32
      %and3A_202 = vector.broadcast %and3A_201 : i32 to vector<16xi32>
      %and3A_203 = arith.andi %get3A_178, %and3A_202 : vector<16xi32>
      %add3A_204 = arith.addi %add3A_200, %and3A_203 : vector<16xi32>
      %swap3A_205 = arith.constant 80 : index
      %swap3A_206 = tpu.vector_load %arg11[%swap3A_205] {strides = array<i32>} : memref<128xi32, #tpu.memory_space<vmem>>, vector<16xi32>,
      tpu.vector_store %arg11[%swap3A_205], %add3A_204 {strides = array<i32>} : memref<128xi32, #tpu.memory_space<vmem>>, vector<16xi32>,
      %get3A_207 = arith.constant 96 : index
      %get3A_208 = tpu.vector_load %arg8[%get3A_207] {strides = array<i32>} : memref<128xi32, #tpu.memory_space<vmem>>, vector<16xi32>,
      %shift_right_arithmetic3A_209 = arith.constant 7 : i32
      %shift_right_arithmetic3A_210 = vector.broadcast %shift_right_arithmetic3A_209 : i32 to vector<16xi32>
      %shift_right_arithmetic3A_211 = arith.shrsi %get3A_208, %shift_right_arithmetic3A_210 : vector<16xi32>
      %mul3A_212 = arith.constant 2048 : i32
      %mul3A_213 = vector.broadcast %mul3A_212 : i32 to vector<16xi32>
      %mul3A_214 = arith.muli %shift_right_arithmetic3A_211, %mul3A_213 : vector<16xi32>
      %and3A_215 = arith.constant 127 : i32
      %and3A_216 = vector.broadcast %and3A_215 : i32 to vector<16xi32>
      %and3A_217 = arith.andi %get3A_208, %and3A_216 : vector<16xi32>
      %add3A_218 = arith.addi %mul3A_214, %and3A_217 : vector<16xi32>
      %swap3A_219 = arith.constant 96 : index
      %swap3A_220 = tpu.vector_load %arg10[%swap3A_219] {strides = array<i32>} : memref<128xi32, #tpu.memory_space<vmem>>, vector<16xi32>,
      tpu.vector_store %arg10[%swap3A_219], %add3A_218 {strides = array<i32>} : memref<128xi32, #tpu.memory_space<vmem>>, vector<16xi32>,
      %shift_right_arithmetic3A_221 = arith.constant 7 : i32
      %shift_right_arithmetic3A_222 = vector.broadcast %shift_right_arithmetic3A_221 : i32 to vector<16xi32>
      %shift_right_arithmetic3A_223 = arith.shrsi %get3A_208, %shift_right_arithmetic3A_222 : vector<16xi32>
      %mul3A_224 = arith.constant 2097152 : i32
      %mul3A_225 = vector.broadcast %mul3A_224 : i32 to vector<16xi32>
      %mul3A_226 = arith.muli %shift_right_arithmetic3A_223, %mul3A_225 : vector<16xi32>
      %mul3A_227 = arith.constant 128 : i32
      %mul3A_228 = arith.muli %add3A_8, %mul3A_227 : i32
      %add3A_229 = vector.broadcast %mul3A_228 : i32 to vector<16xi32>
      %add3A_230 = arith.addi %mul3A_226, %add3A_229 : vector<16xi32>
      %and3A_231 = arith.constant 127 : i32
      %and3A_232 = vector.broadcast %and3A_231 : i32 to vector<16xi32>
      %and3A_233 = arith.andi %get3A_208, %and3A_232 : vector<16xi32>
      %add3A_234 = arith.addi %add3A_230, %and3A_233 : vector<16xi32>
      %swap3A_235 = arith.constant 96 : index
      %swap3A_236 = tpu.vector_load %arg11[%swap3A_235] {strides = array<i32>} : memref<128xi32, #tpu.memory_space<vmem>>, vector<16xi32>,
      tpu.vector_store %arg11[%swap3A_235], %add3A_234 {strides = array<i32>} : memref<128xi32, #tpu.memory_space<vmem>>, vector<16xi32>,
      %get3A_237 = arith.constant 112 : index
      %get3A_238 = tpu.vector_load %arg8[%get3A_237] {strides = array<i32>} : memref<128xi32, #tpu.memory_space<vmem>>, vector<16xi32>,
      %shift_right_arithmetic3A_239 = arith.constant 7 : i32
      %shift_right_arithmetic3A_240 = vector.broadcast %shift_right_arithmetic3A_239 : i32 to vector<16xi32>
      %shift_right_arithmetic3A_241 = arith.shrsi %get3A_238, %shift_right_arithmetic3A_240 : vector<16xi32>
      %mul3A_242 = arith.constant 2048 : i32
      %mul3A_243 = vector.broadcast %mul3A_242 : i32 to vector<16xi32>
      %mul3A_244 = arith.muli %shift_right_arithmetic3A_241, %mul3A_243 : vector<16xi32>
      %and3A_245 = arith.constant 127 : i32
      %and3A_246 = vector.broadcast %and3A_245 : i32 to vector<16xi32>
      %and3A_247 = arith.andi %get3A_238, %and3A_246 : vector<16xi32>
      %add3A_248 = arith.addi %mul3A_244, %and3A_247 : vector<16xi32>
      %swap3A_249 = arith.constant 112 : index
      %swap3A_250 = tpu.vector_load %arg10[%swap3A_249] {strides = array<i32>} : memref<128xi32, #tpu.memory_space<vmem>>, vector<16xi32>,
      tpu.vector_store %arg10[%swap3A_249], %add3A_248 {strides = array<i32>} : memref<128xi32, #tpu.memory_space<vmem>>, vector<16xi32>,
      %shift_right_arithmetic3A_251 = arith.constant 7 : i32
      %shift_right_arithmetic3A_252 = vector.broadcast %shift_right_arithmetic3A_251 : i32 to vector<16xi32>
      %shift_right_arithmetic3A_253 = arith.shrsi %get3A_238, %shift_right_arithmetic3A_252 : vector<16xi32>
      %mul3A_254 = arith.constant 2097152 : i32
      %mul3A_255 = vector.broadcast %mul3A_254 : i32 to vector<16xi32>
      %mul3A_256 = arith.muli %shift_right_arithmetic3A_253, %mul3A_255 : vector<16xi32>
      %mul3A_257 = arith.constant 128 : i32
      %mul3A_258 = arith.muli %add3A_8, %mul3A_257 : i32
      %add3A_259 = vector.broadcast %mul3A_258 : i32 to vector<16xi32>
      %add3A_260 = arith.addi %mul3A_256, %add3A_259 : vector<16xi32>
      %and3A_261 = arith.constant 127 : i32
      %and3A_262 = vector.broadcast %and3A_261 : i32 to vector<16xi32>
      %and3A_263 = arith.andi %get3A_238, %and3A_262 : vector<16xi32>
      %add3A_264 = arith.addi %add3A_260, %and3A_263 : vector<16xi32>
      %swap3A_265 = arith.constant 112 : index
      %swap3A_266 = tpu.vector_load %arg11[%swap3A_265] {strides = array<i32>} : memref<128xi32, #tpu.memory_space<vmem>>, vector<16xi32>,
      tpu.vector_store %arg11[%swap3A_265], %add3A_264 {strides = array<i32>} : memref<128xi32, #tpu.memory_space<vmem>>, vector<16xi32>,
      %get3A_267 = arith.constant 0 : index
      %get3A_268 = tpu.vector_load %arg11[%get3A_267] {strides = array<i32>} : memref<128xi32, #tpu.memory_space<vmem>>, vector<16xi32>,
      %add3A_269 = arith.constant 0 : i32
      %add3A_270 = vector.broadcast %add3A_269 : i32 to vector<16xi32>
      %add3A_271 = arith.addi %get3A_268, %add3A_270 : vector<16xi32>
      %swap3A_272 = arith.constant 0 : index
      %swap3A_273 = tpu.vector_load %arg12[%swap3A_272] {strides = array<i32>} : memref<2048xi32, #tpu.memory_space<vmem>>, vector<16xi32>,
      tpu.vector_store %arg12[%swap3A_272], %add3A_271 {strides = array<i32>} : memref<2048xi32, #tpu.memory_space<vmem>>, vector<16xi32>,
      %get3A_274 = arith.constant 16 : index
      %get3A_275 = tpu.vector_load %arg11[%get3A_274] {strides = array<i32>} : memref<128xi32, #tpu.memory_space<vmem>>, vector<16xi32>,
      %add3A_276 = arith.constant 0 : i32
      %add3A_277 = vector.broadcast %add3A_276 : i32 to vector<16xi32>
      %add3A_278 = arith.addi %get3A_275, %add3A_277 : vector<16xi32>
      %swap3A_279 = arith.constant 16 : index
      %swap3A_280 = tpu.vector_load %arg12[%swap3A_279] {strides = array<i32>} : memref<2048xi32, #tpu.memory_space<vmem>>, vector<16xi32>,
      tpu.vector_store %arg12[%swap3A_279], %add3A_278 {strides = array<i32>} : memref<2048xi32, #tpu.memory_space<vmem>>, vector<16xi32>,
      %get3A_281 = arith.constant 32 : index
      %get3A_282 = tpu.vector_load %arg11[%get3A_281] {strides = array<i32>} : memref<128xi32, #tpu.memory_space<vmem>>, vector<16xi32>,
      %add3A_283 = arith.constant 0 : i32
      %add3A_284 = vector.broadcast %add3A_283 : i32 to vector<16xi32>
      %add3A_285 = arith.addi %get3A_282, %add3A_284 : vector<16xi32>
      %swap3A_286 = arith.constant 32 : index
      %swap3A_287 = tpu.vector_load %arg12[%swap3A_286] {strides = array<i32>} : memref<2048xi32, #tpu.memory_space<vmem>>, vector<16xi32>,
      tpu.vector_store %arg12[%swap3A_286], %add3A_285 {strides = array<i32>} : memref<2048xi32, #tpu.memory_space<vmem>>, vector<16xi32>,
      %get3A_288 = arith.constant 48 : index
      %get3A_289 = tpu.vector_load %arg11[%get3A_288] {strides = array<i32>} : memref<128xi32, #tpu.memory_space<vmem>>, vector<16xi32>,
      %add3A_290 = arith.constant 0 : i32
      %add3A_291 = vector.broadcast %add3A_290 : i32 to vector<16xi32>
      %add3A_292 = arith.addi %get3A_289, %add3A_291 : vector<16xi32>
      %swap3A_293 = arith.constant 48 : index
      %swap3A_294 = tpu.vector_load %arg12[%swap3A_293] {strides = array<i32>} : memref<2048xi32, #tpu.memory_space<vmem>>, vector<16xi32>,
      tpu.vector_store %arg12[%swap3A_293], %add3A_292 {strides = array<i32>} : memref<2048xi32, #tpu.memory_space<vmem>>, vector<16xi32>,
      %get3A_295 = arith.constant 64 : index
      %get3A_296 = tpu.vector_load %arg11[%get3A_295] {strides = array<i32>} : memref<128xi32, #tpu.memory_space<vmem>>, vector<16xi32>,
      %add3A_297 = arith.constant 0 : i32
      %add3A_298 = vector.broadcast %add3A_297 : i32 to vector<16xi32>
      %add3A_299 = arith.addi %get3A_296, %add3A_298 : vector<16xi32>
      %swap3A_300 = arith.constant 64 : index
      %swap3A_301 = tpu.vector_load %arg12[%swap3A_300] {strides = array<i32>} : memref<2048xi32, #tpu.memory_space<vmem>>, vector<16xi32>,
      tpu.vector_store %arg12[%swap3A_300], %add3A_299 {strides = array<i32>} : memref<2048xi32, #tpu.memory_space<vmem>>, vector<16xi32>,
      %get3A_302 = arith.constant 80 : index
      %get3A_303 = tpu.vector_load %arg11[%get3A_302] {strides = array<i32>} : memref<128xi32, #tpu.memory_space<vmem>>, vector<16xi32>,
      %add3A_304 = arith.constant 0 : i32
      %add3A_305 = vector.broadcast %add3A_304 : i32 to vector<16xi32>
      %add3A_306 = arith.addi %get3A_303, %add3A_305 : vector<16xi32>
      %swap3A_307 = arith.constant 80 : index
      %swap3A_308 = tpu.vector_load %arg12[%swap3A_307] {strides = array<i32>} : memref<2048xi32, #tpu.memory_space<vmem>>, vector<16xi32>,
      tpu.vector_store %arg12[%swap3A_307], %add3A_306 {strides = array<i32>} : memref<2048xi32, #tpu.memory_space<vmem>>, vector<16xi32>,
      %get3A_309 = arith.constant 96 : index
      %get3A_310 = tpu.vector_load %arg11[%get3A_309] {strides = array<i32>} : memref<128xi32, #tpu.memory_space<vmem>>, vector<16xi32>,
      %add3A_311 = arith.constant 0 : i32
      %add3A_312 = vector.broadcast %add3A_311 : i32 to vector<16xi32>
      %add3A_313 = arith.addi %get3A_310, %add3A_312 : vector<16xi32>
      %swap3A_314 = arith.constant 96 : index
      %swap3A_315 = tpu.vector_load %arg12[%swap3A_314] {strides = array<i32>} : memref<2048xi32, #tpu.memory_space<vmem>>, vector<16xi32>,
      tpu.vector_store %arg12[%swap3A_314], %add3A_313 {strides = array<i32>} : memref<2048xi32, #tpu.memory_space<vmem>>, vector<16xi32>,
      %get3A_316 = arith.constant 112 : index
      %get3A_317 = tpu.vector_load %arg11[%get3A_316] {strides = array<i32>} : memref<128xi32, #tpu.memory_space<vmem>>, vector<16xi32>,
      %add3A_318 = arith.constant 0 : i32
      %add3A_319 = vector.broadcast %add3A_318 : i32 to vector<16xi32>
      %add3A_320 = arith.addi %get3A_317, %add3A_319 : vector<16xi32>
      %swap3A_321 = arith.constant 112 : index
      %swap3A_322 = tpu.vector_load %arg12[%swap3A_321] {strides = array<i32>} : memref<2048xi32, #tpu.memory_space<vmem>>, vector<16xi32>,
      tpu.vector_store %arg12[%swap3A_321], %add3A_320 {strides = array<i32>} : memref<2048xi32, #tpu.memory_space<vmem>>, vector<16xi32>,
      %get3A_323 = arith.constant 0 : index
      %get3A_324 = tpu.vector_load %arg11[%get3A_323] {strides = array<i32>} : memref<128xi32, #tpu.memory_space<vmem>>, vector<16xi32>,
      %add3A_325 = arith.constant 131072 : i32
      %add3A_326 = vector.broadcast %add3A_325 : i32 to vector<16xi32>
      %add3A_327 = arith.addi %get3A_324, %add3A_326 : vector<16xi32>
      %swap3A_328 = arith.constant 128 : index
      %swap3A_329 = tpu.vector_load %arg12[%swap3A_328] {strides = array<i32>} : memref<2048xi32, #tpu.memory_space<vmem>>, vector<16xi32>,
      tpu.vector_store %arg12[%swap3A_328], %add3A_327 {strides = array<i32>} : memref<2048xi32, #tpu.memory_space<vmem>>, vector<16xi32>,
      %get3A_330 = arith.constant 16 : index
      %get3A_331 = tpu.vector_load %arg11[%get3A_330] {strides = array<i32>} : memref<128xi32, #tpu.memory_space<vmem>>, vector<16xi32>,
      %add3A_332 = arith.constant 131072 : i32
      %add3A_333 = vector.broadcast %add3A_332 : i32 to vector<16xi32>
      %add3A_334 = arith.addi %get3A_331, %add3A_333 : vector<16xi32>
      %swap3A_335 = arith.constant 144 : index
      %swap3A_336 = tpu.vector_load %arg12[%swap3A_335] {strides = array<i32>} : memref<2048xi32, #tpu.memory_space<vmem>>, vector<16xi32>,
      tpu.vector_store %arg12[%swap3A_335], %add3A_334 {strides = array<i32>} : memref<2048xi32, #tpu.memory_space<vmem>>, vector<16xi32>,
      %get3A_337 = arith.constant 32 : index
      %get3A_338 = tpu.vector_load %arg11[%get3A_337] {strides = array<i32>} : memref<128xi32, #tpu.memory_space<vmem>>, vector<16xi32>,
      %add3A_339 = arith.constant 131072 : i32
      %add3A_340 = vector.broadcast %add3A_339 : i32 to vector<16xi32>
      %add3A_341 = arith.addi %get3A_338, %add3A_340 : vector<16xi32>
      %swap3A_342 = arith.constant 160 : index
      %swap3A_343 = tpu.vector_load %arg12[%swap3A_342] {strides = array<i32>} : memref<2048xi32, #tpu.memory_space<vmem>>, vector<16xi32>,
      tpu.vector_store %arg12[%swap3A_342], %add3A_341 {strides = array<i32>} : memref<2048xi32, #tpu.memory_space<vmem>>, vector<16xi32>,
      %get3A_344 = arith.constant 48 : index
      %get3A_345 = tpu.vector_load %arg11[%get3A_344] {strides = array<i32>} : memref<128xi32, #tpu.memory_space<vmem>>, vector<16xi32>,
      %add3A_346 = arith.constant 131072 : i32
      %add3A_347 = vector.broadcast %add3A_346 : i32 to vector<16xi32>
      %add3A_348 = arith.addi %get3A_345, %add3A_347 : vector<16xi32>
      %swap3A_349 = arith.constant 176 : index
      %swap3A_350 = tpu.vector_load %arg12[%swap3A_349] {strides = array<i32>} : memref<2048xi32, #tpu.memory_space<vmem>>, vector<16xi32>,
      tpu.vector_store %arg12[%swap3A_349], %add3A_348 {strides = array<i32>} : memref<2048xi32, #tpu.memory_space<vmem>>, vector<16xi32>,
      %get3A_351 = arith.constant 64 : index
      %get3A_352 = tpu.vector_load %arg11[%get3A_351] {strides = array<i32>} : memref<128xi32, #tpu.memory_space<vmem>>, vector<16xi32>,
      %add3A_353 = arith.constant 131072 : i32
      %add3A_354 = vector.broadcast %add3A_353 : i32 to vector<16xi32>
      %add3A_355 = arith.addi %get3A_352, %add3A_354 : vector<16xi32>
      %swap3A_356 = arith.constant 192 : index
      %swap3A_357 = tpu.vector_load %arg12[%swap3A_356] {strides = array<i32>} : memref<2048xi32, #tpu.memory_space<vmem>>, vector<16xi32>,
      tpu.vector_store %arg12[%swap3A_356], %add3A_355 {strides = array<i32>} : memref<2048xi32, #tpu.memory_space<vmem>>, vector<16xi32>,
      %get3A_358 = arith.constant 80 : index
      %get3A_359 = tpu.vector_load %arg11[%get3A_358] {strides = array<i32>} : memref<128xi32, #tpu.memory_space<vmem>>, vector<16xi32>,
      %add3A_360 = arith.constant 131072 : i32
      %add3A_361 = vector.broadcast %add3A_360 : i32 to vector<16xi32>
      %add3A_362 = arith.addi %get3A_359, %add3A_361 : vector<16xi32>
      %swap3A_363 = arith.constant 208 : index
      %swap3A_364 = tpu.vector_load %arg12[%swap3A_363] {strides = array<i32>} : memref<2048xi32, #tpu.memory_space<vmem>>, vector<16xi32>,
      tpu.vector_store %arg12[%swap3A_363], %add3A_362 {strides = array<i32>} : memref<2048xi32, #tpu.memory_space<vmem>>, vector<16xi32>,
      %get3A_365 = arith.constant 96 : index
      %get3A_366 = tpu.vector_load %arg11[%get3A_365] {strides = array<i32>} : memref<128xi32, #tpu.memory_space<vmem>>, vector<16xi32>,
      %add3A_367 = arith.constant 131072 : i32
      %add3A_368 = vector.broadcast %add3A_367 : i32 to vector<16xi32>
      %add3A_369 = arith.addi %get3A_366, %add3A_368 : vector<16xi32>
      %swap3A_370 = arith.constant 224 : index
      %swap3A_371 = tpu.vector_load %arg12[%swap3A_370] {strides = array<i32>} : memref<2048xi32, #tpu.memory_space<vmem>>, vector<16xi32>,
      tpu.vector_store %arg12[%swap3A_370], %add3A_369 {strides = array<i32>} : memref<2048xi32, #tpu.memory_space<vmem>>, vector<16xi32>,
      %get3A_372 = arith.constant 112 : index
      %get3A_373 = tpu.vector_load %arg11[%get3A_372] {strides = array<i32>} : memref<128xi32, #tpu.memory_space<vmem>>, vector<16xi32>,
      %add3A_374 = arith.constant 131072 : i32
      %add3A_375 = vector.broadcast %add3A_374 : i32 to vector<16xi32>
      %add3A_376 = arith.addi %get3A_373, %add3A_375 : vector<16xi32>
      %swap3A_377 = arith.constant 240 : index
      %swap3A_378 = tpu.vector_load %arg12[%swap3A_377] {strides = array<i32>} : memref<2048xi32, #tpu.memory_space<vmem>>, vector<16xi32>,
      tpu.vector_store %arg12[%swap3A_377], %add3A_376 {strides = array<i32>} : memref<2048xi32, #tpu.memory_space<vmem>>, vector<16xi32>,
      %get3A_379 = arith.constant 0 : index
      %get3A_380 = tpu.vector_load %arg11[%get3A_379] {strides = array<i32>} : memref<128xi32, #tpu.memory_space<vmem>>, vector<16xi32>,
      %add3A_381 = arith.constant 262144 : i32
      %add3A_382 = vector.broadcast %add3A_381 : i32 to vector<16xi32>
      %add3A_383 = arith.addi %get3A_380, %add3A_382 : vector<16xi32>
      %swap3A_384 = arith.constant 256 : index
      %swap3A_385 = tpu.vector_load %arg12[%swap3A_384] {strides = array<i32>} : memref<2048xi32, #tpu.memory_space<vmem>>, vector<16xi32>,
      tpu.vector_store %arg12[%swap3A_384], %add3A_383 {strides = array<i32>} : memref<2048xi32, #tpu.memory_space<vmem>>, vector<16xi32>,
      %get3A_386 = arith.constant 16 : index
      %get3A_387 = tpu.vector_load %arg11[%get3A_386] {strides = array<i32>} : memref<128xi32, #tpu.memory_space<vmem>>, vector<16xi32>,
      %add3A_388 = arith.constant 262144 : i32
      %add3A_389 = vector.broadcast %add3A_388 : i32 to vector<16xi32>
      %add3A_390 = arith.addi %get3A_387, %add3A_389 : vector<16xi32>
      %swap3A_391 = arith.constant 272 : index
      %swap3A_392 = tpu.vector_load %arg12[%swap3A_391] {strides = array<i32>} : memref<2048xi32, #tpu.memory_space<vmem>>, vector<16xi32>,
      tpu.vector_store %arg12[%swap3A_391], %add3A_390 {strides = array<i32>} : memref<2048xi32, #tpu.memory_space<vmem>>, vector<16xi32>,
      %get3A_393 = arith.constant 32 : index
      %get3A_394 = tpu.vector_load %arg11[%get3A_393] {strides = array<i32>} : memref<128xi32, #tpu.memory_space<vmem>>, vector<16xi32>,
      %add3A_395 = arith.constant 262144 : i32
      %add3A_396 = vector.broadcast %add3A_395 : i32 to vector<16xi32>
      %add3A_397 = arith.addi %get3A_394, %add3A_396 : vector<16xi32>
      %swap3A_398 = arith.constant 288 : index
      %swap3A_399 = tpu.vector_load %arg12[%swap3A_398] {strides = array<i32>} : memref<2048xi32, #tpu.memory_space<vmem>>, vector<16xi32>,
      tpu.vector_store %arg12[%swap3A_398], %add3A_397 {strides = array<i32>} : memref<2048xi32, #tpu.memory_space<vmem>>, vector<16xi32>,
      %get3A_400 = arith.constant 48 : index
      %get3A_401 = tpu.vector_load %arg11[%get3A_400] {strides = array<i32>} : memref<128xi32, #tpu.memory_space<vmem>>, vector<16xi32>,
      %add3A_402 = arith.constant 262144 : i32
      %add3A_403 = vector.broadcast %add3A_402 : i32 to vector<16xi32>
      %add3A_404 = arith.addi %get3A_401, %add3A_403 : vector<16xi32>
      %swap3A_405 = arith.constant 304 : index
      %swap3A_406 = tpu.vector_load %arg12[%swap3A_405] {strides = array<i32>} : memref<2048xi32, #tpu.memory_space<vmem>>, vector<16xi32>,
      tpu.vector_store %arg12[%swap3A_405], %add3A_404 {strides = array<i32>} : memref<2048xi32, #tpu.memory_space<vmem>>, vector<16xi32>,
      %get3A_407 = arith.constant 64 : index
      %get3A_408 = tpu.vector_load %arg11[%get3A_407] {strides = array<i32>} : memref<128xi32, #tpu.memory_space<vmem>>, vector<16xi32>,
      %add3A_409 = arith.constant 262144 : i32
      %add3A_410 = vector.broadcast %add3A_409 : i32 to vector<16xi32>
      %add3A_411 = arith.addi %get3A_408, %add3A_410 : vector<16xi32>
      %swap3A_412 = arith.constant 320 : index
      %swap3A_413 = tpu.vector_load %arg12[%swap3A_412] {strides = array<i32>} : memref<2048xi32, #tpu.memory_space<vmem>>, vector<16xi32>,
      tpu.vector_store %arg12[%swap3A_412], %add3A_411 {strides = array<i32>} : memref<2048xi32, #tpu.memory_space<vmem>>, vector<16xi32>,
      %get3A_414 = arith.constant 80 : index
      %get3A_415 = tpu.vector_load %arg11[%get3A_414] {strides = array<i32>} : memref<128xi32, #tpu.memory_space<vmem>>, vector<16xi32>,
      %add3A_416 = arith.constant 262144 : i32
      %add3A_417 = vector.broadcast %add3A_416 : i32 to vector<16xi32>
      %add3A_418 = arith.addi %get3A_415, %add3A_417 : vector<16xi32>
      %swap3A_419 = arith.constant 336 : index
      %swap3A_420 = tpu.vector_load %arg12[%swap3A_419] {strides = array<i32>} : memref<2048xi32, #tpu.memory_space<vmem>>, vector<16xi32>,
      tpu.vector_store %arg12[%swap3A_419], %add3A_418 {strides = array<i32>} : memref<2048xi32, #tpu.memory_space<vmem>>, vector<16xi32>,
      %get3A_421 = arith.constant 96 : index
      %get3A_422 = tpu.vector_load %arg11[%get3A_421] {strides = array<i32>} : memref<128xi32, #tpu.memory_space<vmem>>, vector<16xi32>,
      %add3A_423 = arith.constant 262144 : i32
      %add3A_424 = vector.broadcast %add3A_423 : i32 to vector<16xi32>
      %add3A_425 = arith.addi %get3A_422, %add3A_424 : vector<16xi32>
      %swap3A_426 = arith.constant 352 : index
      %swap3A_427 = tpu.vector_load %arg12[%swap3A_426] {strides = array<i32>} : memref<2048xi32, #tpu.memory_space<vmem>>, vector<16xi32>,
      tpu.vector_store %arg12[%swap3A_426], %add3A_425 {strides = array<i32>} : memref<2048xi32, #tpu.memory_space<vmem>>, vector<16xi32>,
      %get3A_428 = arith.constant 112 : index
      %get3A_429 = tpu.vector_load %arg11[%get3A_428] {strides = array<i32>} : memref<128xi32, #tpu.memory_space<vmem>>, vector<16xi32>,
      %add3A_430 = arith.constant 262144 : i32
      %add3A_431 = vector.broadcast %add3A_430 : i32 to vector<16xi32>
      %add3A_432 = arith.addi %get3A_429, %add3A_431 : vector<16xi32>
      %swap3A_433 = arith.constant 368 : index
      %swap3A_434 = tpu.vector_load %arg12[%swap3A_433] {strides = array<i32>} : memref<2048xi32, #tpu.memory_space<vmem>>, vector<16xi32>,
      tpu.vector_store %arg12[%swap3A_433], %add3A_432 {strides = array<i32>} : memref<2048xi32, #tpu.memory_space<vmem>>, vector<16xi32>,
      %get3A_435 = arith.constant 0 : index
      %get3A_436 = tpu.vector_load %arg11[%get3A_435] {strides = array<i32>} : memref<128xi32, #tpu.memory_space<vmem>>, vector<16xi32>,
      %add3A_437 = arith.constant 393216 : i32
      %add3A_438 = vector.broadcast %add3A_437 : i32 to vector<16xi32>
      %add3A_439 = arith.addi %get3A_436, %add3A_438 : vector<16xi32>
      %swap3A_440 = arith.constant 384 : index
      %swap3A_441 = tpu.vector_load %arg12[%swap3A_440] {strides = array<i32>} : memref<2048xi32, #tpu.memory_space<vmem>>, vector<16xi32>,
      tpu.vector_store %arg12[%swap3A_440], %add3A_439 {strides = array<i32>} : memref<2048xi32, #tpu.memory_space<vmem>>, vector<16xi32>,
      %get3A_442 = arith.constant 16 : index
      %get3A_443 = tpu.vector_load %arg11[%get3A_442] {strides = array<i32>} : memref<128xi32, #tpu.memory_space<vmem>>, vector<16xi32>,
      %add3A_444 = arith.constant 393216 : i32
      %add3A_445 = vector.broadcast %add3A_444 : i32 to vector<16xi32>
      %add3A_446 = arith.addi %get3A_443, %add3A_445 : vector<16xi32>
      %swap3A_447 = arith.constant 400 : index
      %swap3A_448 = tpu.vector_load %arg12[%swap3A_447] {strides = array<i32>} : memref<2048xi32, #tpu.memory_space<vmem>>, vector<16xi32>,
      tpu.vector_store %arg12[%swap3A_447], %add3A_446 {strides = array<i32>} : memref<2048xi32, #tpu.memory_space<vmem>>, vector<16xi32>,
      %get3A_449 = arith.constant 32 : index
      %get3A_450 = tpu.vector_load %arg11[%get3A_449] {strides = array<i32>} : memref<128xi32, #tpu.memory_space<vmem>>, vector<16xi32>,
      %add3A_451 = arith.constant 393216 : i32
      %add3A_452 = vector.broadcast %add3A_451 : i32 to vector<16xi32>
      %add3A_453 = arith.addi %get3A_450, %add3A_452 : vector<16xi32>
      %swap3A_454 = arith.constant 416 : index
      %swap3A_455 = tpu.vector_load %arg12[%swap3A_454] {strides = array<i32>} : memref<2048xi32, #tpu.memory_space<vmem>>, vector<16xi32>,
      tpu.vector_store %arg12[%swap3A_454], %add3A_453 {strides = array<i32>} : memref<2048xi32, #tpu.memory_space<vmem>>, vector<16xi32>,
      %get3A_456 = arith.constant 48 : index
      %get3A_457 = tpu.vector_load %arg11[%get3A_456] {strides = array<i32>} : memref<128xi32, #tpu.memory_space<vmem>>, vector<16xi32>,
      %add3A_458 = arith.constant 393216 : i32
      %add3A_459 = vector.broadcast %add3A_458 : i32 to vector<16xi32>
      %add3A_460 = arith.addi %get3A_457, %add3A_459 : vector<16xi32>
      %swap3A_461 = arith.constant 432 : index
      %swap3A_462 = tpu.vector_load %arg12[%swap3A_461] {strides = array<i32>} : memref<2048xi32, #tpu.memory_space<vmem>>, vector<16xi32>,
      tpu.vector_store %arg12[%swap3A_461], %add3A_460 {strides = array<i32>} : memref<2048xi32, #tpu.memory_space<vmem>>, vector<16xi32>,
      %get3A_463 = arith.constant 64 : index
      %get3A_464 = tpu.vector_load %arg11[%get3A_463] {strides = array<i32>} : memref<128xi32, #tpu.memory_space<vmem>>, vector<16xi32>,
      %add3A_465 = arith.constant 393216 : i32
      %add3A_466 = vector.broadcast %add3A_465 : i32 to vector<16xi32>
      %add3A_467 = arith.addi %get3A_464, %add3A_466 : vector<16xi32>
      %swap3A_468 = arith.constant 448 : index
      %swap3A_469 = tpu.vector_load %arg12[%swap3A_468] {strides = array<i32>} : memref<2048xi32, #tpu.memory_space<vmem>>, vector<16xi32>,
      tpu.vector_store %arg12[%swap3A_468], %add3A_467 {strides = array<i32>} : memref<2048xi32, #tpu.memory_space<vmem>>, vector<16xi32>,
      %get3A_470 = arith.constant 80 : index
      %get3A_471 = tpu.vector_load %arg11[%get3A_470] {strides = array<i32>} : memref<128xi32, #tpu.memory_space<vmem>>, vector<16xi32>,
      %add3A_472 = arith.constant 393216 : i32
      %add3A_473 = vector.broadcast %add3A_472 : i32 to vector<16xi32>
      %add3A_474 = arith.addi %get3A_471, %add3A_473 : vector<16xi32>
      %swap3A_475 = arith.constant 464 : index
      %swap3A_476 = tpu.vector_load %arg12[%swap3A_475] {strides = array<i32>} : memref<2048xi32, #tpu.memory_space<vmem>>, vector<16xi32>,
      tpu.vector_store %arg12[%swap3A_475], %add3A_474 {strides = array<i32>} : memref<2048xi32, #tpu.memory_space<vmem>>, vector<16xi32>,
      %get3A_477 = arith.constant 96 : index
      %get3A_478 = tpu.vector_load %arg11[%get3A_477] {strides = array<i32>} : memref<128xi32, #tpu.memory_space<vmem>>, vector<16xi32>,
      %add3A_479 = arith.constant 393216 : i32
      %add3A_480 = vector.broadcast %add3A_479 : i32 to vector<16xi32>
      %add3A_481 = arith.addi %get3A_478, %add3A_480 : vector<16xi32>
      %swap3A_482 = arith.constant 480 : index
      %swap3A_483 = tpu.vector_load %arg12[%swap3A_482] {strides = array<i32>} : memref<2048xi32, #tpu.memory_space<vmem>>, vector<16xi32>,
      tpu.vector_store %arg12[%swap3A_482], %add3A_481 {strides = array<i32>} : memref<2048xi32, #tpu.memory_space<vmem>>, vector<16xi32>,
      %get3A_484 = arith.constant 112 : index
      %get3A_485 = tpu.vector_load %arg11[%get3A_484] {strides = array<i32>} : memref<128xi32, #tpu.memory_space<vmem>>, vector<16xi32>,
      %add3A_486 = arith.constant 393216 : i32
      %add3A_487 = vector.broadcast %add3A_486 : i32 to vector<16xi32>
      %add3A_488 = arith.addi %get3A_485, %add3A_487 : vector<16xi32>
      %swap3A_489 = arith.constant 496 : index
      %swap3A_490 = tpu.vector_load %arg12[%swap3A_489] {strides = array<i32>} : memref<2048xi32, #tpu.memory_space<vmem>>, vector<16xi32>,
      tpu.vector_store %arg12[%swap3A_489], %add3A_488 {strides = array<i32>} : memref<2048xi32, #tpu.memory_space<vmem>>, vector<16xi32>,
      %get3A_491 = arith.constant 0 : index
      %get3A_492 = tpu.vector_load %arg11[%get3A_491] {strides = array<i32>} : memref<128xi32, #tpu.memory_space<vmem>>, vector<16xi32>,
      %add3A_493 = arith.constant 524288 : i32
      %add3A_494 = vector.broadcast %add3A_493 : i32 to vector<16xi32>
      %add3A_495 = arith.addi %get3A_492, %add3A_494 : vector<16xi32>
      %swap3A_496 = arith.constant 512 : index
      %swap3A_497 = tpu.vector_load %arg12[%swap3A_496] {strides = array<i32>} : memref<2048xi32, #tpu.memory_space<vmem>>, vector<16xi32>,
      tpu.vector_store %arg12[%swap3A_496], %add3A_495 {strides = array<i32>} : memref<2048xi32, #tpu.memory_space<vmem>>, vector<16xi32>,
      %get3A_498 = arith.constant 16 : index
      %get3A_499 = tpu.vector_load %arg11[%get3A_498] {strides = array<i32>} : memref<128xi32, #tpu.memory_space<vmem>>, vector<16xi32>,
      %add3A_500 = arith.constant 524288 : i32
      %add3A_501 = vector.broadcast %add3A_500 : i32 to vector<16xi32>
      %add3A_502 = arith.addi %get3A_499, %add3A_501 : vector<16xi32>
      %swap3A_503 = arith.constant 528 : index
      %swap3A_504 = tpu.vector_load %arg12[%swap3A_503] {strides = array<i32>} : memref<2048xi32, #tpu.memory_space<vmem>>, vector<16xi32>,
      tpu.vector_store %arg12[%swap3A_503], %add3A_502 {strides = array<i32>} : memref<2048xi32, #tpu.memory_space<vmem>>, vector<16xi32>,
      %get3A_505 = arith.constant 32 : index
      %get3A_506 = tpu.vector_load %arg11[%get3A_505] {strides = array<i32>} : memref<128xi32, #tpu.memory_space<vmem>>, vector<16xi32>,
      %add3A_507 = arith.constant 524288 : i32
      %add3A_508 = vector.broadcast %add3A_507 : i32 to vector<16xi32>
      %add3A_509 = arith.addi %get3A_506, %add3A_508 : vector<16xi32>
      %swap3A_510 = arith.constant 544 : index
      %swap3A_511 = tpu.vector_load %arg12[%swap3A_510] {strides = array<i32>} : memref<2048xi32, #tpu.memory_space<vmem>>, vector<16xi32>,
      tpu.vector_store %arg12[%swap3A_510], %add3A_509 {strides = array<i32>} : memref<2048xi32, #tpu.memory_space<vmem>>, vector<16xi32>,
      %get3A_512 = arith.constant 48 : index
      %get3A_513 = tpu.vector_load %arg11[%get3A_512] {strides = array<i32>} : memref<128xi32, #tpu.memory_space<vmem>>, vector<16xi32>,
      %add3A_514 = arith.constant 524288 : i32
      %add3A_515 = vector.broadcast %add3A_514 : i32 to vector<16xi32>
      %add3A_516 = arith.addi %get3A_513, %add3A_515 : vector<16xi32>
      %swap3A_517 = arith.constant 560 : index
      %swap3A_518 = tpu.vector_load %arg12[%swap3A_517] {strides = array<i32>} : memref<2048xi32, #tpu.memory_space<vmem>>, vector<16xi32>,
      tpu.vector_store %arg12[%swap3A_517], %add3A_516 {strides = array<i32>} : memref<2048xi32, #tpu.memory_space<vmem>>, vector<16xi32>,
      %get3A_519 = arith.constant 64 : index
      %get3A_520 = tpu.vector_load %arg11[%get3A_519] {strides = array<i32>} : memref<128xi32, #tpu.memory_space<vmem>>, vector<16xi32>,
      %add3A_521 = arith.constant 524288 : i32
      %add3A_522 = vector.broadcast %add3A_521 : i32 to vector<16xi32>
      %add3A_523 = arith.addi %get3A_520, %add3A_522 : vector<16xi32>
      %swap3A_524 = arith.constant 576 : index
      %swap3A_525 = tpu.vector_load %arg12[%swap3A_524] {strides = array<i32>} : memref<2048xi32, #tpu.memory_space<vmem>>, vector<16xi32>,
      tpu.vector_store %arg12[%swap3A_524], %add3A_523 {strides = array<i32>} : memref<2048xi32, #tpu.memory_space<vmem>>, vector<16xi32>,
      %get3A_526 = arith.constant 80 : index
      %get3A_527 = tpu.vector_load %arg11[%get3A_526] {strides = array<i32>} : memref<128xi32, #tpu.memory_space<vmem>>, vector<16xi32>,
      %add3A_528 = arith.constant 524288 : i32
      %add3A_529 = vector.broadcast %add3A_528 : i32 to vector<16xi32>
      %add3A_530 = arith.addi %get3A_527, %add3A_529 : vector<16xi32>
      %swap3A_531 = arith.constant 592 : index
      %swap3A_532 = tpu.vector_load %arg12[%swap3A_531] {strides = array<i32>} : memref<2048xi32, #tpu.memory_space<vmem>>, vector<16xi32>,
      tpu.vector_store %arg12[%swap3A_531], %add3A_530 {strides = array<i32>} : memref<2048xi32, #tpu.memory_space<vmem>>, vector<16xi32>,
      %get3A_533 = arith.constant 96 : index
      %get3A_534 = tpu.vector_load %arg11[%get3A_533] {strides = array<i32>} : memref<128xi32, #tpu.memory_space<vmem>>, vector<16xi32>,
      %add3A_535 = arith.constant 524288 : i32
      %add3A_536 = vector.broadcast %add3A_535 : i32 to vector<16xi32>
      %add3A_537 = arith.addi %get3A_534, %add3A_536 : vector<16xi32>
      %swap3A_538 = arith.constant 608 : index
      %swap3A_539 = tpu.vector_load %arg12[%swap3A_538] {strides = array<i32>} : memref<2048xi32, #tpu.memory_space<vmem>>, vector<16xi32>,
      tpu.vector_store %arg12[%swap3A_538], %add3A_537 {strides = array<i32>} : memref<2048xi32, #tpu.memory_space<vmem>>, vector<16xi32>,
      %get3A_540 = arith.constant 112 : index
      %get3A_541 = tpu.vector_load %arg11[%get3A_540] {strides = array<i32>} : memref<128xi32, #tpu.memory_space<vmem>>, vector<16xi32>,
      %add3A_542 = arith.constant 524288 : i32
      %add3A_543 = vector.broadcast %add3A_542 : i32 to vector<16xi32>
      %add3A_544 = arith.addi %get3A_541, %add3A_543 : vector<16xi32>
      %swap3A_545 = arith.constant 624 : index
      %swap3A_546 = tpu.vector_load %arg12[%swap3A_545] {strides = array<i32>} : memref<2048xi32, #tpu.memory_space<vmem>>, vector<16xi32>,
      tpu.vector_store %arg12[%swap3A_545], %add3A_544 {strides = array<i32>} : memref<2048xi32, #tpu.memory_space<vmem>>, vector<16xi32>,
      %get3A_547 = arith.constant 0 : index
      %get3A_548 = tpu.vector_load %arg11[%get3A_547] {strides = array<i32>} : memref<128xi32, #tpu.memory_space<vmem>>, vector<16xi32>,
      %add3A_549 = arith.constant 655360 : i32
      %add3A_550 = vector.broadcast %add3A_549 : i32 to vector<16xi32>
      %add3A_551 = arith.addi %get3A_548, %add3A_550 : vector<16xi32>
      %swap3A_552 = arith.constant 640 : index
      %swap3A_553 = tpu.vector_load %arg12[%swap3A_552] {strides = array<i32>} : memref<2048xi32, #tpu.memory_space<vmem>>, vector<16xi32>,
      tpu.vector_store %arg12[%swap3A_552], %add3A_551 {strides = array<i32>} : memref<2048xi32, #tpu.memory_space<vmem>>, vector<16xi32>,
      %get3A_554 = arith.constant 16 : index
      %get3A_555 = tpu.vector_load %arg11[%get3A_554] {strides = array<i32>} : memref<128xi32, #tpu.memory_space<vmem>>, vector<16xi32>,
      %add3A_556 = arith.constant 655360 : i32
      %add3A_557 = vector.broadcast %add3A_556 : i32 to vector<16xi32>
      %add3A_558 = arith.addi %get3A_555, %add3A_557 : vector<16xi32>
      %swap3A_559 = arith.constant 656 : index
      %swap3A_560 = tpu.vector_load %arg12[%swap3A_559] {strides = array<i32>} : memref<2048xi32, #tpu.memory_space<vmem>>, vector<16xi32>,
      tpu.vector_store %arg12[%swap3A_559], %add3A_558 {strides = array<i32>} : memref<2048xi32, #tpu.memory_space<vmem>>, vector<16xi32>,
      %get3A_561 = arith.constant 32 : index
      %get3A_562 = tpu.vector_load %arg11[%get3A_561] {strides = array<i32>} : memref<128xi32, #tpu.memory_space<vmem>>, vector<16xi32>,
      %add3A_563 = arith.constant 655360 : i32
      %add3A_564 = vector.broadcast %add3A_563 : i32 to vector<16xi32>
      %add3A_565 = arith.addi %get3A_562, %add3A_564 : vector<16xi32>
      %swap3A_566 = arith.constant 672 : index
      %swap3A_567 = tpu.vector_load %arg12[%swap3A_566] {strides = array<i32>} : memref<2048xi32, #tpu.memory_space<vmem>>, vector<16xi32>,
      tpu.vector_store %arg12[%swap3A_566], %add3A_565 {strides = array<i32>} : memref<2048xi32, #tpu.memory_space<vmem>>, vector<16xi32>,
      %get3A_568 = arith.constant 48 : index
      %get3A_569 = tpu.vector_load %arg11[%get3A_568] {strides = array<i32>} : memref<128xi32, #tpu.memory_space<vmem>>, vector<16xi32>,
      %add3A_570 = arith.constant 655360 : i32
      %add3A_571 = vector.broadcast %add3A_570 : i32 to vector<16xi32>
      %add3A_572 = arith.addi %get3A_569, %add3A_571 : vector<16xi32>
      %swap3A_573 = arith.constant 688 : index
      %swap3A_574 = tpu.vector_load %arg12[%swap3A_573] {strides = array<i32>} : memref<2048xi32, #tpu.memory_space<vmem>>, vector<16xi32>,
      tpu.vector_store %arg12[%swap3A_573], %add3A_572 {strides = array<i32>} : memref<2048xi32, #tpu.memory_space<vmem>>, vector<16xi32>,
      %get3A_575 = arith.constant 64 : index
      %get3A_576 = tpu.vector_load %arg11[%get3A_575] {strides = array<i32>} : memref<128xi32, #tpu.memory_space<vmem>>, vector<16xi32>,
      %add3A_577 = arith.constant 655360 : i32
      %add3A_578 = vector.broadcast %add3A_577 : i32 to vector<16xi32>
      %add3A_579 = arith.addi %get3A_576, %add3A_578 : vector<16xi32>
      %swap3A_580 = arith.constant 704 : index
      %swap3A_581 = tpu.vector_load %arg12[%swap3A_580] {strides = array<i32>} : memref<2048xi32, #tpu.memory_space<vmem>>, vector<16xi32>,
      tpu.vector_store %arg12[%swap3A_580], %add3A_579 {strides = array<i32>} : memref<2048xi32, #tpu.memory_space<vmem>>, vector<16xi32>,
      %get3A_582 = arith.constant 80 : index
      %get3A_583 = tpu.vector_load %arg11[%get3A_582] {strides = array<i32>} : memref<128xi32, #tpu.memory_space<vmem>>, vector<16xi32>,
      %add3A_584 = arith.constant 655360 : i32
      %add3A_585 = vector.broadcast %add3A_584 : i32 to vector<16xi32>
      %add3A_586 = arith.addi %get3A_583, %add3A_585 : vector<16xi32>
      %swap3A_587 = arith.constant 720 : index
      %swap3A_588 = tpu.vector_load %arg12[%swap3A_587] {strides = array<i32>} : memref<2048xi32, #tpu.memory_space<vmem>>, vector<16xi32>,
      tpu.vector_store %arg12[%swap3A_587], %add3A_586 {strides = array<i32>} : memref<2048xi32, #tpu.memory_space<vmem>>, vector<16xi32>,
      %get3A_589 = arith.constant 96 : index
      %get3A_590 = tpu.vector_load %arg11[%get3A_589] {strides = array<i32>} : memref<128xi32, #tpu.memory_space<vmem>>, vector<16xi32>,
      %add3A_591 = arith.constant 655360 : i32
      %add3A_592 = vector.broadcast %add3A_591 : i32 to vector<16xi32>
      %add3A_593 = arith.addi %get3A_590, %add3A_592 : vector<16xi32>
      %swap3A_594 = arith.constant 736 : index
      %swap3A_595 = tpu.vector_load %arg12[%swap3A_594] {strides = array<i32>} : memref<2048xi32, #tpu.memory_space<vmem>>, vector<16xi32>,
      tpu.vector_store %arg12[%swap3A_594], %add3A_593 {strides = array<i32>} : memref<2048xi32, #tpu.memory_space<vmem>>, vector<16xi32>,
      %get3A_596 = arith.constant 112 : index
      %get3A_597 = tpu.vector_load %arg11[%get3A_596] {strides = array<i32>} : memref<128xi32, #tpu.memory_space<vmem>>, vector<16xi32>,
      %add3A_598 = arith.constant 655360 : i32
      %add3A_599 = vector.broadcast %add3A_598 : i32 to vector<16xi32>
      %add3A_600 = arith.addi %get3A_597, %add3A_599 : vector<16xi32>
      %swap3A_601 = arith.constant 752 : index
      %swap3A_602 = tpu.vector_load %arg12[%swap3A_601] {strides = array<i32>} : memref<2048xi32, #tpu.memory_space<vmem>>, vector<16xi32>,
      tpu.vector_store %arg12[%swap3A_601], %add3A_600 {strides = array<i32>} : memref<2048xi32, #tpu.memory_space<vmem>>, vector<16xi32>,
      %get3A_603 = arith.constant 0 : index
      %get3A_604 = tpu.vector_load %arg11[%get3A_603] {strides = array<i32>} : memref<128xi32, #tpu.memory_space<vmem>>, vector<16xi32>,
      %add3A_605 = arith.constant 786432 : i32
      %add3A_606 = vector.broadcast %add3A_605 : i32 to vector<16xi32>
      %add3A_607 = arith.addi %get3A_604, %add3A_606 : vector<16xi32>
      %swap3A_608 = arith.constant 768 : index
      %swap3A_609 = tpu.vector_load %arg12[%swap3A_608] {strides = array<i32>} : memref<2048xi32, #tpu.memory_space<vmem>>, vector<16xi32>,
      tpu.vector_store %arg12[%swap3A_608], %add3A_607 {strides = array<i32>} : memref<2048xi32, #tpu.memory_space<vmem>>, vector<16xi32>,
      %get3A_610 = arith.constant 16 : index
      %get3A_611 = tpu.vector_load %arg11[%get3A_610] {strides = array<i32>} : memref<128xi32, #tpu.memory_space<vmem>>, vector<16xi32>,
      %add3A_612 = arith.constant 786432 : i32
      %add3A_613 = vector.broadcast %add3A_612 : i32 to vector<16xi32>
      %add3A_614 = arith.addi %get3A_611, %add3A_613 : vector<16xi32>
      %swap3A_615 = arith.constant 784 : index
      %swap3A_616 = tpu.vector_load %arg12[%swap3A_615] {strides = array<i32>} : memref<2048xi32, #tpu.memory_space<vmem>>, vector<16xi32>,
      tpu.vector_store %arg12[%swap3A_615], %add3A_614 {strides = array<i32>} : memref<2048xi32, #tpu.memory_space<vmem>>, vector<16xi32>,
      %get3A_617 = arith.constant 32 : index
      %get3A_618 = tpu.vector_load %arg11[%get3A_617] {strides = array<i32>} : memref<128xi32, #tpu.memory_space<vmem>>, vector<16xi32>,
      %add3A_619 = arith.constant 786432 : i32
      %add3A_620 = vector.broadcast %add3A_619 : i32 to vector<16xi32>
      %add3A_621 = arith.addi %get3A_618, %add3A_620 : vector<16xi32>
      %swap3A_622 = arith.constant 800 : index
      %swap3A_623 = tpu.vector_load %arg12[%swap3A_622] {strides = array<i32>} : memref<2048xi32, #tpu.memory_space<vmem>>, vector<16xi32>,
      tpu.vector_store %arg12[%swap3A_622], %add3A_621 {strides = array<i32>} : memref<2048xi32, #tpu.memory_space<vmem>>, vector<16xi32>,
      %get3A_624 = arith.constant 48 : index
      %get3A_625 = tpu.vector_load %arg11[%get3A_624] {strides = array<i32>} : memref<128xi32, #tpu.memory_space<vmem>>, vector<16xi32>,
      %add3A_626 = arith.constant 786432 : i32
      %add3A_627 = vector.broadcast %add3A_626 : i32 to vector<16xi32>
      %add3A_628 = arith.addi %get3A_625, %add3A_627 : vector<16xi32>
      %swap3A_629 = arith.constant 816 : index
      %swap3A_630 = tpu.vector_load %arg12[%swap3A_629] {strides = array<i32>} : memref<2048xi32, #tpu.memory_space<vmem>>, vector<16xi32>,
      tpu.vector_store %arg12[%swap3A_629], %add3A_628 {strides = array<i32>} : memref<2048xi32, #tpu.memory_space<vmem>>, vector<16xi32>,
      %get3A_631 = arith.constant 64 : index
      %get3A_632 = tpu.vector_load %arg11[%get3A_631] {strides = array<i32>} : memref<128xi32, #tpu.memory_space<vmem>>, vector<16xi32>,
      %add3A_633 = arith.constant 786432 : i32
      %add3A_634 = vector.broadcast %add3A_633 : i32 to vector<16xi32>
      %add3A_635 = arith.addi %get3A_632, %add3A_634 : vector<16xi32>
      %swap3A_636 = arith.constant 832 : index
      %swap3A_637 = tpu.vector_load %arg12[%swap3A_636] {strides = array<i32>} : memref<2048xi32, #tpu.memory_space<vmem>>, vector<16xi32>,
      tpu.vector_store %arg12[%swap3A_636], %add3A_635 {strides = array<i32>} : memref<2048xi32, #tpu.memory_space<vmem>>, vector<16xi32>,
      %get3A_638 = arith.constant 80 : index
      %get3A_639 = tpu.vector_load %arg11[%get3A_638] {strides = array<i32>} : memref<128xi32, #tpu.memory_space<vmem>>, vector<16xi32>,
      %add3A_640 = arith.constant 786432 : i32
      %add3A_641 = vector.broadcast %add3A_640 : i32 to vector<16xi32>
      %add3A_642 = arith.addi %get3A_639, %add3A_641 : vector<16xi32>
      %swap3A_643 = arith.constant 848 : index
      %swap3A_644 = tpu.vector_load %arg12[%swap3A_643] {strides = array<i32>} : memref<2048xi32, #tpu.memory_space<vmem>>, vector<16xi32>,
      tpu.vector_store %arg12[%swap3A_643], %add3A_642 {strides = array<i32>} : memref<2048xi32, #tpu.memory_space<vmem>>, vector<16xi32>,
      %get3A_645 = arith.constant 96 : index
      %get3A_646 = tpu.vector_load %arg11[%get3A_645] {strides = array<i32>} : memref<128xi32, #tpu.memory_space<vmem>>, vector<16xi32>,
      %add3A_647 = arith.constant 786432 : i32
      %add3A_648 = vector.broadcast %add3A_647 : i32 to vector<16xi32>
      %add3A_649 = arith.addi %get3A_646, %add3A_648 : vector<16xi32>
      %swap3A_650 = arith.constant 864 : index
      %swap3A_651 = tpu.vector_load %arg12[%swap3A_650] {strides = array<i32>} : memref<2048xi32, #tpu.memory_space<vmem>>, vector<16xi32>,
      tpu.vector_store %arg12[%swap3A_650], %add3A_649 {strides = array<i32>} : memref<2048xi32, #tpu.memory_space<vmem>>, vector<16xi32>,
      %get3A_652 = arith.constant 112 : index
      %get3A_653 = tpu.vector_load %arg11[%get3A_652] {strides = array<i32>} : memref<128xi32, #tpu.memory_space<vmem>>, vector<16xi32>,
      %add3A_654 = arith.constant 786432 : i32
      %add3A_655 = vector.broadcast %add3A_654 : i32 to vector<16xi32>
      %add3A_656 = arith.addi %get3A_653, %add3A_655 : vector<16xi32>
      %swap3A_657 = arith.constant 880 : index
      %swap3A_658 = tpu.vector_load %arg12[%swap3A_657] {strides = array<i32>} : memref<2048xi32, #tpu.memory_space<vmem>>, vector<16xi32>,
      tpu.vector_store %arg12[%swap3A_657], %add3A_656 {strides = array<i32>} : memref<2048xi32, #tpu.memory_space<vmem>>, vector<16xi32>,
      %get3A_659 = arith.constant 0 : index
      %get3A_660 = tpu.vector_load %arg11[%get3A_659] {strides = array<i32>} : memref<128xi32, #tpu.memory_space<vmem>>, vector<16xi32>,
      %add3A_661 = arith.constant 917504 : i32
      %add3A_662 = vector.broadcast %add3A_661 : i32 to vector<16xi32>
      %add3A_663 = arith.addi %get3A_660, %add3A_662 : vector<16xi32>
      %swap3A_664 = arith.constant 896 : index
      %swap3A_665 = tpu.vector_load %arg12[%swap3A_664] {strides = array<i32>} : memref<2048xi32, #tpu.memory_space<vmem>>, vector<16xi32>,
      tpu.vector_store %arg12[%swap3A_664], %add3A_663 {strides = array<i32>} : memref<2048xi32, #tpu.memory_space<vmem>>, vector<16xi32>,
      %get3A_666 = arith.constant 16 : index
      %get3A_667 = tpu.vector_load %arg11[%get3A_666] {strides = array<i32>} : memref<128xi32, #tpu.memory_space<vmem>>, vector<16xi32>,
      %add3A_668 = arith.constant 917504 : i32
      %add3A_669 = vector.broadcast %add3A_668 : i32 to vector<16xi32>
      %add3A_670 = arith.addi %get3A_667, %add3A_669 : vector<16xi32>
      %swap3A_671 = arith.constant 912 : index
      %swap3A_672 = tpu.vector_load %arg12[%swap3A_671] {strides = array<i32>} : memref<2048xi32, #tpu.memory_space<vmem>>, vector<16xi32>,
      tpu.vector_store %arg12[%swap3A_671], %add3A_670 {strides = array<i32>} : memref<2048xi32, #tpu.memory_space<vmem>>, vector<16xi32>,
      %get3A_673 = arith.constant 32 : index
      %get3A_674 = tpu.vector_load %arg11[%get3A_673] {strides = array<i32>} : memref<128xi32, #tpu.memory_space<vmem>>, vector<16xi32>,
      %add3A_675 = arith.constant 917504 : i32
      %add3A_676 = vector.broadcast %add3A_675 : i32 to vector<16xi32>
      %add3A_677 = arith.addi %get3A_674, %add3A_676 : vector<16xi32>
      %swap3A_678 = arith.constant 928 : index
      %swap3A_679 = tpu.vector_load %arg12[%swap3A_678] {strides = array<i32>} : memref<2048xi32, #tpu.memory_space<vmem>>, vector<16xi32>,
      tpu.vector_store %arg12[%swap3A_678], %add3A_677 {strides = array<i32>} : memref<2048xi32, #tpu.memory_space<vmem>>, vector<16xi32>,
      %get3A_680 = arith.constant 48 : index
      %get3A_681 = tpu.vector_load %arg11[%get3A_680] {strides = array<i32>} : memref<128xi32, #tpu.memory_space<vmem>>, vector<16xi32>,
      %add3A_682 = arith.constant 917504 : i32
      %add3A_683 = vector.broadcast %add3A_682 : i32 to vector<16xi32>
      %add3A_684 = arith.addi %get3A_681, %add3A_683 : vector<16xi32>
      %swap3A_685 = arith.constant 944 : index
      %swap3A_686 = tpu.vector_load %arg12[%swap3A_685] {strides = array<i32>} : memref<2048xi32, #tpu.memory_space<vmem>>, vector<16xi32>,
      tpu.vector_store %arg12[%swap3A_685], %add3A_684 {strides = array<i32>} : memref<2048xi32, #tpu.memory_space<vmem>>, vector<16xi32>,
      %get3A_687 = arith.constant 64 : index
      %get3A_688 = tpu.vector_load %arg11[%get3A_687] {strides = array<i32>} : memref<128xi32, #tpu.memory_space<vmem>>, vector<16xi32>,
      %add3A_689 = arith.constant 917504 : i32
      %add3A_690 = vector.broadcast %add3A_689 : i32 to vector<16xi32>
      %add3A_691 = arith.addi %get3A_688, %add3A_690 : vector<16xi32>
      %swap3A_692 = arith.constant 960 : index
      %swap3A_693 = tpu.vector_load %arg12[%swap3A_692] {strides = array<i32>} : memref<2048xi32, #tpu.memory_space<vmem>>, vector<16xi32>,
      tpu.vector_store %arg12[%swap3A_692], %add3A_691 {strides = array<i32>} : memref<2048xi32, #tpu.memory_space<vmem>>, vector<16xi32>,
      %get3A_694 = arith.constant 80 : index
      %get3A_695 = tpu.vector_load %arg11[%get3A_694] {strides = array<i32>} : memref<128xi32, #tpu.memory_space<vmem>>, vector<16xi32>,
      %add3A_696 = arith.constant 917504 : i32
      %add3A_697 = vector.broadcast %add3A_696 : i32 to vector<16xi32>
      %add3A_698 = arith.addi %get3A_695, %add3A_697 : vector<16xi32>
      %swap3A_699 = arith.constant 976 : index
      %swap3A_700 = tpu.vector_load %arg12[%swap3A_699] {strides = array<i32>} : memref<2048xi32, #tpu.memory_space<vmem>>, vector<16xi32>,
      tpu.vector_store %arg12[%swap3A_699], %add3A_698 {strides = array<i32>} : memref<2048xi32, #tpu.memory_space<vmem>>, vector<16xi32>,
      %get3A_701 = arith.constant 96 : index
      %get3A_702 = tpu.vector_load %arg11[%get3A_701] {strides = array<i32>} : memref<128xi32, #tpu.memory_space<vmem>>, vector<16xi32>,
      %add3A_703 = arith.constant 917504 : i32
      %add3A_704 = vector.broadcast %add3A_703 : i32 to vector<16xi32>
      %add3A_705 = arith.addi %get3A_702, %add3A_704 : vector<16xi32>
      %swap3A_706 = arith.constant 992 : index
      %swap3A_707 = tpu.vector_load %arg12[%swap3A_706] {strides = array<i32>} : memref<2048xi32, #tpu.memory_space<vmem>>, vector<16xi32>,
      tpu.vector_store %arg12[%swap3A_706], %add3A_705 {strides = array<i32>} : memref<2048xi32, #tpu.memory_space<vmem>>, vector<16xi32>,
      %get3A_708 = arith.constant 112 : index
      %get3A_709 = tpu.vector_load %arg11[%get3A_708] {strides = array<i32>} : memref<128xi32, #tpu.memory_space<vmem>>, vector<16xi32>,
      %add3A_710 = arith.constant 917504 : i32
      %add3A_711 = vector.broadcast %add3A_710 : i32 to vector<16xi32>
      %add3A_712 = arith.addi %get3A_709, %add3A_711 : vector<16xi32>
      %swap3A_713 = arith.constant 1008 : index
      %swap3A_714 = tpu.vector_load %arg12[%swap3A_713] {strides = array<i32>} : memref<2048xi32, #tpu.memory_space<vmem>>, vector<16xi32>,
      tpu.vector_store %arg12[%swap3A_713], %add3A_712 {strides = array<i32>} : memref<2048xi32, #tpu.memory_space<vmem>>, vector<16xi32>,
      %get3A_715 = arith.constant 0 : index
      %get3A_716 = tpu.vector_load %arg11[%get3A_715] {strides = array<i32>} : memref<128xi32, #tpu.memory_space<vmem>>, vector<16xi32>,
      %add3A_717 = arith.constant 1048576 : i32
      %add3A_718 = vector.broadcast %add3A_717 : i32 to vector<16xi32>
      %add3A_719 = arith.addi %get3A_716, %add3A_718 : vector<16xi32>
      %swap3A_720 = arith.constant 1024 : index
      %swap3A_721 = tpu.vector_load %arg12[%swap3A_720] {strides = array<i32>} : memref<2048xi32, #tpu.memory_space<vmem>>, vector<16xi32>,
      tpu.vector_store %arg12[%swap3A_720], %add3A_719 {strides = array<i32>} : memref<2048xi32, #tpu.memory_space<vmem>>, vector<16xi32>,
      %get3A_722 = arith.constant 16 : index
      %get3A_723 = tpu.vector_load %arg11[%get3A_722] {strides = array<i32>} : memref<128xi32, #tpu.memory_space<vmem>>, vector<16xi32>,
      %add3A_724 = arith.constant 1048576 : i32
      %add3A_725 = vector.broadcast %add3A_724 : i32 to vector<16xi32>
      %add3A_726 = arith.addi %get3A_723, %add3A_725 : vector<16xi32>
      %swap3A_727 = arith.constant 1040 : index
      %swap3A_728 = tpu.vector_load %arg12[%swap3A_727] {strides = array<i32>} : memref<2048xi32, #tpu.memory_space<vmem>>, vector<16xi32>,
      tpu.vector_store %arg12[%swap3A_727], %add3A_726 {strides = array<i32>} : memref<2048xi32, #tpu.memory_space<vmem>>, vector<16xi32>,
      %get3A_729 = arith.constant 32 : index
      %get3A_730 = tpu.vector_load %arg11[%get3A_729] {strides = array<i32>} : memref<128xi32, #tpu.memory_space<vmem>>, vector<16xi32>,
      %add3A_731 = arith.constant 1048576 : i32
      %add3A_732 = vector.broadcast %add3A_731 : i32 to vector<16xi32>
      %add3A_733 = arith.addi %get3A_730, %add3A_732 : vector<16xi32>
      %swap3A_734 = arith.constant 1056 : index
      %swap3A_735 = tpu.vector_load %arg12[%swap3A_734] {strides = array<i32>} : memref<2048xi32, #tpu.memory_space<vmem>>, vector<16xi32>,
      tpu.vector_store %arg12[%swap3A_734], %add3A_733 {strides = array<i32>} : memref<2048xi32, #tpu.memory_space<vmem>>, vector<16xi32>,
      %get3A_736 = arith.constant 48 : index
      %get3A_737 = tpu.vector_load %arg11[%get3A_736] {strides = array<i32>} : memref<128xi32, #tpu.memory_space<vmem>>, vector<16xi32>,
      %add3A_738 = arith.constant 1048576 : i32
      %add3A_739 = vector.broadcast %add3A_738 : i32 to vector<16xi32>
      %add3A_740 = arith.addi %get3A_737, %add3A_739 : vector<16xi32>
      %swap3A_741 = arith.constant 1072 : index
      %swap3A_742 = tpu.vector_load %arg12[%swap3A_741] {strides = array<i32>} : memref<2048xi32, #tpu.memory_space<vmem>>, vector<16xi32>,
      tpu.vector_store %arg12[%swap3A_741], %add3A_740 {strides = array<i32>} : memref<2048xi32, #tpu.memory_space<vmem>>, vector<16xi32>,
      %get3A_743 = arith.constant 64 : index
      %get3A_744 = tpu.vector_load %arg11[%get3A_743] {strides = array<i32>} : memref<128xi32, #tpu.memory_space<vmem>>, vector<16xi32>,
      %add3A_745 = arith.constant 1048576 : i32
      %add3A_746 = vector.broadcast %add3A_745 : i32 to vector<16xi32>
      %add3A_747 = arith.addi %get3A_744, %add3A_746 : vector<16xi32>
      %swap3A_748 = arith.constant 1088 : index
      %swap3A_749 = tpu.vector_load %arg12[%swap3A_748] {strides = array<i32>} : memref<2048xi32, #tpu.memory_space<vmem>>, vector<16xi32>,
      tpu.vector_store %arg12[%swap3A_748], %add3A_747 {strides = array<i32>} : memref<2048xi32, #tpu.memory_space<vmem>>, vector<16xi32>,
      %get3A_750 = arith.constant 80 : index
      %get3A_751 = tpu.vector_load %arg11[%get3A_750] {strides = array<i32>} : memref<128xi32, #tpu.memory_space<vmem>>, vector<16xi32>,
      %add3A_752 = arith.constant 1048576 : i32
      %add3A_753 = vector.broadcast %add3A_752 : i32 to vector<16xi32>
      %add3A_754 = arith.addi %get3A_751, %add3A_753 : vector<16xi32>
      %swap3A_755 = arith.constant 1104 : index
      %swap3A_756 = tpu.vector_load %arg12[%swap3A_755] {strides = array<i32>} : memref<2048xi32, #tpu.memory_space<vmem>>, vector<16xi32>,
      tpu.vector_store %arg12[%swap3A_755], %add3A_754 {strides = array<i32>} : memref<2048xi32, #tpu.memory_space<vmem>>, vector<16xi32>,
      %get3A_757 = arith.constant 96 : index
      %get3A_758 = tpu.vector_load %arg11[%get3A_757] {strides = array<i32>} : memref<128xi32, #tpu.memory_space<vmem>>, vector<16xi32>,
      %add3A_759 = arith.constant 1048576 : i32
      %add3A_760 = vector.broadcast %add3A_759 : i32 to vector<16xi32>
      %add3A_761 = arith.addi %get3A_758, %add3A_760 : vector<16xi32>
      %swap3A_762 = arith.constant 1120 : index
      %swap3A_763 = tpu.vector_load %arg12[%swap3A_762] {strides = array<i32>} : memref<2048xi32, #tpu.memory_space<vmem>>, vector<16xi32>,
      tpu.vector_store %arg12[%swap3A_762], %add3A_761 {strides = array<i32>} : memref<2048xi32, #tpu.memory_space<vmem>>, vector<16xi32>,
      %get3A_764 = arith.constant 112 : index
      %get3A_765 = tpu.vector_load %arg11[%get3A_764] {strides = array<i32>} : memref<128xi32, #tpu.memory_space<vmem>>, vector<16xi32>,
      %add3A_766 = arith.constant 1048576 : i32
      %add3A_767 = vector.broadcast %add3A_766 : i32 to vector<16xi32>
      %add3A_768 = arith.addi %get3A_765, %add3A_767 : vector<16xi32>
      %swap3A_769 = arith.constant 1136 : index
      %swap3A_770 = tpu.vector_load %arg12[%swap3A_769] {strides = array<i32>} : memref<2048xi32, #tpu.memory_space<vmem>>, vector<16xi32>,
      tpu.vector_store %arg12[%swap3A_769], %add3A_768 {strides = array<i32>} : memref<2048xi32, #tpu.memory_space<vmem>>, vector<16xi32>,
      %get3A_771 = arith.constant 0 : index
      %get3A_772 = tpu.vector_load %arg11[%get3A_771] {strides = array<i32>} : memref<128xi32, #tpu.memory_space<vmem>>, vector<16xi32>,
      %add3A_773 = arith.constant 1179648 : i32
      %add3A_774 = vector.broadcast %add3A_773 : i32 to vector<16xi32>
      %add3A_775 = arith.addi %get3A_772, %add3A_774 : vector<16xi32>
      %swap3A_776 = arith.constant 1152 : index
      %swap3A_777 = tpu.vector_load %arg12[%swap3A_776] {strides = array<i32>} : memref<2048xi32, #tpu.memory_space<vmem>>, vector<16xi32>,
      tpu.vector_store %arg12[%swap3A_776], %add3A_775 {strides = array<i32>} : memref<2048xi32, #tpu.memory_space<vmem>>, vector<16xi32>,
      %get3A_778 = arith.constant 16 : index
      %get3A_779 = tpu.vector_load %arg11[%get3A_778] {strides = array<i32>} : memref<128xi32, #tpu.memory_space<vmem>>, vector<16xi32>,
      %add3A_780 = arith.constant 1179648 : i32
      %add3A_781 = vector.broadcast %add3A_780 : i32 to vector<16xi32>
      %add3A_782 = arith.addi %get3A_779, %add3A_781 : vector<16xi32>
      %swap3A_783 = arith.constant 1168 : index
      %swap3A_784 = tpu.vector_load %arg12[%swap3A_783] {strides = array<i32>} : memref<2048xi32, #tpu.memory_space<vmem>>, vector<16xi32>,
      tpu.vector_store %arg12[%swap3A_783], %add3A_782 {strides = array<i32>} : memref<2048xi32, #tpu.memory_space<vmem>>, vector<16xi32>,
      %get3A_785 = arith.constant 32 : index
      %get3A_786 = tpu.vector_load %arg11[%get3A_785] {strides = array<i32>} : memref<128xi32, #tpu.memory_space<vmem>>, vector<16xi32>,
      %add3A_787 = arith.constant 1179648 : i32
      %add3A_788 = vector.broadcast %add3A_787 : i32 to vector<16xi32>
      %add3A_789 = arith.addi %get3A_786, %add3A_788 : vector<16xi32>
      %swap3A_790 = arith.constant 1184 : index
      %swap3A_791 = tpu.vector_load %arg12[%swap3A_790] {strides = array<i32>} : memref<2048xi32, #tpu.memory_space<vmem>>, vector<16xi32>,
      tpu.vector_store %arg12[%swap3A_790], %add3A_789 {strides = array<i32>} : memref<2048xi32, #tpu.memory_space<vmem>>, vector<16xi32>,
      %get3A_792 = arith.constant 48 : index
      %get3A_793 = tpu.vector_load %arg11[%get3A_792] {strides = array<i32>} : memref<128xi32, #tpu.memory_space<vmem>>, vector<16xi32>,
      %add3A_794 = arith.constant 1179648 : i32
      %add3A_795 = vector.broadcast %add3A_794 : i32 to vector<16xi32>
      %add3A_796 = arith.addi %get3A_793, %add3A_795 : vector<16xi32>
      %swap3A_797 = arith.constant 1200 : index
      %swap3A_798 = tpu.vector_load %arg12[%swap3A_797] {strides = array<i32>} : memref<2048xi32, #tpu.memory_space<vmem>>, vector<16xi32>,
      tpu.vector_store %arg12[%swap3A_797], %add3A_796 {strides = array<i32>} : memref<2048xi32, #tpu.memory_space<vmem>>, vector<16xi32>,
      %get3A_799 = arith.constant 64 : index
      %get3A_800 = tpu.vector_load %arg11[%get3A_799] {strides = array<i32>} : memref<128xi32, #tpu.memory_space<vmem>>, vector<16xi32>,
      %add3A_801 = arith.constant 1179648 : i32
      %add3A_802 = vector.broadcast %add3A_801 : i32 to vector<16xi32>
      %add3A_803 = arith.addi %get3A_800, %add3A_802 : vector<16xi32>
      %swap3A_804 = arith.constant 1216 : index
      %swap3A_805 = tpu.vector_load %arg12[%swap3A_804] {strides = array<i32>} : memref<2048xi32, #tpu.memory_space<vmem>>, vector<16xi32>,
      tpu.vector_store %arg12[%swap3A_804], %add3A_803 {strides = array<i32>} : memref<2048xi32, #tpu.memory_space<vmem>>, vector<16xi32>,
      %get3A_806 = arith.constant 80 : index
      %get3A_807 = tpu.vector_load %arg11[%get3A_806] {strides = array<i32>} : memref<128xi32, #tpu.memory_space<vmem>>, vector<16xi32>,
      %add3A_808 = arith.constant 1179648 : i32
      %add3A_809 = vector.broadcast %add3A_808 : i32 to vector<16xi32>
      %add3A_810 = arith.addi %get3A_807, %add3A_809 : vector<16xi32>
      %swap3A_811 = arith.constant 1232 : index
      %swap3A_812 = tpu.vector_load %arg12[%swap3A_811] {strides = array<i32>} : memref<2048xi32, #tpu.memory_space<vmem>>, vector<16xi32>,
      tpu.vector_store %arg12[%swap3A_811], %add3A_810 {strides = array<i32>} : memref<2048xi32, #tpu.memory_space<vmem>>, vector<16xi32>,
      %get3A_813 = arith.constant 96 : index
      %get3A_814 = tpu.vector_load %arg11[%get3A_813] {strides = array<i32>} : memref<128xi32, #tpu.memory_space<vmem>>, vector<16xi32>,
      %add3A_815 = arith.constant 1179648 : i32
      %add3A_816 = vector.broadcast %add3A_815 : i32 to vector<16xi32>
      %add3A_817 = arith.addi %get3A_814, %add3A_816 : vector<16xi32>
      %swap3A_818 = arith.constant 1248 : index
      %swap3A_819 = tpu.vector_load %arg12[%swap3A_818] {strides = array<i32>} : memref<2048xi32, #tpu.memory_space<vmem>>, vector<16xi32>,
      tpu.vector_store %arg12[%swap3A_818], %add3A_817 {strides = array<i32>} : memref<2048xi32, #tpu.memory_space<vmem>>, vector<16xi32>,
      %get3A_820 = arith.constant 112 : index
      %get3A_821 = tpu.vector_load %arg11[%get3A_820] {strides = array<i32>} : memref<128xi32, #tpu.memory_space<vmem>>, vector<16xi32>,
      %add3A_822 = arith.constant 1179648 : i32
      %add3A_823 = vector.broadcast %add3A_822 : i32 to vector<16xi32>
      %add3A_824 = arith.addi %get3A_821, %add3A_823 : vector<16xi32>
      %swap3A_825 = arith.constant 1264 : index
      %swap3A_826 = tpu.vector_load %arg12[%swap3A_825] {strides = array<i32>} : memref<2048xi32, #tpu.memory_space<vmem>>, vector<16xi32>,
      tpu.vector_store %arg12[%swap3A_825], %add3A_824 {strides = array<i32>} : memref<2048xi32, #tpu.memory_space<vmem>>, vector<16xi32>,
      %get3A_827 = arith.constant 0 : index
      %get3A_828 = tpu.vector_load %arg11[%get3A_827] {strides = array<i32>} : memref<128xi32, #tpu.memory_space<vmem>>, vector<16xi32>,
      %add3A_829 = arith.constant 1310720 : i32
      %add3A_830 = vector.broadcast %add3A_829 : i32 to vector<16xi32>
      %add3A_831 = arith.addi %get3A_828, %add3A_830 : vector<16xi32>
      %swap3A_832 = arith.constant 1280 : index
      %swap3A_833 = tpu.vector_load %arg12[%swap3A_832] {strides = array<i32>} : memref<2048xi32, #tpu.memory_space<vmem>>, vector<16xi32>,
      tpu.vector_store %arg12[%swap3A_832], %add3A_831 {strides = array<i32>} : memref<2048xi32, #tpu.memory_space<vmem>>, vector<16xi32>,
      %get3A_834 = arith.constant 16 : index
      %get3A_835 = tpu.vector_load %arg11[%get3A_834] {strides = array<i32>} : memref<128xi32, #tpu.memory_space<vmem>>, vector<16xi32>,
      %add3A_836 = arith.constant 1310720 : i32
      %add3A_837 = vector.broadcast %add3A_836 : i32 to vector<16xi32>
      %add3A_838 = arith.addi %get3A_835, %add3A_837 : vector<16xi32>
      %swap3A_839 = arith.constant 1296 : index
      %swap3A_840 = tpu.vector_load %arg12[%swap3A_839] {strides = array<i32>} : memref<2048xi32, #tpu.memory_space<vmem>>, vector<16xi32>,
      tpu.vector_store %arg12[%swap3A_839], %add3A_838 {strides = array<i32>} : memref<2048xi32, #tpu.memory_space<vmem>>, vector<16xi32>,
      %get3A_841 = arith.constant 32 : index
      %get3A_842 = tpu.vector_load %arg11[%get3A_841] {strides = array<i32>} : memref<128xi32, #tpu.memory_space<vmem>>, vector<16xi32>,
      %add3A_843 = arith.constant 1310720 : i32
      %add3A_844 = vector.broadcast %add3A_843 : i32 to vector<16xi32>
      %add3A_845 = arith.addi %get3A_842, %add3A_844 : vector<16xi32>
      %swap3A_846 = arith.constant 1312 : index
      %swap3A_847 = tpu.vector_load %arg12[%swap3A_846] {strides = array<i32>} : memref<2048xi32, #tpu.memory_space<vmem>>, vector<16xi32>,
      tpu.vector_store %arg12[%swap3A_846], %add3A_845 {strides = array<i32>} : memref<2048xi32, #tpu.memory_space<vmem>>, vector<16xi32>,
      %get3A_848 = arith.constant 48 : index
      %get3A_849 = tpu.vector_load %arg11[%get3A_848] {strides = array<i32>} : memref<128xi32, #tpu.memory_space<vmem>>, vector<16xi32>,
      %add3A_850 = arith.constant 1310720 : i32
      %add3A_851 = vector.broadcast %add3A_850 : i32 to vector<16xi32>
      %add3A_852 = arith.addi %get3A_849, %add3A_851 : vector<16xi32>
      %swap3A_853 = arith.constant 1328 : index
      %swap3A_854 = tpu.vector_load %arg12[%swap3A_853] {strides = array<i32>} : memref<2048xi32, #tpu.memory_space<vmem>>, vector<16xi32>,
      tpu.vector_store %arg12[%swap3A_853], %add3A_852 {strides = array<i32>} : memref<2048xi32, #tpu.memory_space<vmem>>, vector<16xi32>,
      %get3A_855 = arith.constant 64 : index
      %get3A_856 = tpu.vector_load %arg11[%get3A_855] {strides = array<i32>} : memref<128xi32, #tpu.memory_space<vmem>>, vector<16xi32>,
      %add3A_857 = arith.constant 1310720 : i32
      %add3A_858 = vector.broadcast %add3A_857 : i32 to vector<16xi32>
      %add3A_859 = arith.addi %get3A_856, %add3A_858 : vector<16xi32>
      %swap3A_860 = arith.constant 1344 : index
      %swap3A_861 = tpu.vector_load %arg12[%swap3A_860] {strides = array<i32>} : memref<2048xi32, #tpu.memory_space<vmem>>, vector<16xi32>,
      tpu.vector_store %arg12[%swap3A_860], %add3A_859 {strides = array<i32>} : memref<2048xi32, #tpu.memory_space<vmem>>, vector<16xi32>,
      %get3A_862 = arith.constant 80 : index
      %get3A_863 = tpu.vector_load %arg11[%get3A_862] {strides = array<i32>} : memref<128xi32, #tpu.memory_space<vmem>>, vector<16xi32>,
      %add3A_864 = arith.constant 1310720 : i32
      %add3A_865 = vector.broadcast %add3A_864 : i32 to vector<16xi32>
      %add3A_866 = arith.addi %get3A_863, %add3A_865 : vector<16xi32>
      %swap3A_867 = arith.constant 1360 : index
      %swap3A_868 = tpu.vector_load %arg12[%swap3A_867] {strides = array<i32>} : memref<2048xi32, #tpu.memory_space<vmem>>, vector<16xi32>,
      tpu.vector_store %arg12[%swap3A_867], %add3A_866 {strides = array<i32>} : memref<2048xi32, #tpu.memory_space<vmem>>, vector<16xi32>,
      %get3A_869 = arith.constant 96 : index
      %get3A_870 = tpu.vector_load %arg11[%get3A_869] {strides = array<i32>} : memref<128xi32, #tpu.memory_space<vmem>>, vector<16xi32>,
      %add3A_871 = arith.constant 1310720 : i32
      %add3A_872 = vector.broadcast %add3A_871 : i32 to vector<16xi32>
      %add3A_873 = arith.addi %get3A_870, %add3A_872 : vector<16xi32>
      %swap3A_874 = arith.constant 1376 : index
      %swap3A_875 = tpu.vector_load %arg12[%swap3A_874] {strides = array<i32>} : memref<2048xi32, #tpu.memory_space<vmem>>, vector<16xi32>,
      tpu.vector_store %arg12[%swap3A_874], %add3A_873 {strides = array<i32>} : memref<2048xi32, #tpu.memory_space<vmem>>, vector<16xi32>,
      %get3A_876 = arith.constant 112 : index
      %get3A_877 = tpu.vector_load %arg11[%get3A_876] {strides = array<i32>} : memref<128xi32, #tpu.memory_space<vmem>>, vector<16xi32>,
      %add3A_878 = arith.constant 1310720 : i32
      %add3A_879 = vector.broadcast %add3A_878 : i32 to vector<16xi32>
      %add3A_880 = arith.addi %get3A_877, %add3A_879 : vector<16xi32>
      %swap3A_881 = arith.constant 1392 : index
      %swap3A_882 = tpu.vector_load %arg12[%swap3A_881] {strides = array<i32>} : memref<2048xi32, #tpu.memory_space<vmem>>, vector<16xi32>,
      tpu.vector_store %arg12[%swap3A_881], %add3A_880 {strides = array<i32>} : memref<2048xi32, #tpu.memory_space<vmem>>, vector<16xi32>,
      %get3A_883 = arith.constant 0 : index
      %get3A_884 = tpu.vector_load %arg11[%get3A_883] {strides = array<i32>} : memref<128xi32, #tpu.memory_space<vmem>>, vector<16xi32>,
      %add3A_885 = arith.constant 1441792 : i32
      %add3A_886 = vector.broadcast %add3A_885 : i32 to vector<16xi32>
      %add3A_887 = arith.addi %get3A_884, %add3A_886 : vector<16xi32>
      %swap3A_888 = arith.constant 1408 : index
      %swap3A_889 = tpu.vector_load %arg12[%swap3A_888] {strides = array<i32>} : memref<2048xi32, #tpu.memory_space<vmem>>, vector<16xi32>,
      tpu.vector_store %arg12[%swap3A_888], %add3A_887 {strides = array<i32>} : memref<2048xi32, #tpu.memory_space<vmem>>, vector<16xi32>,
      %get3A_890 = arith.constant 16 : index
      %get3A_891 = tpu.vector_load %arg11[%get3A_890] {strides = array<i32>} : memref<128xi32, #tpu.memory_space<vmem>>, vector<16xi32>,
      %add3A_892 = arith.constant 1441792 : i32
      %add3A_893 = vector.broadcast %add3A_892 : i32 to vector<16xi32>
      %add3A_894 = arith.addi %get3A_891, %add3A_893 : vector<16xi32>
      %swap3A_895 = arith.constant 1424 : index
      %swap3A_896 = tpu.vector_load %arg12[%swap3A_895] {strides = array<i32>} : memref<2048xi32, #tpu.memory_space<vmem>>, vector<16xi32>,
      tpu.vector_store %arg12[%swap3A_895], %add3A_894 {strides = array<i32>} : memref<2048xi32, #tpu.memory_space<vmem>>, vector<16xi32>,
      %get3A_897 = arith.constant 32 : index
      %get3A_898 = tpu.vector_load %arg11[%get3A_897] {strides = array<i32>} : memref<128xi32, #tpu.memory_space<vmem>>, vector<16xi32>,
      %add3A_899 = arith.constant 1441792 : i32
      %add3A_900 = vector.broadcast %add3A_899 : i32 to vector<16xi32>
      %add3A_901 = arith.addi %get3A_898, %add3A_900 : vector<16xi32>
      %swap3A_902 = arith.constant 1440 : index
      %swap3A_903 = tpu.vector_load %arg12[%swap3A_902] {strides = array<i32>} : memref<2048xi32, #tpu.memory_space<vmem>>, vector<16xi32>,
      tpu.vector_store %arg12[%swap3A_902], %add3A_901 {strides = array<i32>} : memref<2048xi32, #tpu.memory_space<vmem>>, vector<16xi32>,
      %get3A_904 = arith.constant 48 : index
      %get3A_905 = tpu.vector_load %arg11[%get3A_904] {strides = array<i32>} : memref<128xi32, #tpu.memory_space<vmem>>, vector<16xi32>,
      %add3A_906 = arith.constant 1441792 : i32
      %add3A_907 = vector.broadcast %add3A_906 : i32 to vector<16xi32>
      %add3A_908 = arith.addi %get3A_905, %add3A_907 : vector<16xi32>
      %swap3A_909 = arith.constant 1456 : index
      %swap3A_910 = tpu.vector_load %arg12[%swap3A_909] {strides = array<i32>} : memref<2048xi32, #tpu.memory_space<vmem>>, vector<16xi32>,
      tpu.vector_store %arg12[%swap3A_909], %add3A_908 {strides = array<i32>} : memref<2048xi32, #tpu.memory_space<vmem>>, vector<16xi32>,
      %get3A_911 = arith.constant 64 : index
      %get3A_912 = tpu.vector_load %arg11[%get3A_911] {strides = array<i32>} : memref<128xi32, #tpu.memory_space<vmem>>, vector<16xi32>,
      %add3A_913 = arith.constant 1441792 : i32
      %add3A_914 = vector.broadcast %add3A_913 : i32 to vector<16xi32>
      %add3A_915 = arith.addi %get3A_912, %add3A_914 : vector<16xi32>
      %swap3A_916 = arith.constant 1472 : index
      %swap3A_917 = tpu.vector_load %arg12[%swap3A_916] {strides = array<i32>} : memref<2048xi32, #tpu.memory_space<vmem>>, vector<16xi32>,
      tpu.vector_store %arg12[%swap3A_916], %add3A_915 {strides = array<i32>} : memref<2048xi32, #tpu.memory_space<vmem>>, vector<16xi32>,
      %get3A_918 = arith.constant 80 : index
      %get3A_919 = tpu.vector_load %arg11[%get3A_918] {strides = array<i32>} : memref<128xi32, #tpu.memory_space<vmem>>, vector<16xi32>,
      %add3A_920 = arith.constant 1441792 : i32
      %add3A_921 = vector.broadcast %add3A_920 : i32 to vector<16xi32>
      %add3A_922 = arith.addi %get3A_919, %add3A_921 : vector<16xi32>
      %swap3A_923 = arith.constant 1488 : index
      %swap3A_924 = tpu.vector_load %arg12[%swap3A_923] {strides = array<i32>} : memref<2048xi32, #tpu.memory_space<vmem>>, vector<16xi32>,
      tpu.vector_store %arg12[%swap3A_923], %add3A_922 {strides = array<i32>} : memref<2048xi32, #tpu.memory_space<vmem>>, vector<16xi32>,
      %get3A_925 = arith.constant 96 : index
      %get3A_926 = tpu.vector_load %arg11[%get3A_925] {strides = array<i32>} : memref<128xi32, #tpu.memory_space<vmem>>, vector<16xi32>,
      %add3A_927 = arith.constant 1441792 : i32
      %add3A_928 = vector.broadcast %add3A_927 : i32 to vector<16xi32>
      %add3A_929 = arith.addi %get3A_926, %add3A_928 : vector<16xi32>
      %swap3A_930 = arith.constant 1504 : index
      %swap3A_931 = tpu.vector_load %arg12[%swap3A_930] {strides = array<i32>} : memref<2048xi32, #tpu.memory_space<vmem>>, vector<16xi32>,
      tpu.vector_store %arg12[%swap3A_930], %add3A_929 {strides = array<i32>} : memref<2048xi32, #tpu.memory_space<vmem>>, vector<16xi32>,
      %get3A_932 = arith.constant 112 : index
      %get3A_933 = tpu.vector_load %arg11[%get3A_932] {strides = array<i32>} : memref<128xi32, #tpu.memory_space<vmem>>, vector<16xi32>,
      %add3A_934 = arith.constant 1441792 : i32
      %add3A_935 = vector.broadcast %add3A_934 : i32 to vector<16xi32>
      %add3A_936 = arith.addi %get3A_933, %add3A_935 : vector<16xi32>
      %swap3A_937 = arith.constant 1520 : index
      %swap3A_938 = tpu.vector_load %arg12[%swap3A_937] {strides = array<i32>} : memref<2048xi32, #tpu.memory_space<vmem>>, vector<16xi32>,
      tpu.vector_store %arg12[%swap3A_937], %add3A_936 {strides = array<i32>} : memref<2048xi32, #tpu.memory_space<vmem>>, vector<16xi32>,
      %get3A_939 = arith.constant 0 : index
      %get3A_940 = tpu.vector_load %arg11[%get3A_939] {strides = array<i32>} : memref<128xi32, #tpu.memory_space<vmem>>, vector<16xi32>,
      %add3A_941 = arith.constant 1572864 : i32
      %add3A_942 = vector.broadcast %add3A_941 : i32 to vector<16xi32>
      %add3A_943 = arith.addi %get3A_940, %add3A_942 : vector<16xi32>
      %swap3A_944 = arith.constant 1536 : index
      %swap3A_945 = tpu.vector_load %arg12[%swap3A_944] {strides = array<i32>} : memref<2048xi32, #tpu.memory_space<vmem>>, vector<16xi32>,
      tpu.vector_store %arg12[%swap3A_944], %add3A_943 {strides = array<i32>} : memref<2048xi32, #tpu.memory_space<vmem>>, vector<16xi32>,
      %get3A_946 = arith.constant 16 : index
      %get3A_947 = tpu.vector_load %arg11[%get3A_946] {strides = array<i32>} : memref<128xi32, #tpu.memory_space<vmem>>, vector<16xi32>,
      %add3A_948 = arith.constant 1572864 : i32
      %add3A_949 = vector.broadcast %add3A_948 : i32 to vector<16xi32>
      %add3A_950 = arith.addi %get3A_947, %add3A_949 : vector<16xi32>
      %swap3A_951 = arith.constant 1552 : index
      %swap3A_952 = tpu.vector_load %arg12[%swap3A_951] {strides = array<i32>} : memref<2048xi32, #tpu.memory_space<vmem>>, vector<16xi32>,
      tpu.vector_store %arg12[%swap3A_951], %add3A_950 {strides = array<i32>} : memref<2048xi32, #tpu.memory_space<vmem>>, vector<16xi32>,
      %get3A_953 = arith.constant 32 : index
      %get3A_954 = tpu.vector_load %arg11[%get3A_953] {strides = array<i32>} : memref<128xi32, #tpu.memory_space<vmem>>, vector<16xi32>,
      %add3A_955 = arith.constant 1572864 : i32
      %add3A_956 = vector.broadcast %add3A_955 : i32 to vector<16xi32>
      %add3A_957 = arith.addi %get3A_954, %add3A_956 : vector<16xi32>
      %swap3A_958 = arith.constant 1568 : index
      %swap3A_959 = tpu.vector_load %arg12[%swap3A_958] {strides = array<i32>} : memref<2048xi32, #tpu.memory_space<vmem>>, vector<16xi32>,
      tpu.vector_store %arg12[%swap3A_958], %add3A_957 {strides = array<i32>} : memref<2048xi32, #tpu.memory_space<vmem>>, vector<16xi32>,
      %get3A_960 = arith.constant 48 : index
      %get3A_961 = tpu.vector_load %arg11[%get3A_960] {strides = array<i32>} : memref<128xi32, #tpu.memory_space<vmem>>, vector<16xi32>,
      %add3A_962 = arith.constant 1572864 : i32
      %add3A_963 = vector.broadcast %add3A_962 : i32 to vector<16xi32>
      %add3A_964 = arith.addi %get3A_961, %add3A_963 : vector<16xi32>
      %swap3A_965 = arith.constant 1584 : index
      %swap3A_966 = tpu.vector_load %arg12[%swap3A_965] {strides = array<i32>} : memref<2048xi32, #tpu.memory_space<vmem>>, vector<16xi32>,
      tpu.vector_store %arg12[%swap3A_965], %add3A_964 {strides = array<i32>} : memref<2048xi32, #tpu.memory_space<vmem>>, vector<16xi32>,
      %get3A_967 = arith.constant 64 : index
      %get3A_968 = tpu.vector_load %arg11[%get3A_967] {strides = array<i32>} : memref<128xi32, #tpu.memory_space<vmem>>, vector<16xi32>,
      %add3A_969 = arith.constant 1572864 : i32
      %add3A_970 = vector.broadcast %add3A_969 : i32 to vector<16xi32>
      %add3A_971 = arith.addi %get3A_968, %add3A_970 : vector<16xi32>
      %swap3A_972 = arith.constant 1600 : index
      %swap3A_973 = tpu.vector_load %arg12[%swap3A_972] {strides = array<i32>} : memref<2048xi32, #tpu.memory_space<vmem>>, vector<16xi32>,
      tpu.vector_store %arg12[%swap3A_972], %add3A_971 {strides = array<i32>} : memref<2048xi32, #tpu.memory_space<vmem>>, vector<16xi32>,
      %get3A_974 = arith.constant 80 : index
      %get3A_975 = tpu.vector_load %arg11[%get3A_974] {strides = array<i32>} : memref<128xi32, #tpu.memory_space<vmem>>, vector<16xi32>,
      %add3A_976 = arith.constant 1572864 : i32
      %add3A_977 = vector.broadcast %add3A_976 : i32 to vector<16xi32>
      %add3A_978 = arith.addi %get3A_975, %add3A_977 : vector<16xi32>
      %swap3A_979 = arith.constant 1616 : index
      %swap3A_980 = tpu.vector_load %arg12[%swap3A_979] {strides = array<i32>} : memref<2048xi32, #tpu.memory_space<vmem>>, vector<16xi32>,
      tpu.vector_store %arg12[%swap3A_979], %add3A_978 {strides = array<i32>} : memref<2048xi32, #tpu.memory_space<vmem>>, vector<16xi32>,
      %get3A_981 = arith.constant 96 : index
      %get3A_982 = tpu.vector_load %arg11[%get3A_981] {strides = array<i32>} : memref<128xi32, #tpu.memory_space<vmem>>, vector<16xi32>,
      %add3A_983 = arith.constant 1572864 : i32
      %add3A_984 = vector.broadcast %add3A_983 : i32 to vector<16xi32>
      %add3A_985 = arith.addi %get3A_982, %add3A_984 : vector<16xi32>
      %swap3A_986 = arith.constant 1632 : index
      %swap3A_987 = tpu.vector_load %arg12[%swap3A_986] {strides = array<i32>} : memref<2048xi32, #tpu.memory_space<vmem>>, vector<16xi32>,
      tpu.vector_store %arg12[%swap3A_986], %add3A_985 {strides = array<i32>} : memref<2048xi32, #tpu.memory_space<vmem>>, vector<16xi32>,
      %get3A_988 = arith.constant 112 : index
      %get3A_989 = tpu.vector_load %arg11[%get3A_988] {strides = array<i32>} : memref<128xi32, #tpu.memory_space<vmem>>, vector<16xi32>,
      %add3A_990 = arith.constant 1572864 : i32
      %add3A_991 = vector.broadcast %add3A_990 : i32 to vector<16xi32>
      %add3A_992 = arith.addi %get3A_989, %add3A_991 : vector<16xi32>
      %swap3A_993 = arith.constant 1648 : index
      %swap3A_994 = tpu.vector_load %arg12[%swap3A_993] {strides = array<i32>} : memref<2048xi32, #tpu.memory_space<vmem>>, vector<16xi32>,
      tpu.vector_store %arg12[%swap3A_993], %add3A_992 {strides = array<i32>} : memref<2048xi32, #tpu.memory_space<vmem>>, vector<16xi32>,
      %get3A_995 = arith.constant 0 : index
      %get3A_996 = tpu.vector_load %arg11[%get3A_995] {strides = array<i32>} : memref<128xi32, #tpu.memory_space<vmem>>, vector<16xi32>,
      %add3A_997 = arith.constant 1703936 : i32
      %add3A_998 = vector.broadcast %add3A_997 : i32 to vector<16xi32>
      %add3A_999 = arith.addi %get3A_996, %add3A_998 : vector<16xi32>
      %swap3A_1000 = arith.constant 1664 : index
      %swap3A_1001 = tpu.vector_load %arg12[%swap3A_1000] {strides = array<i32>} : memref<2048xi32, #tpu.memory_space<vmem>>, vector<16xi32>,
      tpu.vector_store %arg12[%swap3A_1000], %add3A_999 {strides = array<i32>} : memref<2048xi32, #tpu.memory_space<vmem>>, vector<16xi32>,
      %get3A_1002 = arith.constant 16 : index
      %get3A_1003 = tpu.vector_load %arg11[%get3A_1002] {strides = array<i32>} : memref<128xi32, #tpu.memory_space<vmem>>, vector<16xi32>,
      %add3A_1004 = arith.constant 1703936 : i32
      %add3A_1005 = vector.broadcast %add3A_1004 : i32 to vector<16xi32>
      %add3A_1006 = arith.addi %get3A_1003, %add3A_1005 : vector<16xi32>
      %swap3A_1007 = arith.constant 1680 : index
      %swap3A_1008 = tpu.vector_load %arg12[%swap3A_1007] {strides = array<i32>} : memref<2048xi32, #tpu.memory_space<vmem>>, vector<16xi32>,
      tpu.vector_store %arg12[%swap3A_1007], %add3A_1006 {strides = array<i32>} : memref<2048xi32, #tpu.memory_space<vmem>>, vector<16xi32>,
      %get3A_1009 = arith.constant 32 : index
      %get3A_1010 = tpu.vector_load %arg11[%get3A_1009] {strides = array<i32>} : memref<128xi32, #tpu.memory_space<vmem>>, vector<16xi32>,
      %add3A_1011 = arith.constant 1703936 : i32
      %add3A_1012 = vector.broadcast %add3A_1011 : i32 to vector<16xi32>
      %add3A_1013 = arith.addi %get3A_1010, %add3A_1012 : vector<16xi32>
      %swap3A_1014 = arith.constant 1696 : index
      %swap3A_1015 = tpu.vector_load %arg12[%swap3A_1014] {strides = array<i32>} : memref<2048xi32, #tpu.memory_space<vmem>>, vector<16xi32>,
      tpu.vector_store %arg12[%swap3A_1014], %add3A_1013 {strides = array<i32>} : memref<2048xi32, #tpu.memory_space<vmem>>, vector<16xi32>,
      %get3A_1016 = arith.constant 48 : index
      %get3A_1017 = tpu.vector_load %arg11[%get3A_1016] {strides = array<i32>} : memref<128xi32, #tpu.memory_space<vmem>>, vector<16xi32>,
      %add3A_1018 = arith.constant 1703936 : i32
      %add3A_1019 = vector.broadcast %add3A_1018 : i32 to vector<16xi32>
      %add3A_1020 = arith.addi %get3A_1017, %add3A_1019 : vector<16xi32>
      %swap3A_1021 = arith.constant 1712 : index
      %swap3A_1022 = tpu.vector_load %arg12[%swap3A_1021] {strides = array<i32>} : memref<2048xi32, #tpu.memory_space<vmem>>, vector<16xi32>,
      tpu.vector_store %arg12[%swap3A_1021], %add3A_1020 {strides = array<i32>} : memref<2048xi32, #tpu.memory_space<vmem>>, vector<16xi32>,
      %get3A_1023 = arith.constant 64 : index
      %get3A_1024 = tpu.vector_load %arg11[%get3A_1023] {strides = array<i32>} : memref<128xi32, #tpu.memory_space<vmem>>, vector<16xi32>,
      %add3A_1025 = arith.constant 1703936 : i32
      %add3A_1026 = vector.broadcast %add3A_1025 : i32 to vector<16xi32>
      %add3A_1027 = arith.addi %get3A_1024, %add3A_1026 : vector<16xi32>
      %swap3A_1028 = arith.constant 1728 : index
      %swap3A_1029 = tpu.vector_load %arg12[%swap3A_1028] {strides = array<i32>} : memref<2048xi32, #tpu.memory_space<vmem>>, vector<16xi32>,
      tpu.vector_store %arg12[%swap3A_1028], %add3A_1027 {strides = array<i32>} : memref<2048xi32, #tpu.memory_space<vmem>>, vector<16xi32>,
      %get3A_1030 = arith.constant 80 : index
      %get3A_1031 = tpu.vector_load %arg11[%get3A_1030] {strides = array<i32>} : memref<128xi32, #tpu.memory_space<vmem>>, vector<16xi32>,
      %add3A_1032 = arith.constant 1703936 : i32
      %add3A_1033 = vector.broadcast %add3A_1032 : i32 to vector<16xi32>
      %add3A_1034 = arith.addi %get3A_1031, %add3A_1033 : vector<16xi32>
      %swap3A_1035 = arith.constant 1744 : index
      %swap3A_1036 = tpu.vector_load %arg12[%swap3A_1035] {strides = array<i32>} : memref<2048xi32, #tpu.memory_space<vmem>>, vector<16xi32>,
      tpu.vector_store %arg12[%swap3A_1035], %add3A_1034 {strides = array<i32>} : memref<2048xi32, #tpu.memory_space<vmem>>, vector<16xi32>,
      %get3A_1037 = arith.constant 96 : index
      %get3A_1038 = tpu.vector_load %arg11[%get3A_1037] {strides = array<i32>} : memref<128xi32, #tpu.memory_space<vmem>>, vector<16xi32>,
      %add3A_1039 = arith.constant 1703936 : i32
      %add3A_1040 = vector.broadcast %add3A_1039 : i32 to vector<16xi32>
      %add3A_1041 = arith.addi %get3A_1038, %add3A_1040 : vector<16xi32>
      %swap3A_1042 = arith.constant 1760 : index
      %swap3A_1043 = tpu.vector_load %arg12[%swap3A_1042] {strides = array<i32>} : memref<2048xi32, #tpu.memory_space<vmem>>, vector<16xi32>,
      tpu.vector_store %arg12[%swap3A_1042], %add3A_1041 {strides = array<i32>} : memref<2048xi32, #tpu.memory_space<vmem>>, vector<16xi32>,
      %get3A_1044 = arith.constant 112 : index
      %get3A_1045 = tpu.vector_load %arg11[%get3A_1044] {strides = array<i32>} : memref<128xi32, #tpu.memory_space<vmem>>, vector<16xi32>,
      %add3A_1046 = arith.constant 1703936 : i32
      %add3A_1047 = vector.broadcast %add3A_1046 : i32 to vector<16xi32>
      %add3A_1048 = arith.addi %get3A_1045, %add3A_1047 : vector<16xi32>
      %swap3A_1049 = arith.constant 1776 : index
      %swap3A_1050 = tpu.vector_load %arg12[%swap3A_1049] {strides = array<i32>} : memref<2048xi32, #tpu.memory_space<vmem>>, vector<16xi32>,
      tpu.vector_store %arg12[%swap3A_1049], %add3A_1048 {strides = array<i32>} : memref<2048xi32, #tpu.memory_space<vmem>>, vector<16xi32>,
      %get3A_1051 = arith.constant 0 : index
      %get3A_1052 = tpu.vector_load %arg11[%get3A_1051] {strides = array<i32>} : memref<128xi32, #tpu.memory_space<vmem>>, vector<16xi32>,
      %add3A_1053 = arith.constant 1835008 : i32
      %add3A_1054 = vector.broadcast %add3A_1053 : i32 to vector<16xi32>
      %add3A_1055 = arith.addi %get3A_1052, %add3A_1054 : vector<16xi32>
      %swap3A_1056 = arith.constant 1792 : index
      %swap3A_1057 = tpu.vector_load %arg12[%swap3A_1056] {strides = array<i32>} : memref<2048xi32, #tpu.memory_space<vmem>>, vector<16xi32>,
      tpu.vector_store %arg12[%swap3A_1056], %add3A_1055 {strides = array<i32>} : memref<2048xi32, #tpu.memory_space<vmem>>, vector<16xi32>,
      %get3A_1058 = arith.constant 16 : index
      %get3A_1059 = tpu.vector_load %arg11[%get3A_1058] {strides = array<i32>} : memref<128xi32, #tpu.memory_space<vmem>>, vector<16xi32>,
      %add3A_1060 = arith.constant 1835008 : i32
      %add3A_1061 = vector.broadcast %add3A_1060 : i32 to vector<16xi32>
      %add3A_1062 = arith.addi %get3A_1059, %add3A_1061 : vector<16xi32>
      %swap3A_1063 = arith.constant 1808 : index
      %swap3A_1064 = tpu.vector_load %arg12[%swap3A_1063] {strides = array<i32>} : memref<2048xi32, #tpu.memory_space<vmem>>, vector<16xi32>,
      tpu.vector_store %arg12[%swap3A_1063], %add3A_1062 {strides = array<i32>} : memref<2048xi32, #tpu.memory_space<vmem>>, vector<16xi32>,
      %get3A_1065 = arith.constant 32 : index
      %get3A_1066 = tpu.vector_load %arg11[%get3A_1065] {strides = array<i32>} : memref<128xi32, #tpu.memory_space<vmem>>, vector<16xi32>,
      %add3A_1067 = arith.constant 1835008 : i32
      %add3A_1068 = vector.broadcast %add3A_1067 : i32 to vector<16xi32>
      %add3A_1069 = arith.addi %get3A_1066, %add3A_1068 : vector<16xi32>
      %swap3A_1070 = arith.constant 1824 : index
      %swap3A_1071 = tpu.vector_load %arg12[%swap3A_1070] {strides = array<i32>} : memref<2048xi32, #tpu.memory_space<vmem>>, vector<16xi32>,
      tpu.vector_store %arg12[%swap3A_1070], %add3A_1069 {strides = array<i32>} : memref<2048xi32, #tpu.memory_space<vmem>>, vector<16xi32>,
      %get3A_1072 = arith.constant 48 : index
      %get3A_1073 = tpu.vector_load %arg11[%get3A_1072] {strides = array<i32>} : memref<128xi32, #tpu.memory_space<vmem>>, vector<16xi32>,
      %add3A_1074 = arith.constant 1835008 : i32
      %add3A_1075 = vector.broadcast %add3A_1074 : i32 to vector<16xi32>
      %add3A_1076 = arith.addi %get3A_1073, %add3A_1075 : vector<16xi32>
      %swap3A_1077 = arith.constant 1840 : index
      %swap3A_1078 = tpu.vector_load %arg12[%swap3A_1077] {strides = array<i32>} : memref<2048xi32, #tpu.memory_space<vmem>>, vector<16xi32>,
      tpu.vector_store %arg12[%swap3A_1077], %add3A_1076 {strides = array<i32>} : memref<2048xi32, #tpu.memory_space<vmem>>, vector<16xi32>,
      %get3A_1079 = arith.constant 64 : index
      %get3A_1080 = tpu.vector_load %arg11[%get3A_1079] {strides = array<i32>} : memref<128xi32, #tpu.memory_space<vmem>>, vector<16xi32>,
      %add3A_1081 = arith.constant 1835008 : i32
      %add3A_1082 = vector.broadcast %add3A_1081 : i32 to vector<16xi32>
      %add3A_1083 = arith.addi %get3A_1080, %add3A_1082 : vector<16xi32>
      %swap3A_1084 = arith.constant 1856 : index
      %swap3A_1085 = tpu.vector_load %arg12[%swap3A_1084] {strides = array<i32>} : memref<2048xi32, #tpu.memory_space<vmem>>, vector<16xi32>,
      tpu.vector_store %arg12[%swap3A_1084], %add3A_1083 {strides = array<i32>} : memref<2048xi32, #tpu.memory_space<vmem>>, vector<16xi32>,
      %get3A_1086 = arith.constant 80 : index
      %get3A_1087 = tpu.vector_load %arg11[%get3A_1086] {strides = array<i32>} : memref<128xi32, #tpu.memory_space<vmem>>, vector<16xi32>,
      %add3A_1088 = arith.constant 1835008 : i32
      %add3A_1089 = vector.broadcast %add3A_1088 : i32 to vector<16xi32>
      %add3A_1090 = arith.addi %get3A_1087, %add3A_1089 : vector<16xi32>
      %swap3A_1091 = arith.constant 1872 : index
      %swap3A_1092 = tpu.vector_load %arg12[%swap3A_1091] {strides = array<i32>} : memref<2048xi32, #tpu.memory_space<vmem>>, vector<16xi32>,
      tpu.vector_store %arg12[%swap3A_1091], %add3A_1090 {strides = array<i32>} : memref<2048xi32, #tpu.memory_space<vmem>>, vector<16xi32>,
      %get3A_1093 = arith.constant 96 : index
      %get3A_1094 = tpu.vector_load %arg11[%get3A_1093] {strides = array<i32>} : memref<128xi32, #tpu.memory_space<vmem>>, vector<16xi32>,
      %add3A_1095 = arith.constant 1835008 : i32
      %add3A_1096 = vector.broadcast %add3A_1095 : i32 to vector<16xi32>
      %add3A_1097 = arith.addi %get3A_1094, %add3A_1096 : vector<16xi32>
      %swap3A_1098 = arith.constant 1888 : index
      %swap3A_1099 = tpu.vector_load %arg12[%swap3A_1098] {strides = array<i32>} : memref<2048xi32, #tpu.memory_space<vmem>>, vector<16xi32>,
      tpu.vector_store %arg12[%swap3A_1098], %add3A_1097 {strides = array<i32>} : memref<2048xi32, #tpu.memory_space<vmem>>, vector<16xi32>,
      %get3A_1100 = arith.constant 112 : index
      %get3A_1101 = tpu.vector_load %arg11[%get3A_1100] {strides = array<i32>} : memref<128xi32, #tpu.memory_space<vmem>>, vector<16xi32>,
      %add3A_1102 = arith.constant 1835008 : i32
      %add3A_1103 = vector.broadcast %add3A_1102 : i32 to vector<16xi32>
      %add3A_1104 = arith.addi %get3A_1101, %add3A_1103 : vector<16xi32>
      %swap3A_1105 = arith.constant 1904 : index
      %swap3A_1106 = tpu.vector_load %arg12[%swap3A_1105] {strides = array<i32>} : memref<2048xi32, #tpu.memory_space<vmem>>, vector<16xi32>,
      tpu.vector_store %arg12[%swap3A_1105], %add3A_1104 {strides = array<i32>} : memref<2048xi32, #tpu.memory_space<vmem>>, vector<16xi32>,
      %get3A_1107 = arith.constant 0 : index
      %get3A_1108 = tpu.vector_load %arg11[%get3A_1107] {strides = array<i32>} : memref<128xi32, #tpu.memory_space<vmem>>, vector<16xi32>,
      %add3A_1109 = arith.constant 1966080 : i32
      %add3A_1110 = vector.broadcast %add3A_1109 : i32 to vector<16xi32>
      %add3A_1111 = arith.addi %get3A_1108, %add3A_1110 : vector<16xi32>
      %swap3A_1112 = arith.constant 1920 : index
      %swap3A_1113 = tpu.vector_load %arg12[%swap3A_1112] {strides = array<i32>} : memref<2048xi32, #tpu.memory_space<vmem>>, vector<16xi32>,
      tpu.vector_store %arg12[%swap3A_1112], %add3A_1111 {strides = array<i32>} : memref<2048xi32, #tpu.memory_space<vmem>>, vector<16xi32>,
      %get3A_1114 = arith.constant 16 : index
      %get3A_1115 = tpu.vector_load %arg11[%get3A_1114] {strides = array<i32>} : memref<128xi32, #tpu.memory_space<vmem>>, vector<16xi32>,
      %add3A_1116 = arith.constant 1966080 : i32
      %add3A_1117 = vector.broadcast %add3A_1116 : i32 to vector<16xi32>
      %add3A_1118 = arith.addi %get3A_1115, %add3A_1117 : vector<16xi32>
      %swap3A_1119 = arith.constant 1936 : index
      %swap3A_1120 = tpu.vector_load %arg12[%swap3A_1119] {strides = array<i32>} : memref<2048xi32, #tpu.memory_space<vmem>>, vector<16xi32>,
      tpu.vector_store %arg12[%swap3A_1119], %add3A_1118 {strides = array<i32>} : memref<2048xi32, #tpu.memory_space<vmem>>, vector<16xi32>,
      %get3A_1121 = arith.constant 32 : index
      %get3A_1122 = tpu.vector_load %arg11[%get3A_1121] {strides = array<i32>} : memref<128xi32, #tpu.memory_space<vmem>>, vector<16xi32>,
      %add3A_1123 = arith.constant 1966080 : i32
      %add3A_1124 = vector.broadcast %add3A_1123 : i32 to vector<16xi32>
      %add3A_1125 = arith.addi %get3A_1122, %add3A_1124 : vector<16xi32>
      %swap3A_1126 = arith.constant 1952 : index
      %swap3A_1127 = tpu.vector_load %arg12[%swap3A_1126] {strides = array<i32>} : memref<2048xi32, #tpu.memory_space<vmem>>, vector<16xi32>,
      tpu.vector_store %arg12[%swap3A_1126], %add3A_1125 {strides = array<i32>} : memref<2048xi32, #tpu.memory_space<vmem>>, vector<16xi32>,
      %get3A_1128 = arith.constant 48 : index
      %get3A_1129 = tpu.vector_load %arg11[%get3A_1128] {strides = array<i32>} : memref<128xi32, #tpu.memory_space<vmem>>, vector<16xi32>,
      %add3A_1130 = arith.constant 1966080 : i32
      %add3A_1131 = vector.broadcast %add3A_1130 : i32 to vector<16xi32>
      %add3A_1132 = arith.addi %get3A_1129, %add3A_1131 : vector<16xi32>
      %swap3A_1133 = arith.constant 1968 : index
      %swap3A_1134 = tpu.vector_load %arg12[%swap3A_1133] {strides = array<i32>} : memref<2048xi32, #tpu.memory_space<vmem>>, vector<16xi32>,
      tpu.vector_store %arg12[%swap3A_1133], %add3A_1132 {strides = array<i32>} : memref<2048xi32, #tpu.memory_space<vmem>>, vector<16xi32>,
      %get3A_1135 = arith.constant 64 : index
      %get3A_1136 = tpu.vector_load %arg11[%get3A_1135] {strides = array<i32>} : memref<128xi32, #tpu.memory_space<vmem>>, vector<16xi32>,
      %add3A_1137 = arith.constant 1966080 : i32
      %add3A_1138 = vector.broadcast %add3A_1137 : i32 to vector<16xi32>
      %add3A_1139 = arith.addi %get3A_1136, %add3A_1138 : vector<16xi32>
      %swap3A_1140 = arith.constant 1984 : index
      %swap3A_1141 = tpu.vector_load %arg12[%swap3A_1140] {strides = array<i32>} : memref<2048xi32, #tpu.memory_space<vmem>>, vector<16xi32>,
      tpu.vector_store %arg12[%swap3A_1140], %add3A_1139 {strides = array<i32>} : memref<2048xi32, #tpu.memory_space<vmem>>, vector<16xi32>,
      %get3A_1142 = arith.constant 80 : index
      %get3A_1143 = tpu.vector_load %arg11[%get3A_1142] {strides = array<i32>} : memref<128xi32, #tpu.memory_space<vmem>>, vector<16xi32>,
      %add3A_1144 = arith.constant 1966080 : i32
      %add3A_1145 = vector.broadcast %add3A_1144 : i32 to vector<16xi32>
      %add3A_1146 = arith.addi %get3A_1143, %add3A_1145 : vector<16xi32>
      %swap3A_1147 = arith.constant 2000 : index
      %swap3A_1148 = tpu.vector_load %arg12[%swap3A_1147] {strides = array<i32>} : memref<2048xi32, #tpu.memory_space<vmem>>, vector<16xi32>,
      tpu.vector_store %arg12[%swap3A_1147], %add3A_1146 {strides = array<i32>} : memref<2048xi32, #tpu.memory_space<vmem>>, vector<16xi32>,
      %get3A_1149 = arith.constant 96 : index
      %get3A_1150 = tpu.vector_load %arg11[%get3A_1149] {strides = array<i32>} : memref<128xi32, #tpu.memory_space<vmem>>, vector<16xi32>,
      %add3A_1151 = arith.constant 1966080 : i32
      %add3A_1152 = vector.broadcast %add3A_1151 : i32 to vector<16xi32>
      %add3A_1153 = arith.addi %get3A_1150, %add3A_1152 : vector<16xi32>
      %swap3A_1154 = arith.constant 2016 : index
      %swap3A_1155 = tpu.vector_load %arg12[%swap3A_1154] {strides = array<i32>} : memref<2048xi32, #tpu.memory_space<vmem>>, vector<16xi32>,
      tpu.vector_store %arg12[%swap3A_1154], %add3A_1153 {strides = array<i32>} : memref<2048xi32, #tpu.memory_space<vmem>>, vector<16xi32>,
      %get3A_1156 = arith.constant 112 : index
      %get3A_1157 = tpu.vector_load %arg11[%get3A_1156] {strides = array<i32>} : memref<128xi32, #tpu.memory_space<vmem>>, vector<16xi32>,
      %add3A_1158 = arith.constant 1966080 : i32
      %add3A_1159 = vector.broadcast %add3A_1158 : i32 to vector<16xi32>
      %add3A_1160 = arith.addi %get3A_1157, %add3A_1159 : vector<16xi32>
      %swap3A_1161 = arith.constant 2032 : index
      %swap3A_1162 = tpu.vector_load %arg12[%swap3A_1161] {strides = array<i32>} : memref<2048xi32, #tpu.memory_space<vmem>>, vector<16xi32>,
      tpu.vector_store %arg12[%swap3A_1161], %add3A_1160 {strides = array<i32>} : memref<2048xi32, #tpu.memory_space<vmem>>, vector<16xi32>,
      %dma_start3A = arith.constant 0 : i32
      %dma_start3A_1163 = tpu.memref_slice %arg2[%dma_start3A] : memref<104857600xf32, #tpu.memory_space<hbm>> -> memref<104857600xf32, #tpu.memory_space<hbm>>
      tpu.enqueue_indirect_dma source(%dma_start3A_1163 : memref<104857600xf32, #tpu.memory_space<hbm>>) target(%arg13 : memref<2048xf32, #tpu.memory_space<vmem>>) offsets(%arg12 : memref<2048xi32, #tpu.memory_space<vmem>>) semaphore(%arg15 : memref<!tpu.dma_semaphore, #tpu.memory_space<semaphore_mem>>)
      %dma_wait3A = arith.constant 0 : i32
      %dma_wait3A_1164 = tpu.memref_slice %arg2[%dma_wait3A] : memref<104857600xf32, #tpu.memory_space<hbm>> -> memref<104857600xf32, #tpu.memory_space<hbm>>
      tpu.wait_indirect_dma semaphore(%arg15 : memref<!tpu.dma_semaphore, #tpu.memory_space<semaphore_mem>>) src(%dma_wait3A_1164 : memref<104857600xf32, #tpu.memory_space<hbm>>) dst(%arg13 : memref<2048xf32, #tpu.memory_space<vmem>>)
      %broadcast_in_dim3A_1165 = arith.constant -1.000000e+30 : f32
      %broadcast_in_dim3A_1166 = vector.broadcast %broadcast_in_dim3A_1165 : f32 to vector<16xf32>
      %swap3A_1167 = arith.constant 0 : index
      %swap3A_1168 = tpu.vector_load %arg7[%swap3A_1167] {strides = array<i32>} : memref<32xf32, #tpu.memory_space<vmem>>, vector<16xf32>,
      tpu.vector_store %arg7[%swap3A_1167], %broadcast_in_dim3A_1166 {strides = array<i32>} : memref<32xf32, #tpu.memory_space<vmem>>, vector<16xf32>,
      %scan3A_1169 = arith.constant 0 : i32
      %scan3A_1170 = arith.constant 8 : i32
      %scan3A_1171 = arith.addi %scan3A_1169, %scan3A_1170 : i32
      %scan3A_1172 = arith.constant 1 : i32
      scf.for %scan3A_1179 = %scan3A_1169 to %scan3A_1171 step %scan3A_1172  : i32 {
        %mul3A_1180 = arith.constant 16 : i32
        %mul3A_1181 = arith.muli %scan3A_1179, %mul3A_1180 : i32
        %get3A_1182 = arith.index_cast %mul3A_1181 : i32 to index
        %get3A_1183 = tpu.vector_load %arg9[%get3A_1182] {strides = array<i32>} : memref<128xf32, #tpu.memory_space<vmem>>, vector<16xf32>,
        %reduce_max3A = arith.constant true
        %reduce_max3A_1184 = vector.broadcast %reduce_max3A : i1 to vector<16xi1>
        %reduce_max3A_1185 = tpu.scan <max>, %get3A_1183 masked %reduce_max3A_1184 : vector<16xf32>, vector<16xi1> -> vector<16xf32>
        %reduce_max3A_1186 = vector.extract %reduce_max3A_1185[15] : f32 from vector<16xf32>
        %get3A_1187 = arith.constant 0 : index
        %get3A_1188 = tpu.vector_load %arg7[%get3A_1187] {strides = array<i32>} : memref<32xf32, #tpu.memory_space<vmem>>, vector<16xf32>,
        %eq3A = vector.broadcast %scan3A_1179 : i32 to vector<16xi32>
        %eq3A_1189 = arith.cmpi eq, %iota3A, %eq3A : vector<16xi32>
        %broadcast_in_dim3A_1190 = vector.broadcast %reduce_max3A_1186 : f32 to vector<16xf32>
        %select_n3A = arith.select %eq3A_1189, %broadcast_in_dim3A_1190, %get3A_1188 : vector<16xi1>, vector<16xf32>
        %swap3A_1191 = arith.constant 0 : index
        %swap3A_1192 = tpu.vector_load %arg7[%swap3A_1191] {strides = array<i32>} : memref<32xf32, #tpu.memory_space<vmem>>, vector<16xf32>,
        tpu.vector_store %arg7[%swap3A_1191], %select_n3A {strides = array<i32>} : memref<32xf32, #tpu.memory_space<vmem>>, vector<16xf32>,
      }
      %scan3A_1173 = arith.constant 8 : i32
      %scan3A_1174 = arith.constant 0 : i32
      %scan3A_1175 = arith.constant 100 : i32
      %scan3A_1176 = arith.addi %scan3A_1174, %scan3A_1175 : i32
      %scan3A_1177 = arith.constant 1 : i32
      scf.for %scan3A_1179 = %scan3A_1174 to %scan3A_1176 step %scan3A_1177  : i32 {
        %get3A_1180 = arith.constant 0 : index
        %get3A_1181 = tpu.vector_load %arg7[%get3A_1180] {strides = array<i32>} : memref<32xf32, #tpu.memory_space<vmem>>, vector<16xf32>,
        %reduce_max3A = arith.constant true
        %reduce_max3A_1182 = vector.broadcast %reduce_max3A : i1 to vector<16xi1>
        %reduce_max3A_1183 = tpu.scan <max>, %get3A_1181 masked %reduce_max3A_1182 : vector<16xf32>, vector<16xi1> -> vector<16xf32>
        %reduce_max3A_1184 = vector.extract %reduce_max3A_1183[15] : f32 from vector<16xf32>
        %eq3A = vector.broadcast %reduce_max3A_1184 : f32 to vector<16xf32>
        %eq3A_1185 = arith.cmpf oeq, %get3A_1181, %eq3A : vector<16xf32>
        %jit3A = arith.constant 1073741824 : i32
        %broadcast_in_dim3A_1186 = vector.broadcast %jit3A : i32 to vector<16xi32>
        %select_n3A = arith.select %eq3A_1185, %iota3A, %broadcast_in_dim3A_1186 : vector<16xi1>, vector<16xi32>
        %reduce_min3A = arith.constant true
        %reduce_min3A_1187 = vector.broadcast %reduce_min3A : i1 to vector<16xi1>
        %reduce_min3A_1188 = arith.constant -2147483648 : i32
        %reduce_min3A_1189 = vector.broadcast %reduce_min3A_1188 : i32 to vector<16xi32>
        %reduce_min3A_1190 = arith.xori %select_n3A, %reduce_min3A_1189 : vector<16xi32>
        %reduce_min3A_1191 = tpu.scan <min>, %reduce_min3A_1190 masked %reduce_min3A_1187 : vector<16xi32>, vector<16xi1> -> vector<16xi32>
        %reduce_min3A_1192 = arith.xori %reduce_min3A_1191, %reduce_min3A_1189 : vector<16xi32>
        %reduce_min3A_1193 = vector.extract %reduce_min3A_1192[15] : i32 from vector<16xi32>
        %mul3A_1194 = arith.constant 16 : i32
        %mul3A_1195 = arith.muli %reduce_min3A_1193, %mul3A_1194 : i32
        %get3A_1196 = arith.index_cast %mul3A_1195 : i32 to index
        %get3A_1197 = tpu.vector_load %arg9[%get3A_1196] {strides = array<i32>} : memref<128xf32, #tpu.memory_space<vmem>>, vector<16xf32>,
        %eq3A_1198 = vector.broadcast %reduce_max3A_1184 : f32 to vector<16xf32>
        %eq3A_1199 = arith.cmpf oeq, %get3A_1197, %eq3A_1198 : vector<16xf32>
        %jit3A_1200 = arith.constant 1073741824 : i32
        %broadcast_in_dim3A_1201 = vector.broadcast %jit3A_1200 : i32 to vector<16xi32>
        %select_n3A_1202 = arith.select %eq3A_1199, %iota3A, %broadcast_in_dim3A_1201 : vector<16xi1>, vector<16xi32>
        %reduce_min3A_1203 = arith.constant true
        %reduce_min3A_1204 = vector.broadcast %reduce_min3A_1203 : i1 to vector<16xi1>
        %reduce_min3A_1205 = arith.constant -2147483648 : i32
        %reduce_min3A_1206 = vector.broadcast %reduce_min3A_1205 : i32 to vector<16xi32>
        %reduce_min3A_1207 = arith.xori %select_n3A_1202, %reduce_min3A_1206 : vector<16xi32>
        %reduce_min3A_1208 = tpu.scan <min>, %reduce_min3A_1207 masked %reduce_min3A_1204 : vector<16xi32>, vector<16xi1> -> vector<16xi32>
        %reduce_min3A_1209 = arith.xori %reduce_min3A_1208, %reduce_min3A_1206 : vector<16xi32>
        %reduce_min3A_1210 = vector.extract %reduce_min3A_1209[15] : i32 from vector<16xi32>
        %mul3A_1211 = arith.constant 16 : i32
        %mul3A_1212 = arith.muli %reduce_min3A_1193, %mul3A_1211 : i32
        %add3A_1213 = arith.addi %mul3A_1212, %reduce_min3A_1210 : i32
        %mul3A_1214 = arith.constant 0 : i32
        %mul3A_1215 = vector.broadcast %mul3A_1214 : i32 to vector<16xi32>
        %mul3A_1216 = arith.muli %iota3A, %mul3A_1215 : vector<16xi32>
        %add3A_1217 = vector.broadcast %add3A_1213 : i32 to vector<16xi32>
        %add3A_1218 = arith.addi %mul3A_1216, %add3A_1217 : vector<16xi32>
        %mul3A_1219 = arith.constant 128 : i32
        %mul3A_1220 = vector.broadcast %mul3A_1219 : i32 to vector<16xi32>
        %mul3A_1221 = arith.muli %iota3A, %mul3A_1220 : vector<16xi32>
        %add3A_1222 = arith.addi %mul3A_1221, %add3A_1218 : vector<16xi32>
        %gather3A = tpu.vector_load_idx %arg13[%add3A_1222] : memref<2048xf32, #tpu.memory_space<vmem>>[vector<16xi32>], vector<16xf32>,
        %eq3A_1223 = vector.broadcast %reduce_max3A_1184 : f32 to vector<16xf32>
        %eq3A_1224 = arith.cmpf oeq, %gather3A, %eq3A_1223 : vector<16xf32>
        %jit3A_1225 = arith.constant 1073741824 : i32
        %broadcast_in_dim3A_1226 = vector.broadcast %jit3A_1225 : i32 to vector<16xi32>
        %select_n3A_1227 = arith.select %eq3A_1224, %iota3A, %broadcast_in_dim3A_1226 : vector<16xi1>, vector<16xi32>
        %reduce_min3A_1228 = arith.constant true
        %reduce_min3A_1229 = vector.broadcast %reduce_min3A_1228 : i1 to vector<16xi1>
        %reduce_min3A_1230 = arith.constant -2147483648 : i32
        %reduce_min3A_1231 = vector.broadcast %reduce_min3A_1230 : i32 to vector<16xi32>
        %reduce_min3A_1232 = arith.xori %select_n3A_1227, %reduce_min3A_1231 : vector<16xi32>
        %reduce_min3A_1233 = tpu.scan <min>, %reduce_min3A_1232 masked %reduce_min3A_1229 : vector<16xi32>, vector<16xi1> -> vector<16xi32>
        %reduce_min3A_1234 = arith.xori %reduce_min3A_1233, %reduce_min3A_1231 : vector<16xi32>
        %reduce_min3A_1235 = vector.extract %reduce_min3A_1234[15] : i32 from vector<16xi32>
        %gather3A_1236 = tpu.vector_load_idx %arg10[%add3A_1218] : memref<128xi32, #tpu.memory_space<vmem>>[vector<16xi32>], vector<16xi32>,
        %mul3A_1237 = arith.constant 128 : i32
        %mul3A_1238 = arith.muli %reduce_min3A_1235, %mul3A_1237 : i32
        %add3A_1239 = vector.broadcast %mul3A_1238 : i32 to vector<16xi32>
        %add3A_1240 = arith.addi %gather3A_1236, %add3A_1239 : vector<16xi32>
        %jit3A_1241 = arith.constant 16 : i32
        %div3A = arith.divsi %scan3A_1179, %jit3A_1241 : i32
        %sign3A = arith.constant 0 : i32
        %sign3A_1242 = arith.cmpi sgt, %scan3A_1179, %sign3A : i32
        %sign3A_1243 = arith.extui %sign3A_1242 : i1 to i32
        %sign3A_1244 = arith.constant 0 : i32
        %sign3A_1245 = arith.cmpi slt, %scan3A_1179, %sign3A_1244 : i32
        %sign3A_1246 = arith.extui %sign3A_1245 : i1 to i32
        %sign3A_1247 = arith.subi %sign3A_1243, %sign3A_1246 : i32
        %sign3A_1248 = arith.constant 0 : i32
        %sign3A_1249 = arith.cmpi sgt, %jit3A_1241, %sign3A_1248 : i32
        %sign3A_1250 = arith.extui %sign3A_1249 : i1 to i32
        %sign3A_1251 = arith.constant 0 : i32
        %sign3A_1252 = arith.cmpi slt, %jit3A_1241, %sign3A_1251 : i32
        %sign3A_1253 = arith.extui %sign3A_1252 : i1 to i32
        %sign3A_1254 = arith.subi %sign3A_1250, %sign3A_1253 : i32
        %ne3A = arith.cmpi ne, %sign3A_1247, %sign3A_1254 : i32
        %rem3A = arith.remsi %scan3A_1179, %jit3A_1241 : i32
        %ne3A_1255 = arith.constant 0 : i32
        %ne3A_1256 = arith.cmpi ne, %rem3A, %ne3A_1255 : i32
        %and3A_1257 = arith.andi %ne3A, %ne3A_1256 : i1
        %sub3A = arith.constant 1 : i32
        %sub3A_1258 = arith.subi %div3A, %sub3A : i32
        %select_n3A_1259 = arith.select %and3A_1257, %sub3A_1258, %div3A : i32
        %mul3A_1260 = arith.constant 16 : i32
        %mul3A_1261 = arith.muli %select_n3A_1259, %mul3A_1260 : i32
        %get3A_1262 = arith.index_cast %mul3A_1261 : i32 to index
        %get3A_1263 = tpu.vector_load %arg14[%get3A_1262] {strides = array<i32>} : memref<128xi32, #tpu.memory_space<vmem>>, vector<16xi32>,
        %sub3A_1264 = arith.subi %scan3A_1179, %mul3A_1261 : i32
        %eq3A_1265 = vector.broadcast %sub3A_1264 : i32 to vector<16xi32>
        %eq3A_1266 = arith.cmpi eq, %iota3A, %eq3A_1265 : vector<16xi32>
        %select_n3A_1267 = arith.select %eq3A_1266, %add3A_1240, %get3A_1263 : vector<16xi1>, vector<16xi32>
        %swap3A_1268 = arith.index_cast %mul3A_1261 : i32 to index
        %swap3A_1269 = tpu.vector_load %arg14[%swap3A_1268] {strides = array<i32>} : memref<128xi32, #tpu.memory_space<vmem>>, vector<16xi32>,
        tpu.vector_store %arg14[%swap3A_1268], %select_n3A_1267 {strides = array<i32>} : memref<128xi32, #tpu.memory_space<vmem>>, vector<16xi32>,
        %eq3A_1270 = vector.broadcast %reduce_min3A_1235 : i32 to vector<16xi32>
        %eq3A_1271 = arith.cmpi eq, %iota3A, %eq3A_1270 : vector<16xi32>
        %jit3A_1272 = arith.constant -1.000000e+30 : f32
        %broadcast_in_dim3A_1273 = vector.broadcast %jit3A_1272 : f32 to vector<16xf32>
        %select_n3A_1274 = arith.select %eq3A_1271, %broadcast_in_dim3A_1273, %gather3A : vector<16xi1>, vector<16xf32>
        %mul3A_1275 = arith.constant 128 : i32
        %mul3A_1276 = vector.broadcast %mul3A_1275 : i32 to vector<16xi32>
        %mul3A_1277 = arith.muli %iota3A, %mul3A_1276 : vector<16xi32>
        %add3A_1278 = arith.addi %mul3A_1277, %add3A_1218 : vector<16xi32>
        tpu.vector_store_idx %arg13[%add3A_1278], %select_n3A_1274 : memref<2048xf32, #tpu.memory_space<vmem>>[vector<16xi32>], vector<16xf32>,
        %reduce_max3A_1279 = arith.constant true
        %reduce_max3A_1280 = vector.broadcast %reduce_max3A_1279 : i1 to vector<16xi1>
        %reduce_max3A_1281 = tpu.scan <max>, %select_n3A_1274 masked %reduce_max3A_1280 : vector<16xf32>, vector<16xi1> -> vector<16xf32>
        %reduce_max3A_1282 = vector.extract %reduce_max3A_1281[15] : f32 from vector<16xf32>
        %eq3A_1283 = vector.broadcast %reduce_min3A_1210 : i32 to vector<16xi32>
        %eq3A_1284 = arith.cmpi eq, %iota3A, %eq3A_1283 : vector<16xi32>
        %broadcast_in_dim3A_1285 = vector.broadcast %reduce_max3A_1282 : f32 to vector<16xf32>
        %select_n3A_1286 = arith.select %eq3A_1284, %broadcast_in_dim3A_1285, %get3A_1197 : vector<16xi1>, vector<16xf32>
        %mul3A_1287 = arith.constant 16 : i32
        %mul3A_1288 = arith.muli %reduce_min3A_1193, %mul3A_1287 : i32
        %swap3A_1289 = arith.index_cast %mul3A_1288 : i32 to index
        %swap3A_1290 = tpu.vector_load %arg9[%swap3A_1289] {strides = array<i32>} : memref<128xf32, #tpu.memory_space<vmem>>, vector<16xf32>,
        tpu.vector_store %arg9[%swap3A_1289], %select_n3A_1286 {strides = array<i32>} : memref<128xf32, #tpu.memory_space<vmem>>, vector<16xf32>,
        %reduce_max3A_1291 = arith.constant true
        %reduce_max3A_1292 = vector.broadcast %reduce_max3A_1291 : i1 to vector<16xi1>
        %reduce_max3A_1293 = tpu.scan <max>, %select_n3A_1286 masked %reduce_max3A_1292 : vector<16xf32>, vector<16xi1> -> vector<16xf32>
        %reduce_max3A_1294 = vector.extract %reduce_max3A_1293[15] : f32 from vector<16xf32>
        %eq3A_1295 = vector.broadcast %reduce_min3A_1193 : i32 to vector<16xi32>
        %eq3A_1296 = arith.cmpi eq, %iota3A, %eq3A_1295 : vector<16xi32>
        %broadcast_in_dim3A_1297 = vector.broadcast %reduce_max3A_1294 : f32 to vector<16xf32>
        %select_n3A_1298 = arith.select %eq3A_1296, %broadcast_in_dim3A_1297, %get3A_1181 : vector<16xi1>, vector<16xf32>
        %swap3A_1299 = arith.constant 0 : index
        %swap3A_1300 = tpu.vector_load %arg7[%swap3A_1299] {strides = array<i32>} : memref<32xf32, #tpu.memory_space<vmem>>, vector<16xf32>,
        tpu.vector_store %arg7[%swap3A_1299], %select_n3A_1298 {strides = array<i32>} : memref<32xf32, #tpu.memory_space<vmem>>, vector<16xf32>,
      }
      %scan3A_1178 = arith.constant 100 : i32
      "tpu.region"() ({
        %run_scoped3A = tpu.sem_alloc : memref<!tpu.dma_semaphore, #tpu.memory_space<semaphore_mem>>
        %dma_start3A_1179 = arith.constant 0 : i32
        %dma_start3A_1180 = tpu.memref_slice %arg4[%add3A_8, %dma_start3A_1179] : memref<1024x128xi32, #tpu.memory_space<hbm>> -> memref<1x128xi32, #tpu.memory_space<hbm>>
        %dma_start3A_1181 = tpu.memref_squeeze %dma_start3A_1180 : memref<1x128xi32, #tpu.memory_space<hbm>> -> memref<128xi32, #tpu.memory_space<hbm>>
        %dma_start3A_1182 = arith.constant 0 : i32
        %dma_start3A_1183 = tpu.memref_slice %arg4[%add3A_8, %dma_start3A_1182] : memref<1024x128xi32, #tpu.memory_space<hbm>> -> memref<1x128xi32, #tpu.memory_space<hbm>>
        %dma_start3A_1184 = tpu.memref_squeeze %dma_start3A_1183 : memref<1x128xi32, #tpu.memory_space<hbm>> -> memref<128xi32, #tpu.memory_space<hbm>>
        tpu.enqueue_dma source(%arg14 : memref<128xi32, #tpu.memory_space<vmem>>) target(%dma_start3A_1184 : memref<128xi32, #tpu.memory_space<hbm>>) target_semaphore(%run_scoped3A : memref<!tpu.dma_semaphore, #tpu.memory_space<semaphore_mem>>)
        %dma_wait3A_1185 = arith.constant 0 : i32
        %dma_wait3A_1186 = tpu.memref_slice %arg4[%add3A_8, %dma_wait3A_1185] : memref<1024x128xi32, #tpu.memory_space<hbm>> -> memref<1x128xi32, #tpu.memory_space<hbm>>
        %dma_wait3A_1187 = tpu.memref_squeeze %dma_wait3A_1186 : memref<1x128xi32, #tpu.memory_space<hbm>> -> memref<128xi32, #tpu.memory_space<hbm>>
        %dma_wait3A_1188 = arith.constant 0 : i32
        %dma_wait3A_1189 = tpu.memref_slice %arg4[%add3A_8, %dma_wait3A_1188] : memref<1024x128xi32, #tpu.memory_space<hbm>> -> memref<1x128xi32, #tpu.memory_space<hbm>>
        %dma_wait3A_1190 = tpu.memref_squeeze %dma_wait3A_1189 : memref<1x128xi32, #tpu.memory_space<hbm>> -> memref<128xi32, #tpu.memory_space<hbm>>
        tpu.wait_dma2 semaphore(%run_scoped3A : memref<!tpu.dma_semaphore, #tpu.memory_space<semaphore_mem>>) src(%arg14 : memref<128xi32, #tpu.memory_space<vmem>>) dst(%dma_wait3A_1190 : memref<128xi32, #tpu.memory_space<hbm>>)
        tpu.yield
      }) : () -> ()
    }
    %scan3A_4 = arith.constant 32 : i32
    return
  }
}

#map = affine_map<(d0, d1) -> (0, 0)>
#map1 = affine_map<(d0, d1) -> (0, 0, 0)>
module attributes {stable_mosaic.version = 14 : i64} {
  func.func @_gather_body(%arg0: i32, %arg1: i32, %arg2: memref<1024x50xi32, #tpu.memory_space<hbm>>, %arg3: memref<1024x5xi32, #tpu.memory_space<hbm>>, %arg4: memref<1024x4xi32, #tpu.memory_space<hbm>>, %arg5: memref<100000x128xf32, #tpu.memory_space<hbm>>, %arg6: memref<1000x128xf32, #tpu.memory_space<hbm>>, %arg7: memref<500x128xf32, #tpu.memory_space<hbm>>, %arg8: memref<1024x50x128xf32, #tpu.memory_space<hbm>>, %arg9: memref<1024x5x128xf32, #tpu.memory_space<hbm>>, %arg10: memref<1024x4x128xf32, #tpu.memory_space<hbm>>, %arg11: memref<32x50xi32, #tpu.memory_space<vmem>>, %arg12: memref<32x5xi32, #tpu.memory_space<vmem>>, %arg13: memref<32x4xi32, #tpu.memory_space<vmem>>, %arg14: memref<50x128xf32, #tpu.memory_space<vmem>>, %arg15: memref<5x128xf32, #tpu.memory_space<vmem>>, %arg16: memref<4x128xf32, #tpu.memory_space<vmem>>, %arg17: memref<!tpu.dma_semaphore, #tpu.memory_space<semaphore_mem>>) attributes {dimension_semantics = [#tpu.dimension_semantics<core_parallel>, #tpu.dimension_semantics<subcore_parallel>], iteration_bounds = array<i64: 2, 16>, scalar_prefetch = 0 : i64, scratch_operands = 7 : i64, tpu.core_type = #tpu.core_type<sc_vector_subcore>, window_params = [{transform_indices = #map}, {transform_indices = #map}, {transform_indices = #map}, {transform_indices = #map}, {transform_indices = #map}, {transform_indices = #map}, {transform_indices = #map1}, {transform_indices = #map1}, {transform_indices = #map1}]} {
    %mul3A = arith.constant 2 : i32
    %mul3A_0 = arith.muli %arg1, %mul3A : i32
    %add3A = arith.addi %mul3A_0, %arg0 : i32
    %mul3A_1 = arith.constant 32 : i32
    %mul3A_2 = arith.muli %add3A, %mul3A_1 : i32
    "tpu.region"() ({
      %run_scoped3A = tpu.sem_alloc : memref<!tpu.dma_semaphore, #tpu.memory_space<semaphore_mem>>
      %dma_start3A = arith.constant 0 : i32
      %dma_start3A_7 = tpu.memref_slice %arg2[%mul3A_2, %dma_start3A] : memref<1024x50xi32, #tpu.memory_space<hbm>> -> memref<32x50xi32, #tpu.memory_space<hbm>>
      %dma_start3A_8 = arith.constant 0 : i32
      %dma_start3A_9 = tpu.memref_slice %arg2[%mul3A_2, %dma_start3A_8] : memref<1024x50xi32, #tpu.memory_space<hbm>> -> memref<32x50xi32, #tpu.memory_space<hbm>>
      tpu.enqueue_dma source(%dma_start3A_9 : memref<32x50xi32, #tpu.memory_space<hbm>>) target(%arg11 : memref<32x50xi32, #tpu.memory_space<vmem>>) target_semaphore(%run_scoped3A : memref<!tpu.dma_semaphore, #tpu.memory_space<semaphore_mem>>)
      %dma_wait3A = arith.constant 0 : i32
      %dma_wait3A_10 = tpu.memref_slice %arg2[%mul3A_2, %dma_wait3A] : memref<1024x50xi32, #tpu.memory_space<hbm>> -> memref<32x50xi32, #tpu.memory_space<hbm>>
      %dma_wait3A_11 = arith.constant 0 : i32
      %dma_wait3A_12 = tpu.memref_slice %arg2[%mul3A_2, %dma_wait3A_11] : memref<1024x50xi32, #tpu.memory_space<hbm>> -> memref<32x50xi32, #tpu.memory_space<hbm>>
      tpu.wait_dma2 semaphore(%run_scoped3A : memref<!tpu.dma_semaphore, #tpu.memory_space<semaphore_mem>>) src(%dma_wait3A_12 : memref<32x50xi32, #tpu.memory_space<hbm>>) dst(%arg11 : memref<32x50xi32, #tpu.memory_space<vmem>>)
      tpu.yield
    }) : () -> ()
    "tpu.region"() ({
      %run_scoped3A = tpu.sem_alloc : memref<!tpu.dma_semaphore, #tpu.memory_space<semaphore_mem>>
      %dma_start3A = arith.constant 0 : i32
      %dma_start3A_7 = tpu.memref_slice %arg3[%mul3A_2, %dma_start3A] : memref<1024x5xi32, #tpu.memory_space<hbm>> -> memref<32x5xi32, #tpu.memory_space<hbm>>
      %dma_start3A_8 = arith.constant 0 : i32
      %dma_start3A_9 = tpu.memref_slice %arg3[%mul3A_2, %dma_start3A_8] : memref<1024x5xi32, #tpu.memory_space<hbm>> -> memref<32x5xi32, #tpu.memory_space<hbm>>
      tpu.enqueue_dma source(%dma_start3A_9 : memref<32x5xi32, #tpu.memory_space<hbm>>) target(%arg12 : memref<32x5xi32, #tpu.memory_space<vmem>>) target_semaphore(%run_scoped3A : memref<!tpu.dma_semaphore, #tpu.memory_space<semaphore_mem>>)
      %dma_wait3A = arith.constant 0 : i32
      %dma_wait3A_10 = tpu.memref_slice %arg3[%mul3A_2, %dma_wait3A] : memref<1024x5xi32, #tpu.memory_space<hbm>> -> memref<32x5xi32, #tpu.memory_space<hbm>>
      %dma_wait3A_11 = arith.constant 0 : i32
      %dma_wait3A_12 = tpu.memref_slice %arg3[%mul3A_2, %dma_wait3A_11] : memref<1024x5xi32, #tpu.memory_space<hbm>> -> memref<32x5xi32, #tpu.memory_space<hbm>>
      tpu.wait_dma2 semaphore(%run_scoped3A : memref<!tpu.dma_semaphore, #tpu.memory_space<semaphore_mem>>) src(%dma_wait3A_12 : memref<32x5xi32, #tpu.memory_space<hbm>>) dst(%arg12 : memref<32x5xi32, #tpu.memory_space<vmem>>)
      tpu.yield
    }) : () -> ()
    "tpu.region"() ({
      %run_scoped3A = tpu.sem_alloc : memref<!tpu.dma_semaphore, #tpu.memory_space<semaphore_mem>>
      %dma_start3A = arith.constant 0 : i32
      %dma_start3A_7 = tpu.memref_slice %arg4[%mul3A_2, %dma_start3A] : memref<1024x4xi32, #tpu.memory_space<hbm>> -> memref<32x4xi32, #tpu.memory_space<hbm>>
      %dma_start3A_8 = arith.constant 0 : i32
      %dma_start3A_9 = tpu.memref_slice %arg4[%mul3A_2, %dma_start3A_8] : memref<1024x4xi32, #tpu.memory_space<hbm>> -> memref<32x4xi32, #tpu.memory_space<hbm>>
      tpu.enqueue_dma source(%dma_start3A_9 : memref<32x4xi32, #tpu.memory_space<hbm>>) target(%arg13 : memref<32x4xi32, #tpu.memory_space<vmem>>) target_semaphore(%run_scoped3A : memref<!tpu.dma_semaphore, #tpu.memory_space<semaphore_mem>>)
      %dma_wait3A = arith.constant 0 : i32
      %dma_wait3A_10 = tpu.memref_slice %arg4[%mul3A_2, %dma_wait3A] : memref<1024x4xi32, #tpu.memory_space<hbm>> -> memref<32x4xi32, #tpu.memory_space<hbm>>
      %dma_wait3A_11 = arith.constant 0 : i32
      %dma_wait3A_12 = tpu.memref_slice %arg4[%mul3A_2, %dma_wait3A_11] : memref<1024x4xi32, #tpu.memory_space<hbm>> -> memref<32x4xi32, #tpu.memory_space<hbm>>
      tpu.wait_dma2 semaphore(%run_scoped3A : memref<!tpu.dma_semaphore, #tpu.memory_space<semaphore_mem>>) src(%dma_wait3A_12 : memref<32x4xi32, #tpu.memory_space<hbm>>) dst(%arg13 : memref<32x4xi32, #tpu.memory_space<vmem>>)
      tpu.yield
    }) : () -> ()
    %scan3A = arith.constant 0 : i32
    %scan3A_3 = arith.constant 32 : i32
    %scan3A_4 = arith.addi %scan3A, %scan3A_3 : i32
    %scan3A_5 = arith.constant 1 : i32
    scf.for %scan3A_7 = %scan3A to %scan3A_4 step %scan3A_5  : i32 {
      %add3A_8 = arith.addi %mul3A_2, %scan3A_7 : i32
      %dma_start3A = arith.constant 0 : i32
      %dma_start3A_9 = tpu.memref_slice %arg11[%scan3A_7, %dma_start3A] : memref<32x50xi32, #tpu.memory_space<vmem>> -> memref<1x50xi32, #tpu.memory_space<vmem>>
      %dma_start3A_10 = tpu.memref_squeeze %dma_start3A_9 : memref<1x50xi32, #tpu.memory_space<vmem>> -> memref<50xi32, #tpu.memory_space<vmem>>
      %dma_start3A_11 = arith.constant 0 : i32
      %dma_start3A_12 = arith.constant 0 : i32
      %dma_start3A_13 = tpu.memref_slice %arg5[%dma_start3A_11, %dma_start3A_12] : memref<100000x128xf32, #tpu.memory_space<hbm>> -> memref<100000x128xf32, #tpu.memory_space<hbm>>
      tpu.enqueue_indirect_dma source(%dma_start3A_13 : memref<100000x128xf32, #tpu.memory_space<hbm>>) target(%arg14 : memref<50x128xf32, #tpu.memory_space<vmem>>) offsets(%dma_start3A_10 : memref<50xi32, #tpu.memory_space<vmem>>) semaphore(%arg17 : memref<!tpu.dma_semaphore, #tpu.memory_space<semaphore_mem>>)
      %dma_wait3A = arith.constant 0 : i32
      %dma_wait3A_14 = tpu.memref_slice %arg11[%scan3A_7, %dma_wait3A] : memref<32x50xi32, #tpu.memory_space<vmem>> -> memref<1x50xi32, #tpu.memory_space<vmem>>
      %dma_wait3A_15 = tpu.memref_squeeze %dma_wait3A_14 : memref<1x50xi32, #tpu.memory_space<vmem>> -> memref<50xi32, #tpu.memory_space<vmem>>
      %dma_wait3A_16 = arith.constant 0 : i32
      %dma_wait3A_17 = arith.constant 0 : i32
      %dma_wait3A_18 = tpu.memref_slice %arg5[%dma_wait3A_16, %dma_wait3A_17] : memref<100000x128xf32, #tpu.memory_space<hbm>> -> memref<100000x128xf32, #tpu.memory_space<hbm>>
      tpu.wait_indirect_dma semaphore(%arg17 : memref<!tpu.dma_semaphore, #tpu.memory_space<semaphore_mem>>) src(%dma_wait3A_18 : memref<100000x128xf32, #tpu.memory_space<hbm>>) dst(%arg14 : memref<50x128xf32, #tpu.memory_space<vmem>>)
      "tpu.region"() ({
        %run_scoped3A = tpu.sem_alloc : memref<!tpu.dma_semaphore, #tpu.memory_space<semaphore_mem>>
        %dma_start3A_43 = arith.constant 0 : i32
        %dma_start3A_44 = arith.constant 0 : i32
        %dma_start3A_45 = tpu.memref_slice %arg8[%add3A_8, %dma_start3A_43, %dma_start3A_44] : memref<1024x50x128xf32, #tpu.memory_space<hbm>> -> memref<1x50x128xf32, #tpu.memory_space<hbm>>
        %dma_start3A_46 = tpu.memref_squeeze %dma_start3A_45 : memref<1x50x128xf32, #tpu.memory_space<hbm>> -> memref<50x128xf32, #tpu.memory_space<hbm>>
        %dma_start3A_47 = arith.constant 0 : i32
        %dma_start3A_48 = arith.constant 0 : i32
        %dma_start3A_49 = tpu.memref_slice %arg8[%add3A_8, %dma_start3A_47, %dma_start3A_48] : memref<1024x50x128xf32, #tpu.memory_space<hbm>> -> memref<1x50x128xf32, #tpu.memory_space<hbm>>
        %dma_start3A_50 = tpu.memref_squeeze %dma_start3A_49 : memref<1x50x128xf32, #tpu.memory_space<hbm>> -> memref<50x128xf32, #tpu.memory_space<hbm>>
        tpu.enqueue_dma source(%arg14 : memref<50x128xf32, #tpu.memory_space<vmem>>) target(%dma_start3A_50 : memref<50x128xf32, #tpu.memory_space<hbm>>) target_semaphore(%run_scoped3A : memref<!tpu.dma_semaphore, #tpu.memory_space<semaphore_mem>>)
        %dma_wait3A_51 = arith.constant 0 : i32
        %dma_wait3A_52 = arith.constant 0 : i32
        %dma_wait3A_53 = tpu.memref_slice %arg8[%add3A_8, %dma_wait3A_51, %dma_wait3A_52] : memref<1024x50x128xf32, #tpu.memory_space<hbm>> -> memref<1x50x128xf32, #tpu.memory_space<hbm>>
        %dma_wait3A_54 = tpu.memref_squeeze %dma_wait3A_53 : memref<1x50x128xf32, #tpu.memory_space<hbm>> -> memref<50x128xf32, #tpu.memory_space<hbm>>
        %dma_wait3A_55 = arith.constant 0 : i32
        %dma_wait3A_56 = arith.constant 0 : i32
        %dma_wait3A_57 = tpu.memref_slice %arg8[%add3A_8, %dma_wait3A_55, %dma_wait3A_56] : memref<1024x50x128xf32, #tpu.memory_space<hbm>> -> memref<1x50x128xf32, #tpu.memory_space<hbm>>
        %dma_wait3A_58 = tpu.memref_squeeze %dma_wait3A_57 : memref<1x50x128xf32, #tpu.memory_space<hbm>> -> memref<50x128xf32, #tpu.memory_space<hbm>>
        tpu.wait_dma2 semaphore(%run_scoped3A : memref<!tpu.dma_semaphore, #tpu.memory_space<semaphore_mem>>) src(%arg14 : memref<50x128xf32, #tpu.memory_space<vmem>>) dst(%dma_wait3A_58 : memref<50x128xf32, #tpu.memory_space<hbm>>)
        tpu.yield
      }) : () -> ()
      %dma_start3A_19 = arith.constant 0 : i32
      %dma_start3A_20 = tpu.memref_slice %arg12[%scan3A_7, %dma_start3A_19] : memref<32x5xi32, #tpu.memory_space<vmem>> -> memref<1x5xi32, #tpu.memory_space<vmem>>
      %dma_start3A_21 = tpu.memref_squeeze %dma_start3A_20 : memref<1x5xi32, #tpu.memory_space<vmem>> -> memref<5xi32, #tpu.memory_space<vmem>>
      %dma_start3A_22 = arith.constant 0 : i32
      %dma_start3A_23 = arith.constant 0 : i32
      %dma_start3A_24 = tpu.memref_slice %arg6[%dma_start3A_22, %dma_start3A_23] : memref<1000x128xf32, #tpu.memory_space<hbm>> -> memref<1000x128xf32, #tpu.memory_space<hbm>>
      tpu.enqueue_indirect_dma source(%dma_start3A_24 : memref<1000x128xf32, #tpu.memory_space<hbm>>) target(%arg15 : memref<5x128xf32, #tpu.memory_space<vmem>>) offsets(%dma_start3A_21 : memref<5xi32, #tpu.memory_space<vmem>>) semaphore(%arg17 : memref<!tpu.dma_semaphore, #tpu.memory_space<semaphore_mem>>)
      %dma_wait3A_25 = arith.constant 0 : i32
      %dma_wait3A_26 = tpu.memref_slice %arg12[%scan3A_7, %dma_wait3A_25] : memref<32x5xi32, #tpu.memory_space<vmem>> -> memref<1x5xi32, #tpu.memory_space<vmem>>
      %dma_wait3A_27 = tpu.memref_squeeze %dma_wait3A_26 : memref<1x5xi32, #tpu.memory_space<vmem>> -> memref<5xi32, #tpu.memory_space<vmem>>
      %dma_wait3A_28 = arith.constant 0 : i32
      %dma_wait3A_29 = arith.constant 0 : i32
      %dma_wait3A_30 = tpu.memref_slice %arg6[%dma_wait3A_28, %dma_wait3A_29] : memref<1000x128xf32, #tpu.memory_space<hbm>> -> memref<1000x128xf32, #tpu.memory_space<hbm>>
      tpu.wait_indirect_dma semaphore(%arg17 : memref<!tpu.dma_semaphore, #tpu.memory_space<semaphore_mem>>) src(%dma_wait3A_30 : memref<1000x128xf32, #tpu.memory_space<hbm>>) dst(%arg15 : memref<5x128xf32, #tpu.memory_space<vmem>>)
      "tpu.region"() ({
        %run_scoped3A = tpu.sem_alloc : memref<!tpu.dma_semaphore, #tpu.memory_space<semaphore_mem>>
        %dma_start3A_43 = arith.constant 0 : i32
        %dma_start3A_44 = arith.constant 0 : i32
        %dma_start3A_45 = tpu.memref_slice %arg9[%add3A_8, %dma_start3A_43, %dma_start3A_44] : memref<1024x5x128xf32, #tpu.memory_space<hbm>> -> memref<1x5x128xf32, #tpu.memory_space<hbm>>
        %dma_start3A_46 = tpu.memref_squeeze %dma_start3A_45 : memref<1x5x128xf32, #tpu.memory_space<hbm>> -> memref<5x128xf32, #tpu.memory_space<hbm>>
        %dma_start3A_47 = arith.constant 0 : i32
        %dma_start3A_48 = arith.constant 0 : i32
        %dma_start3A_49 = tpu.memref_slice %arg9[%add3A_8, %dma_start3A_47, %dma_start3A_48] : memref<1024x5x128xf32, #tpu.memory_space<hbm>> -> memref<1x5x128xf32, #tpu.memory_space<hbm>>
        %dma_start3A_50 = tpu.memref_squeeze %dma_start3A_49 : memref<1x5x128xf32, #tpu.memory_space<hbm>> -> memref<5x128xf32, #tpu.memory_space<hbm>>
        tpu.enqueue_dma source(%arg15 : memref<5x128xf32, #tpu.memory_space<vmem>>) target(%dma_start3A_50 : memref<5x128xf32, #tpu.memory_space<hbm>>) target_semaphore(%run_scoped3A : memref<!tpu.dma_semaphore, #tpu.memory_space<semaphore_mem>>)
        %dma_wait3A_51 = arith.constant 0 : i32
        %dma_wait3A_52 = arith.constant 0 : i32
        %dma_wait3A_53 = tpu.memref_slice %arg9[%add3A_8, %dma_wait3A_51, %dma_wait3A_52] : memref<1024x5x128xf32, #tpu.memory_space<hbm>> -> memref<1x5x128xf32, #tpu.memory_space<hbm>>
        %dma_wait3A_54 = tpu.memref_squeeze %dma_wait3A_53 : memref<1x5x128xf32, #tpu.memory_space<hbm>> -> memref<5x128xf32, #tpu.memory_space<hbm>>
        %dma_wait3A_55 = arith.constant 0 : i32
        %dma_wait3A_56 = arith.constant 0 : i32
        %dma_wait3A_57 = tpu.memref_slice %arg9[%add3A_8, %dma_wait3A_55, %dma_wait3A_56] : memref<1024x5x128xf32, #tpu.memory_space<hbm>> -> memref<1x5x128xf32, #tpu.memory_space<hbm>>
        %dma_wait3A_58 = tpu.memref_squeeze %dma_wait3A_57 : memref<1x5x128xf32, #tpu.memory_space<hbm>> -> memref<5x128xf32, #tpu.memory_space<hbm>>
        tpu.wait_dma2 semaphore(%run_scoped3A : memref<!tpu.dma_semaphore, #tpu.memory_space<semaphore_mem>>) src(%arg15 : memref<5x128xf32, #tpu.memory_space<vmem>>) dst(%dma_wait3A_58 : memref<5x128xf32, #tpu.memory_space<hbm>>)
        tpu.yield
      }) : () -> ()
      %dma_start3A_31 = arith.constant 0 : i32
      %dma_start3A_32 = tpu.memref_slice %arg13[%scan3A_7, %dma_start3A_31] : memref<32x4xi32, #tpu.memory_space<vmem>> -> memref<1x4xi32, #tpu.memory_space<vmem>>
      %dma_start3A_33 = tpu.memref_squeeze %dma_start3A_32 : memref<1x4xi32, #tpu.memory_space<vmem>> -> memref<4xi32, #tpu.memory_space<vmem>>
      %dma_start3A_34 = arith.constant 0 : i32
      %dma_start3A_35 = arith.constant 0 : i32
      %dma_start3A_36 = tpu.memref_slice %arg7[%dma_start3A_34, %dma_start3A_35] : memref<500x128xf32, #tpu.memory_space<hbm>> -> memref<500x128xf32, #tpu.memory_space<hbm>>
      tpu.enqueue_indirect_dma source(%dma_start3A_36 : memref<500x128xf32, #tpu.memory_space<hbm>>) target(%arg16 : memref<4x128xf32, #tpu.memory_space<vmem>>) offsets(%dma_start3A_33 : memref<4xi32, #tpu.memory_space<vmem>>) semaphore(%arg17 : memref<!tpu.dma_semaphore, #tpu.memory_space<semaphore_mem>>)
      %dma_wait3A_37 = arith.constant 0 : i32
      %dma_wait3A_38 = tpu.memref_slice %arg13[%scan3A_7, %dma_wait3A_37] : memref<32x4xi32, #tpu.memory_space<vmem>> -> memref<1x4xi32, #tpu.memory_space<vmem>>
      %dma_wait3A_39 = tpu.memref_squeeze %dma_wait3A_38 : memref<1x4xi32, #tpu.memory_space<vmem>> -> memref<4xi32, #tpu.memory_space<vmem>>
      %dma_wait3A_40 = arith.constant 0 : i32
      %dma_wait3A_41 = arith.constant 0 : i32
      %dma_wait3A_42 = tpu.memref_slice %arg7[%dma_wait3A_40, %dma_wait3A_41] : memref<500x128xf32, #tpu.memory_space<hbm>> -> memref<500x128xf32, #tpu.memory_space<hbm>>
      tpu.wait_indirect_dma semaphore(%arg17 : memref<!tpu.dma_semaphore, #tpu.memory_space<semaphore_mem>>) src(%dma_wait3A_42 : memref<500x128xf32, #tpu.memory_space<hbm>>) dst(%arg16 : memref<4x128xf32, #tpu.memory_space<vmem>>)
      "tpu.region"() ({
        %run_scoped3A = tpu.sem_alloc : memref<!tpu.dma_semaphore, #tpu.memory_space<semaphore_mem>>
        %dma_start3A_43 = arith.constant 0 : i32
        %dma_start3A_44 = arith.constant 0 : i32
        %dma_start3A_45 = tpu.memref_slice %arg10[%add3A_8, %dma_start3A_43, %dma_start3A_44] : memref<1024x4x128xf32, #tpu.memory_space<hbm>> -> memref<1x4x128xf32, #tpu.memory_space<hbm>>
        %dma_start3A_46 = tpu.memref_squeeze %dma_start3A_45 : memref<1x4x128xf32, #tpu.memory_space<hbm>> -> memref<4x128xf32, #tpu.memory_space<hbm>>
        %dma_start3A_47 = arith.constant 0 : i32
        %dma_start3A_48 = arith.constant 0 : i32
        %dma_start3A_49 = tpu.memref_slice %arg10[%add3A_8, %dma_start3A_47, %dma_start3A_48] : memref<1024x4x128xf32, #tpu.memory_space<hbm>> -> memref<1x4x128xf32, #tpu.memory_space<hbm>>
        %dma_start3A_50 = tpu.memref_squeeze %dma_start3A_49 : memref<1x4x128xf32, #tpu.memory_space<hbm>> -> memref<4x128xf32, #tpu.memory_space<hbm>>
        tpu.enqueue_dma source(%arg16 : memref<4x128xf32, #tpu.memory_space<vmem>>) target(%dma_start3A_50 : memref<4x128xf32, #tpu.memory_space<hbm>>) target_semaphore(%run_scoped3A : memref<!tpu.dma_semaphore, #tpu.memory_space<semaphore_mem>>)
        %dma_wait3A_51 = arith.constant 0 : i32
        %dma_wait3A_52 = arith.constant 0 : i32
        %dma_wait3A_53 = tpu.memref_slice %arg10[%add3A_8, %dma_wait3A_51, %dma_wait3A_52] : memref<1024x4x128xf32, #tpu.memory_space<hbm>> -> memref<1x4x128xf32, #tpu.memory_space<hbm>>
        %dma_wait3A_54 = tpu.memref_squeeze %dma_wait3A_53 : memref<1x4x128xf32, #tpu.memory_space<hbm>> -> memref<4x128xf32, #tpu.memory_space<hbm>>
        %dma_wait3A_55 = arith.constant 0 : i32
        %dma_wait3A_56 = arith.constant 0 : i32
        %dma_wait3A_57 = tpu.memref_slice %arg10[%add3A_8, %dma_wait3A_55, %dma_wait3A_56] : memref<1024x4x128xf32, #tpu.memory_space<hbm>> -> memref<1x4x128xf32, #tpu.memory_space<hbm>>
        %dma_wait3A_58 = tpu.memref_squeeze %dma_wait3A_57 : memref<1x4x128xf32, #tpu.memory_space<hbm>> -> memref<4x128xf32, #tpu.memory_space<hbm>>
        tpu.wait_dma2 semaphore(%run_scoped3A : memref<!tpu.dma_semaphore, #tpu.memory_space<semaphore_mem>>) src(%arg16 : memref<4x128xf32, #tpu.memory_space<vmem>>) dst(%dma_wait3A_58 : memref<4x128xf32, #tpu.memory_space<hbm>>)
        tpu.yield
      }) : () -> ()
    }
    %scan3A_6 = arith.constant 32 : i32
    return
  }
}

module attributes {stable_mosaic.version = 14 : i64} {
  func.func @_score_body(%arg0: i32, %arg1: memref<1024x64xf32, #tpu.memory_space<vmem>>, %arg2: memref<64x2048xf32, #tpu.memory_space<vmem>>, %arg3: memref<16384x128xf32, #tpu.memory_space<vmem>>, %arg4: memref<1024x128xf32, #tpu.memory_space<vmem>>) attributes {dimension_semantics = [#tpu.dimension_semantics<arbitrary>], iteration_bounds = array<i64: 50>, scalar_prefetch = 0 : i64, scratch_operands = 0 : i64, tpu.core_type = #tpu.core_type<tc>, window_params = [{pipeline_mode = #tpu.pipeline_mode<synchronous>, transform_indices = @transform_0, window_bounds = array<i64: 1024, 64>}, {transform_indices = @transform_1, window_bounds = array<i64: 64, 2048>}, {transform_indices = @transform_2, window_bounds = array<i64: 16384, 128>}, {transform_indices = @transform_3, window_bounds = array<i64: 1024, 128>}]} {
    %get3A = arith.constant 0 : index
    %get3A_0 = arith.constant 0 : index
    %get3A_1 = vector.load %arg1[%get3A, %get3A_0] : memref<1024x64xf32, #tpu.memory_space<vmem>>, vector<1024x64xf32>
    %get3A_2 = arith.constant 0 : index
    %get3A_3 = arith.constant 0 : index
    %get3A_4 = vector.load %arg2[%get3A_2, %get3A_3] : memref<64x2048xf32, #tpu.memory_space<vmem>>, vector<64x2048xf32>
    %dot_general3A = arith.constant dense<0.000000e+00> : vector<1024x2048xf32>
    %dot_general3A_5 = tpu.matmul %get3A_1, %get3A_4, %dot_general3A {dimension_numbers = #tpu.dot_dimension_numbers<[1], [0], [0], [1], [0, 0, 1, 1], [], []>, transpose_lhs_hint = false} : vector<1024x64xf32>, vector<64x2048xf32>, vector<1024x2048xf32> -> vector<1024x2048xf32>
    %mul3A = arith.constant 2048 : i32
    %mul3A_6 = arith.muli %arg0, %mul3A : i32
    %iota3A = tpu.iota {dimensions = array<i32: 1>} : vector<1024x2048xi32>
    %add3A = vector.broadcast %mul3A_6 : i32 to vector<1024x2048xi32>
    %add3A_7 = arith.addi %add3A, %iota3A : vector<1024x2048xi32>
    %lt3A = arith.constant 100000 : i32
    %lt3A_8 = vector.broadcast %lt3A : i32 to vector<1024x2048xi32>
    %lt3A_9 = arith.cmpi slt, %add3A_7, %lt3A_8 : vector<1024x2048xi32>
    %jit3A = arith.constant -1.000000e+30 : f32
    %broadcast_in_dim3A = vector.broadcast %jit3A : f32 to vector<1024x2048xf32>
    %select_n3A = arith.select %lt3A_9, %dot_general3A_5, %broadcast_in_dim3A : vector<1024x2048xi1>, vector<1024x2048xf32>
    %slice3A = vector.extract_strided_slice %select_n3A {offsets = [0, 0], sizes = [1024, 128], strides = [1, 1]} : vector<1024x2048xf32> to vector<1024x128xf32>
    %swap3A = arith.constant 0 : index
    %swap3A_10 = arith.constant 0 : index
    %swap3A_11 = vector.load %arg3[%swap3A, %swap3A_10] : memref<16384x128xf32, #tpu.memory_space<vmem>>, vector<1024x128xf32>
    tpu.vector_store %arg3[%swap3A, %swap3A_10], %slice3A {strides = array<i32>} : memref<16384x128xf32, #tpu.memory_space<vmem>>, vector<1024x128xf32>,
    %slice3A_12 = vector.extract_strided_slice %select_n3A {offsets = [0, 128], sizes = [1024, 128], strides = [1, 1]} : vector<1024x2048xf32> to vector<1024x128xf32>
    %swap3A_13 = arith.constant 1024 : index
    %swap3A_14 = arith.constant 0 : index
    %swap3A_15 = vector.load %arg3[%swap3A_13, %swap3A_14] : memref<16384x128xf32, #tpu.memory_space<vmem>>, vector<1024x128xf32>
    tpu.vector_store %arg3[%swap3A_13, %swap3A_14], %slice3A_12 {strides = array<i32>} : memref<16384x128xf32, #tpu.memory_space<vmem>>, vector<1024x128xf32>,
    %slice3A_16 = vector.extract_strided_slice %select_n3A {offsets = [0, 256], sizes = [1024, 128], strides = [1, 1]} : vector<1024x2048xf32> to vector<1024x128xf32>
    %swap3A_17 = arith.constant 2048 : index
    %swap3A_18 = arith.constant 0 : index
    %swap3A_19 = vector.load %arg3[%swap3A_17, %swap3A_18] : memref<16384x128xf32, #tpu.memory_space<vmem>>, vector<1024x128xf32>
    tpu.vector_store %arg3[%swap3A_17, %swap3A_18], %slice3A_16 {strides = array<i32>} : memref<16384x128xf32, #tpu.memory_space<vmem>>, vector<1024x128xf32>,
    %slice3A_20 = vector.extract_strided_slice %select_n3A {offsets = [0, 384], sizes = [1024, 128], strides = [1, 1]} : vector<1024x2048xf32> to vector<1024x128xf32>
    %swap3A_21 = arith.constant 3072 : index
    %swap3A_22 = arith.constant 0 : index
    %swap3A_23 = vector.load %arg3[%swap3A_21, %swap3A_22] : memref<16384x128xf32, #tpu.memory_space<vmem>>, vector<1024x128xf32>
    tpu.vector_store %arg3[%swap3A_21, %swap3A_22], %slice3A_20 {strides = array<i32>} : memref<16384x128xf32, #tpu.memory_space<vmem>>, vector<1024x128xf32>,
    %slice3A_24 = vector.extract_strided_slice %select_n3A {offsets = [0, 512], sizes = [1024, 128], strides = [1, 1]} : vector<1024x2048xf32> to vector<1024x128xf32>
    %swap3A_25 = arith.constant 4096 : index
    %swap3A_26 = arith.constant 0 : index
    %swap3A_27 = vector.load %arg3[%swap3A_25, %swap3A_26] : memref<16384x128xf32, #tpu.memory_space<vmem>>, vector<1024x128xf32>
    tpu.vector_store %arg3[%swap3A_25, %swap3A_26], %slice3A_24 {strides = array<i32>} : memref<16384x128xf32, #tpu.memory_space<vmem>>, vector<1024x128xf32>,
    %slice3A_28 = vector.extract_strided_slice %select_n3A {offsets = [0, 640], sizes = [1024, 128], strides = [1, 1]} : vector<1024x2048xf32> to vector<1024x128xf32>
    %swap3A_29 = arith.constant 5120 : index
    %swap3A_30 = arith.constant 0 : index
    %swap3A_31 = vector.load %arg3[%swap3A_29, %swap3A_30] : memref<16384x128xf32, #tpu.memory_space<vmem>>, vector<1024x128xf32>
    tpu.vector_store %arg3[%swap3A_29, %swap3A_30], %slice3A_28 {strides = array<i32>} : memref<16384x128xf32, #tpu.memory_space<vmem>>, vector<1024x128xf32>,
    %slice3A_32 = vector.extract_strided_slice %select_n3A {offsets = [0, 768], sizes = [1024, 128], strides = [1, 1]} : vector<1024x2048xf32> to vector<1024x128xf32>
    %swap3A_33 = arith.constant 6144 : index
    %swap3A_34 = arith.constant 0 : index
    %swap3A_35 = vector.load %arg3[%swap3A_33, %swap3A_34] : memref<16384x128xf32, #tpu.memory_space<vmem>>, vector<1024x128xf32>
    tpu.vector_store %arg3[%swap3A_33, %swap3A_34], %slice3A_32 {strides = array<i32>} : memref<16384x128xf32, #tpu.memory_space<vmem>>, vector<1024x128xf32>,
    %slice3A_36 = vector.extract_strided_slice %select_n3A {offsets = [0, 896], sizes = [1024, 128], strides = [1, 1]} : vector<1024x2048xf32> to vector<1024x128xf32>
    %swap3A_37 = arith.constant 7168 : index
    %swap3A_38 = arith.constant 0 : index
    %swap3A_39 = vector.load %arg3[%swap3A_37, %swap3A_38] : memref<16384x128xf32, #tpu.memory_space<vmem>>, vector<1024x128xf32>
    tpu.vector_store %arg3[%swap3A_37, %swap3A_38], %slice3A_36 {strides = array<i32>} : memref<16384x128xf32, #tpu.memory_space<vmem>>, vector<1024x128xf32>,
    %slice3A_40 = vector.extract_strided_slice %select_n3A {offsets = [0, 1024], sizes = [1024, 128], strides = [1, 1]} : vector<1024x2048xf32> to vector<1024x128xf32>
    %swap3A_41 = arith.constant 8192 : index
    %swap3A_42 = arith.constant 0 : index
    %swap3A_43 = vector.load %arg3[%swap3A_41, %swap3A_42] : memref<16384x128xf32, #tpu.memory_space<vmem>>, vector<1024x128xf32>
    tpu.vector_store %arg3[%swap3A_41, %swap3A_42], %slice3A_40 {strides = array<i32>} : memref<16384x128xf32, #tpu.memory_space<vmem>>, vector<1024x128xf32>,
    %slice3A_44 = vector.extract_strided_slice %select_n3A {offsets = [0, 1152], sizes = [1024, 128], strides = [1, 1]} : vector<1024x2048xf32> to vector<1024x128xf32>
    %swap3A_45 = arith.constant 9216 : index
    %swap3A_46 = arith.constant 0 : index
    %swap3A_47 = vector.load %arg3[%swap3A_45, %swap3A_46] : memref<16384x128xf32, #tpu.memory_space<vmem>>, vector<1024x128xf32>
    tpu.vector_store %arg3[%swap3A_45, %swap3A_46], %slice3A_44 {strides = array<i32>} : memref<16384x128xf32, #tpu.memory_space<vmem>>, vector<1024x128xf32>,
    %slice3A_48 = vector.extract_strided_slice %select_n3A {offsets = [0, 1280], sizes = [1024, 128], strides = [1, 1]} : vector<1024x2048xf32> to vector<1024x128xf32>
    %swap3A_49 = arith.constant 10240 : index
    %swap3A_50 = arith.constant 0 : index
    %swap3A_51 = vector.load %arg3[%swap3A_49, %swap3A_50] : memref<16384x128xf32, #tpu.memory_space<vmem>>, vector<1024x128xf32>
    tpu.vector_store %arg3[%swap3A_49, %swap3A_50], %slice3A_48 {strides = array<i32>} : memref<16384x128xf32, #tpu.memory_space<vmem>>, vector<1024x128xf32>,
    %slice3A_52 = vector.extract_strided_slice %select_n3A {offsets = [0, 1408], sizes = [1024, 128], strides = [1, 1]} : vector<1024x2048xf32> to vector<1024x128xf32>
    %swap3A_53 = arith.constant 11264 : index
    %swap3A_54 = arith.constant 0 : index
    %swap3A_55 = vector.load %arg3[%swap3A_53, %swap3A_54] : memref<16384x128xf32, #tpu.memory_space<vmem>>, vector<1024x128xf32>
    tpu.vector_store %arg3[%swap3A_53, %swap3A_54], %slice3A_52 {strides = array<i32>} : memref<16384x128xf32, #tpu.memory_space<vmem>>, vector<1024x128xf32>,
    %slice3A_56 = vector.extract_strided_slice %select_n3A {offsets = [0, 1536], sizes = [1024, 128], strides = [1, 1]} : vector<1024x2048xf32> to vector<1024x128xf32>
    %swap3A_57 = arith.constant 12288 : index
    %swap3A_58 = arith.constant 0 : index
    %swap3A_59 = vector.load %arg3[%swap3A_57, %swap3A_58] : memref<16384x128xf32, #tpu.memory_space<vmem>>, vector<1024x128xf32>
    tpu.vector_store %arg3[%swap3A_57, %swap3A_58], %slice3A_56 {strides = array<i32>} : memref<16384x128xf32, #tpu.memory_space<vmem>>, vector<1024x128xf32>,
    %slice3A_60 = vector.extract_strided_slice %select_n3A {offsets = [0, 1664], sizes = [1024, 128], strides = [1, 1]} : vector<1024x2048xf32> to vector<1024x128xf32>
    %swap3A_61 = arith.constant 13312 : index
    %swap3A_62 = arith.constant 0 : index
    %swap3A_63 = vector.load %arg3[%swap3A_61, %swap3A_62] : memref<16384x128xf32, #tpu.memory_space<vmem>>, vector<1024x128xf32>
    tpu.vector_store %arg3[%swap3A_61, %swap3A_62], %slice3A_60 {strides = array<i32>} : memref<16384x128xf32, #tpu.memory_space<vmem>>, vector<1024x128xf32>,
    %slice3A_64 = vector.extract_strided_slice %select_n3A {offsets = [0, 1792], sizes = [1024, 128], strides = [1, 1]} : vector<1024x2048xf32> to vector<1024x128xf32>
    %swap3A_65 = arith.constant 14336 : index
    %swap3A_66 = arith.constant 0 : index
    %swap3A_67 = vector.load %arg3[%swap3A_65, %swap3A_66] : memref<16384x128xf32, #tpu.memory_space<vmem>>, vector<1024x128xf32>
    tpu.vector_store %arg3[%swap3A_65, %swap3A_66], %slice3A_64 {strides = array<i32>} : memref<16384x128xf32, #tpu.memory_space<vmem>>, vector<1024x128xf32>,
    %slice3A_68 = vector.extract_strided_slice %select_n3A {offsets = [0, 1920], sizes = [1024, 128], strides = [1, 1]} : vector<1024x2048xf32> to vector<1024x128xf32>
    %swap3A_69 = arith.constant 15360 : index
    %swap3A_70 = arith.constant 0 : index
    %swap3A_71 = vector.load %arg3[%swap3A_69, %swap3A_70] : memref<16384x128xf32, #tpu.memory_space<vmem>>, vector<1024x128xf32>
    tpu.vector_store %arg3[%swap3A_69, %swap3A_70], %slice3A_68 {strides = array<i32>} : memref<16384x128xf32, #tpu.memory_space<vmem>>, vector<1024x128xf32>,
    %slice3A_72 = vector.extract_strided_slice %select_n3A {offsets = [0, 0], sizes = [1024, 128], strides = [1, 1]} : vector<1024x2048xf32> to vector<1024x128xf32>
    %slice3A_73 = vector.extract_strided_slice %select_n3A {offsets = [0, 128], sizes = [1024, 128], strides = [1, 1]} : vector<1024x2048xf32> to vector<1024x128xf32>
    %max3A = arith.maximumf %slice3A_72, %slice3A_73 : vector<1024x128xf32>
    %slice3A_74 = vector.extract_strided_slice %select_n3A {offsets = [0, 256], sizes = [1024, 128], strides = [1, 1]} : vector<1024x2048xf32> to vector<1024x128xf32>
    %max3A_75 = arith.maximumf %max3A, %slice3A_74 : vector<1024x128xf32>
    %slice3A_76 = vector.extract_strided_slice %select_n3A {offsets = [0, 384], sizes = [1024, 128], strides = [1, 1]} : vector<1024x2048xf32> to vector<1024x128xf32>
    %max3A_77 = arith.maximumf %max3A_75, %slice3A_76 : vector<1024x128xf32>
    %slice3A_78 = vector.extract_strided_slice %select_n3A {offsets = [0, 512], sizes = [1024, 128], strides = [1, 1]} : vector<1024x2048xf32> to vector<1024x128xf32>
    %max3A_79 = arith.maximumf %max3A_77, %slice3A_78 : vector<1024x128xf32>
    %slice3A_80 = vector.extract_strided_slice %select_n3A {offsets = [0, 640], sizes = [1024, 128], strides = [1, 1]} : vector<1024x2048xf32> to vector<1024x128xf32>
    %max3A_81 = arith.maximumf %max3A_79, %slice3A_80 : vector<1024x128xf32>
    %slice3A_82 = vector.extract_strided_slice %select_n3A {offsets = [0, 768], sizes = [1024, 128], strides = [1, 1]} : vector<1024x2048xf32> to vector<1024x128xf32>
    %max3A_83 = arith.maximumf %max3A_81, %slice3A_82 : vector<1024x128xf32>
    %slice3A_84 = vector.extract_strided_slice %select_n3A {offsets = [0, 896], sizes = [1024, 128], strides = [1, 1]} : vector<1024x2048xf32> to vector<1024x128xf32>
    %max3A_85 = arith.maximumf %max3A_83, %slice3A_84 : vector<1024x128xf32>
    %slice3A_86 = vector.extract_strided_slice %select_n3A {offsets = [0, 1024], sizes = [1024, 128], strides = [1, 1]} : vector<1024x2048xf32> to vector<1024x128xf32>
    %max3A_87 = arith.maximumf %max3A_85, %slice3A_86 : vector<1024x128xf32>
    %slice3A_88 = vector.extract_strided_slice %select_n3A {offsets = [0, 1152], sizes = [1024, 128], strides = [1, 1]} : vector<1024x2048xf32> to vector<1024x128xf32>
    %max3A_89 = arith.maximumf %max3A_87, %slice3A_88 : vector<1024x128xf32>
    %slice3A_90 = vector.extract_strided_slice %select_n3A {offsets = [0, 1280], sizes = [1024, 128], strides = [1, 1]} : vector<1024x2048xf32> to vector<1024x128xf32>
    %max3A_91 = arith.maximumf %max3A_89, %slice3A_90 : vector<1024x128xf32>
    %slice3A_92 = vector.extract_strided_slice %select_n3A {offsets = [0, 1408], sizes = [1024, 128], strides = [1, 1]} : vector<1024x2048xf32> to vector<1024x128xf32>
    %max3A_93 = arith.maximumf %max3A_91, %slice3A_92 : vector<1024x128xf32>
    %slice3A_94 = vector.extract_strided_slice %select_n3A {offsets = [0, 1536], sizes = [1024, 128], strides = [1, 1]} : vector<1024x2048xf32> to vector<1024x128xf32>
    %max3A_95 = arith.maximumf %max3A_93, %slice3A_94 : vector<1024x128xf32>
    %slice3A_96 = vector.extract_strided_slice %select_n3A {offsets = [0, 1664], sizes = [1024, 128], strides = [1, 1]} : vector<1024x2048xf32> to vector<1024x128xf32>
    %max3A_97 = arith.maximumf %max3A_95, %slice3A_96 : vector<1024x128xf32>
    %slice3A_98 = vector.extract_strided_slice %select_n3A {offsets = [0, 1792], sizes = [1024, 128], strides = [1, 1]} : vector<1024x2048xf32> to vector<1024x128xf32>
    %max3A_99 = arith.maximumf %max3A_97, %slice3A_98 : vector<1024x128xf32>
    %slice3A_100 = vector.extract_strided_slice %select_n3A {offsets = [0, 1920], sizes = [1024, 128], strides = [1, 1]} : vector<1024x2048xf32> to vector<1024x128xf32>
    %max3A_101 = arith.maximumf %max3A_99, %slice3A_100 : vector<1024x128xf32>
    %swap3A_102 = arith.constant 0 : index
    %swap3A_103 = arith.constant 0 : index
    %swap3A_104 = vector.load %arg4[%swap3A_102, %swap3A_103] : memref<1024x128xf32, #tpu.memory_space<vmem>>, vector<1024x128xf32>
    tpu.vector_store %arg4[%swap3A_102, %swap3A_103], %max3A_101 {strides = array<i32>} : memref<1024x128xf32, #tpu.memory_space<vmem>>, vector<1024x128xf32>,
    return
  }
  func.func @transform_0(%arg0: i32) -> (i32, i32) {
    %c0_i32 = arith.constant 0 : i32
    %c0_i32_0 = arith.constant 0 : i32
    %c0_i32_1 = arith.constant 0 : i32
    return %c0_i32, %c0_i32_0 : i32, i32
  }
  func.func @transform_1(%arg0: i32) -> (i32, i32) {
    %c0_i32 = arith.constant 0 : i32
    %c0_i32_0 = arith.constant 0 : i32
    return %c0_i32, %arg0 : i32, i32
  }
  func.func @transform_2(%arg0: i32) -> (i32, i32) {
    %c0_i32 = arith.constant 0 : i32
    %c0_i32_0 = arith.constant 0 : i32
    return %arg0, %c0_i32 : i32, i32
  }
  func.func @transform_3(%arg0: i32) -> (i32, i32) {
    %c0_i32 = arith.constant 0 : i32
    %c0_i32_0 = arith.constant 0 : i32
    return %c0_i32, %arg0 : i32, i32
  }
}

module attributes {stable_mosaic.version = 14 : i64} {
  func.func @_pool_body(%arg0: i32, %arg1: memref<128x50x128xf32, #tpu.memory_space<vmem>>, %arg2: memref<128x5x128xf32, #tpu.memory_space<vmem>>, %arg3: memref<128x4x128xf32, #tpu.memory_space<vmem>>, %arg4: memref<192x128xf32, #tpu.memory_space<vmem>>, %arg5: memref<1x128xf32, #tpu.memory_space<vmem>>, %arg6: memref<128x64xf32, #tpu.memory_space<vmem>>, %arg7: memref<1x64xf32, #tpu.memory_space<vmem>>, %arg8: memref<128x64xf32, #tpu.memory_space<vmem>>) attributes {dimension_semantics = [#tpu.dimension_semantics<arbitrary>], iteration_bounds = array<i64: 8>, scalar_prefetch = 0 : i64, scratch_operands = 0 : i64, tpu.core_type = #tpu.core_type<tc>, window_params = [{transform_indices = @transform_0, window_bounds = array<i64: 128, 50, 128>}, {transform_indices = @transform_1, window_bounds = array<i64: 128, 5, 128>}, {transform_indices = @transform_2, window_bounds = array<i64: 128, 4, 128>}, {pipeline_mode = #tpu.pipeline_mode<synchronous>, transform_indices = @transform_3, window_bounds = array<i64: 192, 128>}, {pipeline_mode = #tpu.pipeline_mode<synchronous>, transform_indices = @transform_4, window_bounds = array<i64: 1, 128>}, {pipeline_mode = #tpu.pipeline_mode<synchronous>, transform_indices = @transform_5, window_bounds = array<i64: 128, 64>}, {pipeline_mode = #tpu.pipeline_mode<synchronous>, transform_indices = @transform_6, window_bounds = array<i64: 1, 64>}, {transform_indices = @transform_7, window_bounds = array<i64: 128, 64>}]} {
    %get3A = arith.constant 0 : index
    %get3A_0 = arith.constant 0 : index
    %get3A_1 = arith.constant 0 : index
    %get3A_2 = vector.load %arg2[%get3A, %get3A_0, %get3A_1] : memref<128x5x128xf32, #tpu.memory_space<vmem>>, vector<128x5x128xf32>
    %slice3A = vector.extract_strided_slice %get3A_2 {offsets = [0, 0, 0], sizes = [128, 5, 64], strides = [1, 1, 1]} : vector<128x5x128xf32> to vector<128x5x64xf32>
    %reduce_sum3A = arith.constant dense<0.000000e+00> : vector<128x64xf32>
    %reduce_sum3A_3 = vector.multi_reduction <add>, %slice3A, %reduce_sum3A [1] : vector<128x5x64xf32> to vector<128x64xf32>
    %div3A = arith.constant 5.000000e+00 : f32
    %div3A_4 = vector.broadcast %div3A : f32 to vector<128x64xf32>
    %div3A_5 = arith.divf %reduce_sum3A_3, %div3A_4 : vector<128x64xf32>
    %get3A_6 = arith.constant 0 : index
    %get3A_7 = arith.constant 0 : index
    %get3A_8 = arith.constant 0 : index
    %get3A_9 = vector.load %arg3[%get3A_6, %get3A_7, %get3A_8] : memref<128x4x128xf32, #tpu.memory_space<vmem>>, vector<128x4x128xf32>
    %slice3A_10 = vector.extract_strided_slice %get3A_9 {offsets = [0, 0, 0], sizes = [128, 4, 64], strides = [1, 1, 1]} : vector<128x4x128xf32> to vector<128x4x64xf32>
    %reduce_sum3A_11 = arith.constant dense<0.000000e+00> : vector<128x64xf32>
    %reduce_sum3A_12 = vector.multi_reduction <add>, %slice3A_10, %reduce_sum3A_11 [1] : vector<128x4x64xf32> to vector<128x64xf32>
    %div3A_13 = arith.constant 4.000000e+00 : f32
    %div3A_14 = vector.broadcast %div3A_13 : f32 to vector<128x64xf32>
    %div3A_15 = arith.divf %reduce_sum3A_12, %div3A_14 : vector<128x64xf32>
    %get3A_16 = arith.constant 0 : index
    %get3A_17 = arith.constant 0 : index
    %get3A_18 = arith.constant 0 : index
    %get3A_19 = vector.load %arg1[%get3A_16, %get3A_17, %get3A_18] : memref<128x50x128xf32, #tpu.memory_space<vmem>>, vector<128x50x128xf32>
    %slice3A_20 = vector.extract_strided_slice %get3A_19 {offsets = [0, 0, 0], sizes = [128, 50, 64], strides = [1, 1, 1]} : vector<128x50x128xf32> to vector<128x50x64xf32>
    %reduce_sum3A_21 = arith.constant dense<0.000000e+00> : vector<128x64xf32>
    %reduce_sum3A_22 = vector.multi_reduction <add>, %slice3A_20, %reduce_sum3A_21 [1] : vector<128x50x64xf32> to vector<128x64xf32>
    %div3A_23 = arith.constant 5.000000e+01 : f32
    %div3A_24 = vector.broadcast %div3A_23 : f32 to vector<128x64xf32>
    %div3A_25 = arith.divf %reduce_sum3A_22, %div3A_24 : vector<128x64xf32>
    %concatenate3A = tpu.concatenate %div3A_5, %div3A_15, %div3A_25 in 1 : vector<128x64xf32>, vector<128x64xf32>, vector<128x64xf32> -> vector<128x192xf32>
    %get3A_26 = arith.constant 0 : index
    %get3A_27 = arith.constant 0 : index
    %get3A_28 = vector.load %arg4[%get3A_26, %get3A_27] : memref<192x128xf32, #tpu.memory_space<vmem>>, vector<192x128xf32>
    %dot_general3A = arith.constant dense<0.000000e+00> : vector<128x128xf32>
    %dot_general3A_29 = tpu.matmul %concatenate3A, %get3A_28, %dot_general3A {dimension_numbers = #tpu.dot_dimension_numbers<[1], [0], [0], [1], [0, 0, 1, 1], [], []>, transpose_lhs_hint = false} : vector<128x192xf32>, vector<192x128xf32>, vector<128x128xf32> -> vector<128x128xf32>
    %get3A_30 = arith.constant 0 : index
    %get3A_31 = arith.constant 0 : index
    %get3A_32 = vector.load %arg5[%get3A_30, %get3A_31] : memref<1x128xf32, #tpu.memory_space<vmem>>, vector<1x128xf32>
    %add3A = vector.broadcast %get3A_32 : vector<1x128xf32> to vector<128x128xf32>
    %add3A_33 = arith.addf %dot_general3A_29, %add3A : vector<128x128xf32>
    %max3A = arith.constant 0.000000e+00 : f32
    %max3A_34 = vector.broadcast %max3A : f32 to vector<128x128xf32>
    %max3A_35 = arith.maximumf %add3A_33, %max3A_34 : vector<128x128xf32>
    %get3A_36 = arith.constant 0 : index
    %get3A_37 = arith.constant 0 : index
    %get3A_38 = vector.load %arg6[%get3A_36, %get3A_37] : memref<128x64xf32, #tpu.memory_space<vmem>>, vector<128x64xf32>
    %dot_general3A_39 = arith.constant dense<0.000000e+00> : vector<128x64xf32>
    %dot_general3A_40 = tpu.matmul %max3A_35, %get3A_38, %dot_general3A_39 {dimension_numbers = #tpu.dot_dimension_numbers<[1], [0], [0], [1], [0, 0, 1, 1], [], []>, transpose_lhs_hint = false} : vector<128x128xf32>, vector<128x64xf32>, vector<128x64xf32> -> vector<128x64xf32>
    %get3A_41 = arith.constant 0 : index
    %get3A_42 = arith.constant 0 : index
    %get3A_43 = vector.load %arg7[%get3A_41, %get3A_42] : memref<1x64xf32, #tpu.memory_space<vmem>>, vector<1x64xf32>
    %add3A_44 = vector.broadcast %get3A_43 : vector<1x64xf32> to vector<128x64xf32>
    %add3A_45 = arith.addf %dot_general3A_40, %add3A_44 : vector<128x64xf32>
    %swap3A = arith.constant 0 : index
    %swap3A_46 = arith.constant 0 : index
    %swap3A_47 = vector.load %arg8[%swap3A, %swap3A_46] : memref<128x64xf32, #tpu.memory_space<vmem>>, vector<128x64xf32>
    tpu.vector_store %arg8[%swap3A, %swap3A_46], %add3A_45 {strides = array<i32>} : memref<128x64xf32, #tpu.memory_space<vmem>>, vector<128x64xf32>,
    return
  }
  func.func @transform_0(%arg0: i32) -> (i32, i32, i32) {
    %c0_i32 = arith.constant 0 : i32
    %c0_i32_0 = arith.constant 0 : i32
    %c0_i32_1 = arith.constant 0 : i32
    return %arg0, %c0_i32, %c0_i32_0 : i32, i32, i32
  }
  func.func @transform_1(%arg0: i32) -> (i32, i32, i32) {
    %c0_i32 = arith.constant 0 : i32
    %c0_i32_0 = arith.constant 0 : i32
    %c0_i32_1 = arith.constant 0 : i32
    return %arg0, %c0_i32, %c0_i32_0 : i32, i32, i32
  }
  func.func @transform_2(%arg0: i32) -> (i32, i32, i32) {
    %c0_i32 = arith.constant 0 : i32
    %c0_i32_0 = arith.constant 0 : i32
    %c0_i32_1 = arith.constant 0 : i32
    return %arg0, %c0_i32, %c0_i32_0 : i32, i32, i32
  }
  func.func @transform_3(%arg0: i32) -> (i32, i32) {
    %c0_i32 = arith.constant 0 : i32
    %c0_i32_0 = arith.constant 0 : i32
    %c0_i32_1 = arith.constant 0 : i32
    return %c0_i32, %c0_i32_0 : i32, i32
  }
  func.func @transform_4(%arg0: i32) -> (i32, i32) {
    %c0_i32 = arith.constant 0 : i32
    %c0_i32_0 = arith.constant 0 : i32
    %c0_i32_1 = arith.constant 0 : i32
    return %c0_i32, %c0_i32_0 : i32, i32
  }
  func.func @transform_5(%arg0: i32) -> (i32, i32) {
    %c0_i32 = arith.constant 0 : i32
    %c0_i32_0 = arith.constant 0 : i32
    %c0_i32_1 = arith.constant 0 : i32
    return %c0_i32, %c0_i32_0 : i32, i32
  }
  func.func @transform_6(%arg0: i32) -> (i32, i32) {
    %c0_i32 = arith.constant 0 : i32
    %c0_i32_0 = arith.constant 0 : i32
    %c0_i32_1 = arith.constant 0 : i32
    return %c0_i32, %c0_i32_0 : i32, i32
  }
  func.func @transform_7(%arg0: i32) -> (i32, i32) {
    %c0_i32 = arith.constant 0 : i32
    %c0_i32_0 = arith.constant 0 : i32
    return %arg0, %c0_i32 : i32, i32
  }
}

</mosaic_0001>

<sc_bundles>
// kernel: kernel.6.cloned.1.call-start
scs
__scs_entry_jumppad:
0x0: {  	(pc) =	sbr.rel $0x88, $3  }
0x1: {  	(tag) =	ssettag $0x0;
	lr =	simm.s32 $0x1  }
0x2: {  	[smem:$0x3F97] =	sst lr;
	_ =	strace $0xD0000000  }
0x3: {  	_ = 	snop  }
0x4: {  	_ = 	snop  }
0x5: {  	_ = 	snop  }
0x6: {  	_ = 	snop  }
0x7: {  	_ = 	snop  }
__scs_overlays_trampoline_lowered:
0x8: {  	[smem:$0x3FA6] =	sst s0  }
0x9: {  	[smem:$0x3FA7] =	sst s1  }
0xa: {  	[smem:$0x3FA8] =	sst s2  }
0xb: {  	[smem:$0x3FA9] =	sst s3  }
0xc: {  	[smem:$0x3FAA] =	sst s4  }
0xd: {  	[smem:$0x3FAB] =	sst s5  }
0xe: {  	[smem:$0x3FAC] =	sst s6  }
0xf: {  	[smem:$0x3FAD] =	sst s7  }
0x10: {  	[smem:$0x3FAE] =	sst s8  }
0x11: {  	[smem:$0x3FAF] =	sst s9;
	s0 =	simm.s32 @!p0 $0x0  }
0x12: {  	s1 =	sld [smem:$0x3F95];
	s0 =	simm.s32 @p0 $0x1  }
0x13: {  	[smem:$0x3FB0] =	sst s0;
	s0 =	simm.s32 @!p1 $0x0  }
0x14: {  	s2 =	sld [smem:$0x3F94];
	s0 =	simm.s32 @p1 $0x1  }
0x15: {  	[smem:$0x3FB1] =	sst s0;
	s0 =	simm.s32 @!p2 $0x0  }
0x16: {  	s3 =	sld [smem:$0x3FDB];
	s0 =	simm.s32 @p2 $0x1  }
0x17: {  	s4 =	simm.s32 $0x1BF5;
	[smem:$0x3FB3] =	sst s0  }
0x18: {  	s0 =	sld [smem:$0x3F96];
	_ =	swait.ge [sflag:s4], $0x0  }
0x19: {  	s7 =	sld [smem:$0x3F97]  }
0x1a: {  	s8 =	sadd.s32 $0xFFFFE003, lr  }
0x1b: {  	s9 =	sadd.s32 $0xFFFFFEF7, lr;
	s5 =	simm.s32 $0xFFFFFFFF;
	p2 =	slt.u32 s8, $0xFFFFF086  }
0x1c: {  	p1 =	slt.u32 s9, $0xF7A;
	s5 =	simm.s32 @!p2 $0x0  }
0x1d: {  	s5 =	simm.s32 @p1 $0x1;
	p0 =	seq.s32 s7, s2  }
0x1e: {  	s7 =	smul.u32 @!p0 $0xF7A, s2;
	p2 =	seq.s32 @!p0 s5, $0x0  }
0x1f: {  	s9 =	smul.u32 $0xF7A, s1;
	s8 =	simm.s32 @!p0 $0x1BF5;
	p2 =	por !p2, p0  }
0x20: {  	[sflag:s8] =	ssyncset.s32 @!p0 $0xFFFFF086;
	s6 =	sadd.s32 @!p0 s3, s7;
	s7 =	simm.s32 @!p0 $0x108  }
0x21: {  	s3 =	sadd.s32 s3, s9;
	s6 =	sadd.s32 @!p0 $0x88, s6;
	s7 =	simm.s32 @p2 $0x1082  }
0x22: {  	[simem:s7], [sflag:s8] =	dma.local @!p0 [hbm:s6], $0xF7A  }
0x23: {  	s9 =	sor.u32 $0xD0000000, s2;
	s6 =	simm.s32 $0x108;
	_ =	swait.ge @!p0 [sflag:s8], $0x0  }
0x24: {  	s3 =	sadd.s32 $0x88, s3;
	s6 =	simm.s32 @!p1 $0x1082;
	[sflag:s4] =	ssyncset.s32 $0xFFFFF086  }
0x25: {  	[simem:s6], [sflag:s4] =	dma.local [hbm:s3], $0xF7A  }
0x26: {  	[smem:$0x3F97] =	sst s1;
	(tag) =	ssettag s2;
	_ =	strace s9  }
0x27: {  	s1 =	sld [smem:$0x3FA7]  }
0x28: {  	s2 =	sld [smem:$0x3FA8]  }
0x29: {  	s4 =	sld [smem:$0x3FAA]  }
0x2a: {  	p0 =	seq.s32 s5, $0x0;
	s5 =	sld [smem:$0x3FAB]  }
0x2b: {  	s6 =	sld [smem:$0x3FAC]  }
0x2c: {  	s7 =	sld [smem:$0x3FAD]  }
0x2d: {  	s3 =	simm.s32 $0x108;
	s8 =	sld [smem:$0x3FAE]  }
0x2e: {  	s3 =	simm.s32 @!p0 $0x1082;
	s9 =	sld [smem:$0x3FAF]  }
0x2f: {  	lr =	sadd.s32 s0, s3;
	s0 =	sld [smem:$0x3FA6]  }
0x30: {  	s3 =	sld [smem:$0x3FA9]  }
0x31: {  	[smem:$0x3FB2] =	sst s10  }
0x32: {  	s10 =	sld [smem:$0x3FB0];
	_ =	sdelay $0x3  }
0x33: {  	p0 =	seq.s32 s10, $0x1;
	s10 =	sld [smem:$0x3FB2];
	_ =	sdelay $0x3  }
0x34: {  	[smem:$0x3FB2] =	sst s10  }
0x35: {  	s10 =	sld [smem:$0x3FB1];
	_ =	sdelay $0x3  }
0x36: {  	p1 =	seq.s32 s10, $0x1;
	s10 =	sld [smem:$0x3FB2];
	_ =	sdelay $0x3  }
0x37: {  	[smem:$0x3FB2] =	sst s10  }
0x38: {  	s10 =	sld [smem:$0x3FB3]  }
0x39: {  	_ = 	snop;
	(pc) =	sbr.ind lr, $3  }
0x3a: {  	_ = 	snop  }
0x3b: {  	_ = 	snop  }
0x3c: {  	p2 =	seq.s32 s10, $0x1;
	s10 =	sld [smem:$0x3FB2]  }
0x3d: {  	_ =	shalt  }
0x3e: {  	_ =	shalt  }
0x3f: {  	_ =	shalt  }
0x40: {  	_ =	shalt  }
0x41: {  	_ =	shalt  }
0x42: {  	_ =	shalt  }
0x43: {  	_ =	shalt  }
0x44: {  	_ =	shalt  }
0x45: {  	_ =	shalt  }
0x46: {  	_ =	shalt  }
0x47: {  	_ =	shalt  }
0x48: {  	_ =	shalt  }
0x49: {  	_ =	shalt  }
0x4a: {  	_ =	shalt  }
0x4b: {  	_ =	shalt  }
0x4c: {  	_ =	shalt  }
0x4d: {  	_ =	shalt  }
0x4e: {  	_ =	shalt  }
0x4f: {  	_ =	shalt  }
0x50: {  	_ =	shalt  }
0x51: {  	_ =	shalt  }
0x52: {  	_ =	shalt  }
0x53: {  	_ =	shalt  }
0x54: {  	_ =	shalt  }
0x55: {  	_ =	shalt  }
0x56: {  	_ =	shalt  }
0x57: {  	_ =	shalt  }
0x58: {  	_ =	shalt  }
0x59: {  	_ =	shalt  }
0x5a: {  	_ =	shalt  }
0x5b: {  	_ =	shalt  }
0x5c: {  	_ =	shalt  }
0x5d: {  	_ =	shalt  }
0x5e: {  	_ =	shalt  }
0x5f: {  	_ =	shalt  }
0x60: {  	_ =	shalt  }
0x61: {  	_ =	shalt  }
0x62: {  	_ =	shalt  }
0x63: {  	_ =	shalt  }
0x64: {  	_ =	shalt  }
0x65: {  	_ =	shalt  }
0x66: {  	_ =	shalt  }
0x67: {  	_ =	shalt  }
0x68: {  	_ =	shalt  }
0x69: {  	_ =	shalt  }
0x6a: {  	_ =	shalt  }
0x6b: {  	_ =	shalt  }
0x6c: {  	_ =	shalt  }
0x6d: {  	_ =	shalt  }
0x6e: {  	_ =	shalt  }
0x6f: {  	_ =	shalt  }
0x70: {  	_ =	shalt  }
0x71: {  	_ =	shalt  }
0x72: {  	_ =	shalt  }
0x73: {  	_ =	shalt  }
0x74: {  	_ =	shalt  }
0x75: {  	_ =	shalt  }
0x76: {  	_ =	shalt  }
0x77: {  	_ =	shalt  }
0x78: {  	_ =	shalt  }
0x79: {  	_ =	shalt  }
0x7a: {  	_ =	shalt  }
0x7b: {  	_ =	shalt  }
0x7c: {  	_ =	shalt  }
0x7d: {  	_ =	shalt  }
0x7e: {  	_ =	shalt  }
0x7f: {  	_ =	shalt  }
0x80: {  	_ =	shalt  }
0x81: {  	_ =	shalt  }
0x82: {  	_ =	shalt  }
0x83: {  	_ =	shalt  }
0x84: {  	_ =	shalt  }
0x85: {  	_ =	shalt  }
0x86: {  	_ =	shalt  }
0x87: {  	_ =	shalt  }
.Lfunc_end0:
.L_simem_size_0:
called_computation_lowered:
.L_overlay_start_0:
0x88: {  	s2 =	sld [smem:$0x3FD9]  }
0x89: {  	s3 =	sld [smem:$0x3FFE];
	_ =	sdelay $0x1  }
0x8a: {  	s1 =	srdreg.scid  }
0x8b: {  	s0 =	sand.u32 $0x1, s1  }
0x8c: {  	s17 =	sshll.u32 s0, $0xA;
	s2 =	sadd.s32 s3, s2  }
0x8d: {  	s2 =	sadd.s32 s2, s17  }
0x8e: {  	[smem:$0x3FBE] =	sst s2  }
0x8f: {  	_ = 	snop  }
0x90: {  	s2 =	sld [smem:$0x3FD0];
	(tm) =	ssettm $0x1  }
0x91: {  	s18 =	sld [smem:$0x3FFB];
	_ =	sdelay $0x3  }
0x92: {  	_ =	strace s18  }
0x93: {  	s3 =	sld [smem:$0x3FFC];
	_ =	sdelay $0x3  }
0x94: {  	_ =	strace s3  }
0x95: {  	s3 =	sld [smem:$0x3FFD];
	_ =	sdelay $0x3  }
0x96: {  	_ =	strace s3  }
0x97: {  	_ =	strace $0x8FFFFFFF  }
0x98: {  	s19 =	sld [smem:$0x3FDB];
	_ =	sdelay $0x1  }
0x99: {  	s4 =	simm.s32 $_scs_section_size  }
0x9a: {  	s5 =	simm.s32 $_size__tile_overlayer_lowered;
	s6 =	simm.s32 $_tile_overlayer_lowered  }
0x9b: {  	s22 =	simm.s32 $0x1BFF;
	s21 =	sshll.u32 s6, $0x1;
	s3 =	sadd.s32 s4, s19  }
0x9c: {  	s7 =	simm.s32 $0x0;
	s20 =	sshll.u32 s5, $0x1;
	s5 =	sadd.s32 s21, s3  }
0x9d: {  	[timem:s7], [sflag:s22] =	dma.local [hbm:s5], s20  }
0x9e: {  	_ =	swait.ge [sflag:s22], s20  }
0x9f: {  	s4 =	ssub.s32 $0x0, s20;
	[sflag:s22] =	ssyncset.done $0x0  }
0xa0: {  	[sflag:s22] =	ssyncadd.s32 s4;
	_ =	sdelay $0x1  }
0xa1: {  	s23 =	simm.s32 $0x1B8B  }
0xa2: {  	_ =	swait.ge [sflag:s23], $0x1  }
0xa3: {  	[sflag:s23] =	ssyncset.done $0x0  }
0xa4: {  	s25 =	simm.s32 $0x1B8E;
	s24 =	sld [smem:$0x3FFE];
	[sflag:s23] =	ssyncadd.s32 $0xFFFFFFFF  }
0xa5: {  	s26 =	simm.s32 $execute0_lowered;
	[smem:$0x3FD2] =	sst s25  }
0xa6: {  	s5 =	sshll.u32 s26, $0x1;
	_ =	strace $0x80000046;
	[dreg:$0x1] =	wrdreg $0xFFFFFFFF  }
0xa7: {  	s28 =	simm.s32 $_size_execute0_lowered;
	s3 =	sadd.s32 s3, s5;
	[dreg:$0x0] =	wrdreg $0x0  }
0xa8: {  	s5 =	sshll.u32 s28, $0x1;
	[dreg:$0x2] =	wrdreg s3  }
0xa9: {  	[dreg:$0x3] =	wrdreg s5  }
0xaa: {  	[dreg:$0x4] =	wrdreg $0xC0  }
0xab: {  	_ =	task [dreg:s7], $0x5FFFF  }
0xac: {  	[dreg:$0x1] =	wrdreg $0xFFFFFFFF  }
0xad: {  	[dreg:$0x0] =	wrdreg $0x60  }
0xae: {  	[dreg:$0x2] =	wrdreg s24  }
0xaf: {  	[dreg:$0x3] =	wrdreg s2  }
0xb0: {  	[dreg:$0x4] =	wrdreg $0x9  }
0xb1: {  	_ =	task.clear_ibuf [dreg:s7], $0x5FFFF;
	_ =	strace $0x90000046  }
0xb2: {  	s29 =	simm.s32 $0x9;
	_ =	strace $0x80000048  }
0xb3: {  	_ =	swait.ge [sflag:s29], $0x1  }
0xb4: {  	[sflag:s29] =	ssyncadd.s32 $0xFFFFFFFF  }
0xb5: {  	_ =	strace $0x90000048  }
0xb6: {  	_ =	sfence  }
0xb7: {  	s30 =	sld [smem:$0x0];
	_ =	sdelay $0x2  }
0xb8: {  	s31 =	sshll.u32 s1, $0xD;
	s1 =	sshrl.u32 s1, $0x2  }
0xb9: {  	s3 =	sand.u32 $0x4000, s31;
	s1 =	sadd.s32 s1, s30  }
0xba: {  	s0 =	sor.u32 s3, s0;
	s1 =	sshll.u32 s1, $0x11  }
0xbb: {  	s0 =	sor.u32 s1, s0  }
0xbc: {  	s0 =	sadd.s32 $0x8F2B, s0  }
0xbd: {  	[sflag:s0] =	ssyncadd.remote.s32 $0x1  }
0xbe: {  	_ =	sfence.sel $0xFFFF  }
0xbf: {  	[dreg:$0x0] =	wrdreg $0xFFFFFFFF;
	(pc) =	sbr.abs _section_cstart, $3  }
0xc0: {  	[dreg:$0x1] =	wrdreg $0xFFFFFFFF  }
0xc1: {  	_ =	task.clear_ibuf [dreg:s7], $0x2FFFF;
	_ =	strace $0x9FFFFFFF  }
0xc2: {  	(tm) =	ssettm $0x7FFFFFFF  }
0xc3: {  	_ =	shalt  }
tec
execute0_lowered:
.L_overlay_start_1:
0x0: {  	(tag) =	ssettag $0x1  }
0x1: {  	s6 =	rddreg [dreg:$0x0]  }
0x2: {  	s2 =	rddreg [dreg:$0x1];
	s3 =	srdreg.scid  }
0x3: {  	s0 =	rddreg [dreg:$0x2];
	s1 =	stileid.u32;
	s17 =	simm.s32 $0x3000  }
0x4: {  	s18 =	simm.s32 $0x1;
	s19 =	simm.s32 $0x5;
	s20 =	simm.s32 $0x4C00  }
0x5: {  	s21 =	simm.s32 $0x4;
	s22 =	simm.s32 $0x5000;
	s23 =	simm.s32 $0x0  }
0x6: {  	s9 =	sand.u32 $0x1, s3;
	s3 =	simm.s32 $0x0;
	s4 =	sshll.u32 s1, $0xA  }
0x7: {  	s7 =	smul.u32 $0xE000, s1;
	s10 =	sshll.u32 s1, $0xD;
	s11 =	sshll.u32 s1, $0xC  }
0x8: {  	s5 =	sshll.u32 s9, $0x9;
	[smem:$0x7FF] =	sst s3;
	s30 =	ssub.s32 $0x2, s9  }
0x9: {  	s10 =	sadd.s32 s10, s6;
	s11 =	sadd.s32 s11, s6;
	s14 =	sshll.u32 s9, $0xB  }
0xa: {  	s15 =	sshll.u32 s9, $0xC;
	s16 =	smul.u32 $0x7000, s9;
	s4 =	sor.u32 s5, s4  }
0xb: {  	_ =	strace $0x80000047;
	s5 =	sadd.s32 $0x3600, s6;
	s12 =	sadd.s32 s7, s6  }
0xc: {  	s13 =	sshrl.u32 s30, $0x1;
	s11 =	sadd.s32 s14, s11;
	s31 =	sadd.s32 s15, s10  }
0xd: {  	s14 =	simm.s32 $0x1000;
	s15 =	simm.s32 $0x2000;
	s8 =	sadd.s32 s4, s6  }
0xe: {  	s4 =	sadd.s32 $0x19A000, s6;
	s13 =	ssub.s32 s30, s13;
	s10 =	sadd.s32 $0x33600, s11  }
0xf: {  	s11 =	sadd.s32 $0x13600, s31;
	s12 =	sadd.s32 s16, s12;
	s16 =	simm.s32 $0x32  }
0x10: {  	s6 =	sadd.s32 $0xF600, s8;
	s7 =	sadd.s32 $0x7600, s8;
	s8 =	sadd.s32 $0xB600, s8  }
0x11: {  	s9 =	smax.u32 s13, $0x1;
	s12 =	sadd.s32 $0x43600, s12;
	s13 =	simm.s32 $0x2  }
.LBB2_1:
0x12: {  	[tilespmem:s3], [sflag:$0x2] =	stream.linear.gather [hbm4b:s6+s3], $0x1000, $0x38;
	[tilespmem:$0x5200] =	vst v63  }
0x13: {  	_ =	swait.ge [sflag:s13], $0x1000  }
0x14: {  	[sflag:s13] =	ssyncset.done $0x0  }
0x15: {  	[sflag:s13] =	ssyncadd.s32 $0xFFFFF000  }
0x16: {  	[tilespmem:s14], [sflag:$0x2] =	stream.linear.gather [hbm4b:s7+s3], $0x1000, $0x38;
	[tilespmem:$0x5200] =	vst v63  }
0x17: {  	_ =	swait.ge [sflag:s13], $0x1000  }
0x18: {  	[sflag:s13] =	ssyncset.done $0x0  }
0x19: {  	[sflag:s13] =	ssyncadd.s32 $0xFFFFF000  }
0x1a: {  	[tilespmem:s15], [sflag:$0x2] =	stream.linear.gather [hbm4b:s8+s3], $0x1000, $0x38;
	[tilespmem:$0x5200] =	vst v63  }
0x1b: {  	_ =	swait.ge [sflag:s13], $0x1000  }
0x1c: {  	[sflag:s13] =	ssyncset.done $0x0  }
0x1d: {  	s24 =	simm.s32 $0x0;
	[sflag:s13] =	ssyncadd.s32 $0xFFFFF000  }
0x1e: {  	[tilespmem:s17], [sflag:$0x1] =	stream.indirect.gather [hbm4b:s4+s16], $0x80, s24, s16, $0xb8;
	[tilespmem:$0x5200] =	vst v63  }
0x1f: {  	_ =	swait.ge [sflag:s18], $0x1900  }
0x20: {  	[sflag:s18] =	ssyncset.done $0x0  }
0x21: {  	[sflag:s18] =	ssyncadd.s32 $0xFFFFE700  }
0x22: {  	[hbm4b:s12+s3] =	stream.linear.scatter [tilespmem:s17], [sflag:$0x2], $0x1900, $0x38;
	[tilespmem:$0x5200] =	vst v63  }
0x23: {  	_ =	swait.ge [sflag:s13], $0x1900  }
0x24: {  	[sflag:s13] =	ssyncset.done $0x0  }
0x25: {  	s30 =	simm.s32 $0x1000;
	[sflag:s13] =	ssyncadd.s32 $0xFFFFE700  }
0x26: {  	[tilespmem:s20], [sflag:$0x1] =	stream.indirect.gather [hbm4b:s5+s19], $0x80, s30, s19, $0xb8;
	[tilespmem:$0x5200] =	vst v63  }
0x27: {  	_ =	swait.ge [sflag:s18], $0x280  }
0x28: {  	[sflag:s18] =	ssyncset.done $0x0  }
0x29: {  	[sflag:s18] =	ssyncadd.s32 $0xFFFFFD80  }
0x2a: {  	[hbm4b:s11+s3] =	stream.linear.scatter [tilespmem:s20], [sflag:$0x2], $0x280, $0x38;
	[tilespmem:$0x5200] =	vst v63  }
0x2b: {  	_ =	swait.ge [sflag:s13], $0x280  }
0x2c: {  	[sflag:s13] =	ssyncset.done $0x0  }
0x2d: {  	s31 =	simm.s32 $0x2000;
	[sflag:s13] =	ssyncadd.s32 $0xFFFFFD80  }
0x2e: {  	[tilespmem:s22], [sflag:$0x1] =	stream.indirect.gather [hbm4b:s2+s21], $0x80, s31, s21, $0xb8;
	[tilespmem:$0x5200] =	vst v63  }
0x2f: {  	_ =	swait.ge [sflag:s18], $0x200  }
0x30: {  	[sflag:s18] =	ssyncset.done $0x0  }
0x31: {  	s28 =	simm.s32 $0x200;
	[sflag:s18] =	ssyncadd.s32 $0xFFFFFE00  }
0x32: {  	[hbm4b:s10+s3] =	stream.linear.scatter [tilespmem:s22], [sflag:$0x2], $0x200, $0x38;
	[tilespmem:$0x5200] =	vst v63  }
0x33: {  	s29 =	simm.s32 $0x400;
	s26 =	sadd.s32 $0x380, s12;
	_ =	swait.ge [sflag:s13], $0x200  }
0x34: {  	s25 =	sadd.s32 $0x80, s11;
	s24 =	sadd.s32 $0x40, s10;
	[sflag:s13] =	ssyncset.done $0x0  }
.LBB2_2:
0x35: {  	s30 =	sshra.s32 s28, $0x2  }
0x36: {  	[sflag:s13] =	ssyncadd.s32 $0xFFFFFE00;
	s28 =	smov.u32 s29;
	s31 =	sadd.s32 $0x200, s29  }
0x37: {  	[tilespmem:s17], [sflag:$0x1] =	stream.indirect.gather [hbm4b:s4+s16], $0x80, s30, s16, $0xb8;
	[tilespmem:$0x5200] =	vst v63  }
0x38: {  	p0 =	sne.s32 s29, $0x3E00;
	_ =	swait.ge [sflag:s18], $0x1900  }
0x39: {  	[sflag:s18] =	ssyncset.done $0x0  }
0x3a: {  	[sflag:s18] =	ssyncadd.s32 $0xFFFFE700  }
0x3b: {  	[hbm4b:s26+s3] =	stream.linear.scatter [tilespmem:s17], [sflag:$0x2], $0x1900, $0x38;
	[tilespmem:$0x5200] =	vst v63  }
0x3c: {  	_ =	swait.ge [sflag:s13], $0x1900  }
0x3d: {  	[sflag:s13] =	ssyncset.done $0x0  }
0x3e: {  	s29 =	sadd.s32 $0x1000, s30;
	[sflag:s13] =	ssyncadd.s32 $0xFFFFE700  }
0x3f: {  	[tilespmem:s20], [sflag:$0x1] =	stream.indirect.gather [hbm4b:s5+s19], $0x80, s29, s19, $0xb8;
	[tilespmem:$0x5200] =	vst v63  }
0x40: {  	_ =	swait.ge [sflag:s18], $0x280  }
0x41: {  	[sflag:s18] =	ssyncset.done $0x0  }
0x42: {  	[sflag:s18] =	ssyncadd.s32 $0xFFFFFD80  }
0x43: {  	[hbm4b:s25+s3] =	stream.linear.scatter [tilespmem:s20], [sflag:$0x2], $0x280, $0x38;
	[tilespmem:$0x5200] =	vst v63  }
0x44: {  	_ =	swait.ge [sflag:s13], $0x280  }
0x45: {  	[sflag:s13] =	ssyncset.done $0x0  }
0x46: {  	s29 =	sadd.s32 $0x2000, s30;
	[sflag:s13] =	ssyncadd.s32 $0xFFFFFD80  }
0x47: {  	[tilespmem:s22], [sflag:$0x1] =	stream.indirect.gather [hbm4b:s2+s21], $0x80, s29, s21, $0xb8;
	[tilespmem:$0x5200] =	vst v63  }
0x48: {  	_ =	swait.ge [sflag:s18], $0x200  }
.Ltmp0:
0x49: {  	[sflag:s18] =	ssyncset.done $0x0;
	(pc) =	sbr.rel @p0 .LBB2_2-.Ltmp0, $4  }
0x4a: {  	[sflag:s18] =	ssyncadd.s32 $0xFFFFFE00  }
0x4b: {  	[hbm4b:s24+s3] =	stream.linear.scatter [tilespmem:s22], [sflag:$0x2], $0x200, $0x38;
	[tilespmem:$0x5200] =	vst v63  }
0x4c: {  	s26 =	sadd.s32 $0x380, s26;
	s25 =	sadd.s32 $0x80, s25;
	_ =	swait.ge [sflag:s13], $0x200  }
0x4d: {  	s29 =	smov.u32 s31;
	s24 =	sadd.s32 $0x40, s24;
	[sflag:s13] =	ssyncset.done $0x0  }
0x4e: {  	s28 =	sshra.s32 s28, $0x2;
	[sflag:s13] =	ssyncadd.s32 $0xFFFFFE00  }
0x4f: {  	[tilespmem:s17], [sflag:$0x1] =	stream.indirect.gather [hbm4b:s4+s16], $0x80, s28, s16, $0xb8;
	[tilespmem:$0x5200] =	vst v63  }
0x50: {  	_ =	swait.ge [sflag:s18], $0x1900  }
0x51: {  	[sflag:s18] =	ssyncset.done $0x0  }
0x52: {  	[sflag:s18] =	ssyncadd.s32 $0xFFFFE700  }
0x53: {  	[hbm4b:s26+s3] =	stream.linear.scatter [tilespmem:s17], [sflag:$0x2], $0x1900, $0x38;
	[tilespmem:$0x5200] =	vst v63  }
0x54: {  	_ =	swait.ge [sflag:s13], $0x1900  }
0x55: {  	[sflag:s13] =	ssyncset.done $0x0  }
0x56: {  	s30 =	sadd.s32 $0x1000, s28;
	[sflag:s13] =	ssyncadd.s32 $0xFFFFE700  }
0x57: {  	[tilespmem:s20], [sflag:$0x1] =	stream.indirect.gather [hbm4b:s5+s19], $0x80, s30, s19, $0xb8;
	[tilespmem:$0x5200] =	vst v63  }
0x58: {  	_ =	swait.ge [sflag:s18], $0x280  }
0x59: {  	[sflag:s18] =	ssyncset.done $0x0  }
0x5a: {  	[sflag:s18] =	ssyncadd.s32 $0xFFFFFD80  }
0x5b: {  	[hbm4b:s25+s3] =	stream.linear.scatter [tilespmem:s20], [sflag:$0x2], $0x280, $0x38;
	[tilespmem:$0x5200] =	vst v63  }
0x5c: {  	_ =	swait.ge [sflag:s13], $0x280  }
0x5d: {  	[sflag:s13] =	ssyncset.done $0x0  }
0x5e: {  	s31 =	sadd.s32 $0x2000, s28;
	[sflag:s13] =	ssyncadd.s32 $0xFFFFFD80  }
0x5f: {  	[tilespmem:s22], [sflag:$0x1] =	stream.indirect.gather [hbm4b:s2+s21], $0x80, s31, s21, $0xb8;
	[tilespmem:$0x5200] =	vst v63  }
0x60: {  	s23 =	sadd.s32 $0x1, s23;
	_ =	swait.ge [sflag:s18], $0x200  }
0x61: {  	p0 =	sne.s32 s23, s9;
	[sflag:s18] =	ssyncset.done $0x0  }
.Ltmp1:
0x62: {  	[sflag:s18] =	ssyncadd.s32 $0xFFFFFE00;
	(pc) =	sbr.rel @p0 .LBB2_1-.Ltmp1, $4  }
0x63: {  	[hbm4b:s24+s3] =	stream.linear.scatter [tilespmem:s22], [sflag:$0x2], $0x200, $0x38;
	[tilespmem:$0x5200] =	vst v63  }
0x64: {  	_ =	swait.ge [sflag:s13], $0x200  }
0x65: {  	[sflag:s13] =	ssyncset.done $0x0  }
0x66: {  	[sflag:s13] =	ssyncadd.s32 $0xFFFFFE00  }
0x67: {  	_ =	sfence.sel $0x180000  }
0x68: {  	[bflag:$0x0] =	sbarrier.arrive $0xFFFF  }
0x69: {  	p0 =	sne.s32 s1, $0x0;
	_ =	strace $0x90000047  }
0x6a: {  	s0 =	sadd.s32 @!p0 $0x100000, s0;
	[bflag:$0x2] =	sbarrier.arrive $0xFFFF  }
0x6b: {  	[sflag:s0] =	ssyncadd.tile.s32 @!p0 $0x1;
	_ =	shalt  }
.Lfunc_end2:
_tile_overlayer_lowered:
.L_overlay_start_2:
0x6c: {  	(tag) =	ssettag $0x2  }
0x6d: {  	s0 =	rddreg [dreg:$0x0];
	s2 =	stileid.u32  }
0x6e: {  	s1 =	rddreg [dreg:$0x1];
	p0 =	sne.s32 s2, $0x0  }
0x6f: {  	s3 =	rddreg [dreg:$0x2];
	[bflag:$0x3] =	sbarrier.arrive $0xFFFF;
	s2 =	simm.s32 @!p0 $0x1C02  }
0x70: {  	[timem:s3], [sflag:s2] =	dma.local @!p0 [hbm:s0], s1  }
0x71: {  	s0 =	simm.s32 @!p0 $0x2  }
0x72: {  	_ =	swait.ge @!p0 [sflag:s0], s1  }
0x73: {  	s1 =	ssub.s32 @!p0 $0x0, s1;
	[sflag:s0] =	ssyncset.done @!p0 $0x0  }
0x74: {  	[sflag:s0] =	ssyncadd.s32 @!p0 s1  }
0x75: {  	[bflag:$0x3] =	sbarrier.arrive $0xFFFF  }
0x76: {  	_ =	shalt  }

// kernel: kernel.9.cloned.1.call-start
scs
__scs_entry_jumppad:
0x0: {  	(pc) =	sbr.rel $0x88, $3  }
0x1: {  	(tag) =	ssettag $0x0;
	lr =	simm.s32 $0x1  }
0x2: {  	[smem:$0x3F97] =	sst lr;
	_ =	strace $0xD0000000  }
0x3: {  	_ = 	snop  }
0x4: {  	_ = 	snop  }
0x5: {  	_ = 	snop  }
0x6: {  	_ = 	snop  }
0x7: {  	_ = 	snop  }
__scs_overlays_trampoline_lowered:
0x8: {  	[smem:$0x3FA6] =	sst s0  }
0x9: {  	[smem:$0x3FA7] =	sst s1  }
0xa: {  	[smem:$0x3FA8] =	sst s2  }
0xb: {  	[smem:$0x3FA9] =	sst s3  }
0xc: {  	[smem:$0x3FAA] =	sst s4  }
0xd: {  	[smem:$0x3FAB] =	sst s5  }
0xe: {  	[smem:$0x3FAC] =	sst s6  }
0xf: {  	[smem:$0x3FAD] =	sst s7  }
0x10: {  	[smem:$0x3FAE] =	sst s8  }
0x11: {  	[smem:$0x3FAF] =	sst s9;
	s0 =	simm.s32 @!p0 $0x0  }
0x12: {  	s1 =	sld [smem:$0x3F95];
	s0 =	simm.s32 @p0 $0x1  }
0x13: {  	[smem:$0x3FB0] =	sst s0;
	s0 =	simm.s32 @!p1 $0x0  }
0x14: {  	s2 =	sld [smem:$0x3F94];
	s0 =	simm.s32 @p1 $0x1  }
0x15: {  	[smem:$0x3FB1] =	sst s0;
	s0 =	simm.s32 @!p2 $0x0  }
0x16: {  	s3 =	sld [smem:$0x3FDB];
	s0 =	simm.s32 @p2 $0x1  }
0x17: {  	s4 =	simm.s32 $0x1BF5;
	[smem:$0x3FB3] =	sst s0  }
0x18: {  	s0 =	sld [smem:$0x3F96];
	_ =	swait.ge [sflag:s4], $0x0  }
0x19: {  	s7 =	sld [smem:$0x3F97]  }
0x1a: {  	s8 =	sadd.s32 $0xFFFFE003, lr  }
0x1b: {  	s9 =	sadd.s32 $0xFFFFFEF7, lr;
	s5 =	simm.s32 $0xFFFFFFFF;
	p2 =	slt.u32 s8, $0xFFFFF086  }
0x1c: {  	p1 =	slt.u32 s9, $0xF7A;
	s5 =	simm.s32 @!p2 $0x0  }
0x1d: {  	s5 =	simm.s32 @p1 $0x1;
	p0 =	seq.s32 s7, s2  }
0x1e: {  	s7 =	smul.u32 @!p0 $0xF7A, s2;
	p2 =	seq.s32 @!p0 s5, $0x0  }
0x1f: {  	s9 =	smul.u32 $0xF7A, s1;
	s8 =	simm.s32 @!p0 $0x1BF5;
	p2 =	por !p2, p0  }
0x20: {  	[sflag:s8] =	ssyncset.s32 @!p0 $0xFFFFF086;
	s6 =	sadd.s32 @!p0 s3, s7;
	s7 =	simm.s32 @!p0 $0x108  }
0x21: {  	s3 =	sadd.s32 s3, s9;
	s6 =	sadd.s32 @!p0 $0x88, s6;
	s7 =	simm.s32 @p2 $0x1082  }
0x22: {  	[simem:s7], [sflag:s8] =	dma.local @!p0 [hbm:s6], $0xF7A  }
0x23: {  	s9 =	sor.u32 $0xD0000000, s2;
	s6 =	simm.s32 $0x108;
	_ =	swait.ge @!p0 [sflag:s8], $0x0  }
0x24: {  	s3 =	sadd.s32 $0x88, s3;
	s6 =	simm.s32 @!p1 $0x1082;
	[sflag:s4] =	ssyncset.s32 $0xFFFFF086  }
0x25: {  	[simem:s6], [sflag:s4] =	dma.local [hbm:s3], $0xF7A  }
0x26: {  	[smem:$0x3F97] =	sst s1;
	(tag) =	ssettag s2;
	_ =	strace s9  }
0x27: {  	s1 =	sld [smem:$0x3FA7]  }
0x28: {  	s2 =	sld [smem:$0x3FA8]  }
0x29: {  	s4 =	sld [smem:$0x3FAA]  }
0x2a: {  	p0 =	seq.s32 s5, $0x0;
	s5 =	sld [smem:$0x3FAB]  }
0x2b: {  	s6 =	sld [smem:$0x3FAC]  }
0x2c: {  	s7 =	sld [smem:$0x3FAD]  }
0x2d: {  	s3 =	simm.s32 $0x108;
	s8 =	sld [smem:$0x3FAE]  }
0x2e: {  	s3 =	simm.s32 @!p0 $0x1082;
	s9 =	sld [smem:$0x3FAF]  }
0x2f: {  	lr =	sadd.s32 s0, s3;
	s0 =	sld [smem:$0x3FA6]  }
0x30: {  	s3 =	sld [smem:$0x3FA9]  }
0x31: {  	[smem:$0x3FB2] =	sst s10  }
0x32: {  	s10 =	sld [smem:$0x3FB0];
	_ =	sdelay $0x3  }
0x33: {  	p0 =	seq.s32 s10, $0x1;
	s10 =	sld [smem:$0x3FB2];
	_ =	sdelay $0x3  }
0x34: {  	[smem:$0x3FB2] =	sst s10  }
0x35: {  	s10 =	sld [smem:$0x3FB1];
	_ =	sdelay $0x3  }
0x36: {  	p1 =	seq.s32 s10, $0x1;
	s10 =	sld [smem:$0x3FB2];
	_ =	sdelay $0x3  }
0x37: {  	[smem:$0x3FB2] =	sst s10  }
0x38: {  	s10 =	sld [smem:$0x3FB3]  }
0x39: {  	_ = 	snop;
	(pc) =	sbr.ind lr, $3  }
0x3a: {  	_ = 	snop  }
0x3b: {  	_ = 	snop  }
0x3c: {  	p2 =	seq.s32 s10, $0x1;
	s10 =	sld [smem:$0x3FB2]  }
0x3d: {  	_ =	shalt  }
0x3e: {  	_ =	shalt  }
0x3f: {  	_ =	shalt  }
0x40: {  	_ =	shalt  }
0x41: {  	_ =	shalt  }
0x42: {  	_ =	shalt  }
0x43: {  	_ =	shalt  }
0x44: {  	_ =	shalt  }
0x45: {  	_ =	shalt  }
0x46: {  	_ =	shalt  }
0x47: {  	_ =	shalt  }
0x48: {  	_ =	shalt  }
0x49: {  	_ =	shalt  }
0x4a: {  	_ =	shalt  }
0x4b: {  	_ =	shalt  }
0x4c: {  	_ =	shalt  }
0x4d: {  	_ =	shalt  }
0x4e: {  	_ =	shalt  }
0x4f: {  	_ =	shalt  }
0x50: {  	_ =	shalt  }
0x51: {  	_ =	shalt  }
0x52: {  	_ =	shalt  }
0x53: {  	_ =	shalt  }
0x54: {  	_ =	shalt  }
0x55: {  	_ =	shalt  }
0x56: {  	_ =	shalt  }
0x57: {  	_ =	shalt  }
0x58: {  	_ =	shalt  }
0x59: {  	_ =	shalt  }
0x5a: {  	_ =	shalt  }
0x5b: {  	_ =	shalt  }
0x5c: {  	_ =	shalt  }
0x5d: {  	_ =	shalt  }
0x5e: {  	_ =	shalt  }
0x5f: {  	_ =	shalt  }
0x60: {  	_ =	shalt  }
0x61: {  	_ =	shalt  }
0x62: {  	_ =	shalt  }
0x63: {  	_ =	shalt  }
0x64: {  	_ =	shalt  }
0x65: {  	_ =	shalt  }
0x66: {  	_ =	shalt  }
0x67: {  	_ =	shalt  }
0x68: {  	_ =	shalt  }
0x69: {  	_ =	shalt  }
0x6a: {  	_ =	shalt  }
0x6b: {  	_ =	shalt  }
0x6c: {  	_ =	shalt  }
0x6d: {  	_ =	shalt  }
0x6e: {  	_ =	shalt  }
0x6f: {  	_ =	shalt  }
0x70: {  	_ =	shalt  }
0x71: {  	_ =	shalt  }
0x72: {  	_ =	shalt  }
0x73: {  	_ =	shalt  }
0x74: {  	_ =	shalt  }
0x75: {  	_ =	shalt  }
0x76: {  	_ =	shalt  }
0x77: {  	_ =	shalt  }
0x78: {  	_ =	shalt  }
0x79: {  	_ =	shalt  }
0x7a: {  	_ =	shalt  }
0x7b: {  	_ =	shalt  }
0x7c: {  	_ =	shalt  }
0x7d: {  	_ =	shalt  }
0x7e: {  	_ =	shalt  }
0x7f: {  	_ =	shalt  }
0x80: {  	_ =	shalt  }
0x81: {  	_ =	shalt  }
0x82: {  	_ =	shalt  }
0x83: {  	_ =	shalt  }
0x84: {  	_ =	shalt  }
0x85: {  	_ =	shalt  }
0x86: {  	_ =	shalt  }
0x87: {  	_ =	shalt  }
.Lfunc_end0:
.L_simem_size_0:
called_computation.1_lowered:
.L_overlay_start_0:
0x88: {  	s2 =	sld [smem:$0x3FD9]  }
0x89: {  	s3 =	sld [smem:$0x3FFE];
	_ =	sdelay $0x1  }
0x8a: {  	s1 =	srdreg.scid  }
0x8b: {  	s0 =	sand.u32 $0x1, s1  }
0x8c: {  	s16 =	sshll.u32 s0, $0xA;
	s2 =	sadd.s32 s3, s2  }
0x8d: {  	s2 =	sadd.s32 s2, s16  }
0x8e: {  	[smem:$0x3FBE] =	sst s2  }
0x8f: {  	_ = 	snop  }
0x90: {  	(tm) =	ssettm $0x1  }
0x91: {  	s17 =	sld [smem:$0x3FFB];
	_ =	sdelay $0x3  }
0x92: {  	_ =	strace s17  }
0x93: {  	s2 =	sld [smem:$0x3FFC];
	_ =	sdelay $0x3  }
0x94: {  	_ =	strace s2  }
0x95: {  	s2 =	sld [smem:$0x3FFD];
	_ =	sdelay $0x3  }
0x96: {  	_ =	strace s2  }
0x97: {  	_ =	strace $0x8FFFFFFF  }
0x98: {  	s18 =	sld [smem:$0x3FDB];
	_ =	sdelay $0x1  }
0x99: {  	s19 =	simm.s32 $_scs_section_size  }
0x9a: {  	s4 =	simm.s32 $_size__tile_overlayer_lowered;
	s5 =	simm.s32 $_tile_overlayer_lowered  }
0x9b: {  	s22 =	simm.s32 $0x1BFF;
	s21 =	sshll.u32 s5, $0x1;
	s2 =	sadd.s32 s19, s18  }
0x9c: {  	s6 =	simm.s32 $0x0;
	s20 =	sshll.u32 s4, $0x1;
	s4 =	sadd.s32 s21, s2  }
0x9d: {  	[timem:s6], [sflag:s22] =	dma.local [hbm:s4], s20  }
0x9e: {  	_ =	swait.ge [sflag:s22], s20  }
0x9f: {  	s3 =	ssub.s32 $0x0, s20;
	[sflag:s22] =	ssyncset.done $0x0  }
0xa0: {  	[sflag:s22] =	ssyncadd.s32 s3;
	_ =	sdelay $0x1  }
0xa1: {  	s23 =	simm.s32 $0x1B8B  }
0xa2: {  	_ =	swait.ge [sflag:s23], $0x1  }
0xa3: {  	[sflag:s23] =	ssyncset.done $0x0  }
0xa4: {  	s25 =	simm.s32 $0x1B8E;
	s24 =	sld [smem:$0x3FFE];
	[sflag:s23] =	ssyncadd.s32 $0xFFFFFFFF  }
0xa5: {  	s26 =	simm.s32 $execute0_lowered;
	[smem:$0x3FD2] =	sst s25  }
0xa6: {  	s4 =	sshll.u32 s26, $0x1;
	_ =	strace $0x80000049;
	[dreg:$0x1] =	wrdreg $0xFFFFFFFF  }
0xa7: {  	s28 =	simm.s32 $_size_execute0_lowered;
	s2 =	sadd.s32 s2, s4;
	[dreg:$0x0] =	wrdreg $0x0  }
0xa8: {  	s4 =	sshll.u32 s28, $0x1;
	[dreg:$0x2] =	wrdreg s2  }
0xa9: {  	[dreg:$0x3] =	wrdreg s4  }
0xaa: {  	[dreg:$0x4] =	wrdreg $0xC0  }
0xab: {  	_ =	task [dreg:s6], $0x5FFFF  }
0xac: {  	[dreg:$0x1] =	wrdreg $0xFFFFFFFF  }
0xad: {  	[dreg:$0x0] =	wrdreg $0x60  }
0xae: {  	[dreg:$0x2] =	wrdreg s24  }
0xaf: {  	[dreg:$0x3] =	wrdreg $0x9  }
0xb0: {  	_ =	task.clear_ibuf [dreg:s6], $0x4FFFF;
	_ =	strace $0x90000049  }
0xb1: {  	s29 =	simm.s32 $0x9;
	_ =	strace $0x8000004B  }
0xb2: {  	_ =	swait.ge [sflag:s29], $0x1  }
0xb3: {  	[sflag:s29] =	ssyncadd.s32 $0xFFFFFFFF  }
0xb4: {  	_ =	strace $0x9000004B  }
0xb5: {  	_ =	sfence  }
0xb6: {  	s30 =	sld [smem:$0x0];
	_ =	sdelay $0x2  }
0xb7: {  	s31 =	sshll.u32 s1, $0xD;
	s1 =	sshrl.u32 s1, $0x2  }
0xb8: {  	s3 =	sand.u32 $0x4000, s31;
	s1 =	sadd.s32 s1, s30  }
0xb9: {  	s0 =	sor.u32 s3, s0;
	s1 =	sshll.u32 s1, $0x11  }
0xba: {  	s0 =	sor.u32 s1, s0  }
0xbb: {  	s0 =	sadd.s32 $0x8F2B, s0  }
0xbc: {  	[sflag:s0] =	ssyncadd.remote.s32 $0x1  }
0xbd: {  	_ =	sfence.sel $0xFFFF  }
0xbe: {  	[dreg:$0x0] =	wrdreg $0xFFFFFFFF;
	(pc) =	sbr.abs _section_cstart, $3  }
0xbf: {  	[dreg:$0x1] =	wrdreg $0xFFFFFFFF  }
0xc0: {  	_ =	task.clear_ibuf [dreg:s6], $0x2FFFF;
	_ =	strace $0x9FFFFFFF  }
0xc1: {  	(tm) =	ssettm $0x7FFFFFFF  }
tec
execute0_lowered:
.L_overlay_start_1:
0x0: {  	(tag) =	ssettag $0x1  }
0x1: {  	s2 =	rddreg [dreg:$0x0]  }
0x2: {  	s0 =	rddreg [dreg:$0x1];
	s1 =	simm.s32 $0x0;
	s3 =	srdreg.scid  }
0x3: {  	s9 =	simm.s32 $0x400;
	s10 =	simm.s32 $0x2;
	s11 =	simm.s32 $0x1  }
0x4: {  	s12 =	simm.s32 $0x800;
	s13 =	simm.s32 $0x1D80;
	s14 =	simm.s32 $0x2580  }
0x5: {  	s15 =	simm.s32 $0x1C80;
	s16 =	simm.s32 $0x2D80;
	s17 =	simm.s32 $0x0  }
0x6: {  	[smem:$0x7FF] =	sst s1;
	s6 =	sand.u32 $0x1, s3;
	s3 =	sadd.s32 $0x3E8A00, s2  }
0x7: {  	s4 =	sadd.s32 $0x3600, s2;
	s5 =	sadd.s32 $0xCB600, s2;
	s7 =	ssub.s32 $0x2, s6  }
0x8: {  	s2 =	stileid.u32;
	_ =	strace $0x8000004A;
	s8 =	sshrl.u32 s7, $0x1  }
0x9: {  	v0 =	vlaneseq.u32;
	v1 =	vimm.f32 $-1.000000020e+30;
	s31 =	sshll.u32 s2, $0x6;
	s6 =	sshll.u32 s6, $0x5;
	s7 =	ssub.s32 s7, s8  }
0xa: {  	v2 =	vor.u32 $0x80000010, v0;
	v3 =	vor.u32 $0x80000000, v0;
	v4 =	vmul.u32 $0x80, v0;
	s6 =	sor.u32 s6, s31;
	s8 =	simm.s32 $0x80;
	s7 =	smax.u32 s7, $0x1  }
.LBB2_1:
0xb: {  	s18 =	simm.s32 $0x0  }
.LBB2_2:
0xc: {  	s21 =	sadd.s32 s6, s18  }
0xd: {  	s19 =	sshrl.u32 s21, $0x3  }
0xe: {  	s20 =	sshll.u32 s18, $0x7;
	s22 =	smul.u32 $0xC800, s19  }
0xf: {  	s20 =	sand.u32 $0x380, s20  }
0x10: {  	s22 =	sor.u32 s20, s22  }
0x11: {  	s22 =	sshrl.u32 s22, $0x3  }
0x12: {  	s23 =	sadd.s32 s4, s22;
	s22 =	simm.s32 $0x0  }
0x13: {  	[tilespmem:s22], [sflag:$0x2] =	stream.strided.gather [hbm4b:s23+s8], $0x1900, s9, s8, $0x38;
	[tilespmem:$0x2E00] =	vst v63  }
0x14: {  	_ =	swait.ge [sflag:s10], $0x1900  }
0x15: {  	[sflag:s10] =	ssyncset.done $0x0  }
0x16: {  	[sflag:s10] =	ssyncadd.s32 $0xFFFFE700  }
0x17: {  	v5 =	vld [tilespmem:s22+$0x0];
	_ =	sdelay $0x4  }
0x18: {  	(xrf0) =	vmax.scan.msk.f32 $0xffff, v5;
	_ =	sdelay $0x1  }
0x19: {  	s31 =	sand.u32 $0x7C0, s22  }
0x1a: {  	s23 =	sshrl.u32 s31, $0x2  }
0x1b: {  	v5 =	vld [tilespmem:s23+$0x1900];
	_ =	sdelay $0x1  }
0x1c: {  	s24 =	sand.u32 $0xF, s22;
	v6, _, _ =	vpop (xrf0)  }
0x1d: {  	v7 =	vmov s24;
	v6 =	vbroadcast v6, $0xF  }
0x1e: {  	vm0 =	veq.s32 v7, v0  }
0x1f: {  	v5 =	vsel vm0, v6, v5  }
0x20: {  	s24 =	simm.s32 $0x10;
	[tilespmem:s23+$0x1900] =	vst v5  }
0x21: {  	s25 =	simm.s32 $0x2;
	s23 =	simm.s32 $0x1;
	v5 =	vld [tilespmem:s24+$0x0]  }
.LBB2_3:
0x22: {  	p0 =	sne.s32 s25, $0x18F;
	_ =	sdelay $0x3  }
0x23: {  	(xrf0) =	vmax.scan.msk.f32 $0xffff, v5  }
0x24: {  	s22 =	sadd.s32 $0x4, s22  }
0x25: {  	s26 =	sand.u32 $0x7C0, s22  }
0x26: {  	s26 =	sshrl.u32 s26, $0x2  }
0x27: {  	v5 =	vld [tilespmem:s26+$0x1900];
	_ =	sdelay $0x1  }
0x28: {  	s28 =	sand.u32 $0xF, s23;
	s23 =	smov.u32 s25;
	v6, _, _ =	vpop (xrf0)  }
.Ltmp0:
0x29: {  	v7 =	vmov s28;
	v6 =	vbroadcast v6, $0xF;
	(pc) =	sbr.rel @p0 .LBB2_3-.Ltmp0, $4  }
0x2a: {  	vm0 =	veq.s32 v7, v0  }
0x2b: {  	v5 =	vsel vm0, v6, v5  }
0x2c: {  	s24 =	sadd.s32 $0x10, s24;
	[tilespmem:s26+$0x1900] =	vst v5  }
0x2d: {  	s25 =	sadd.s32 $0x1, s25;
	v5 =	vld [tilespmem:s24+$0x0]  }
0x2e: {  	_ =	sdelay $0x3  }
0x2f: {  	(xrf0) =	vmax.scan.msk.f32 $0xffff, v5  }
0x30: {  	s22 =	sadd.s32 $0x4, s22  }
0x31: {  	s22 =	sand.u32 $0x7C0, s22  }
0x32: {  	s22 =	sshrl.u32 s22, $0x2  }
0x33: {  	v5 =	vld [tilespmem:s22+$0x1900];
	_ =	sdelay $0x1  }
0x34: {  	s23 =	sand.u32 $0xF, s23;
	v6, _, _ =	vpop (xrf0)  }
0x35: {  	v7 =	vmov s23;
	v6 =	vbroadcast v6, $0xF  }
0x36: {  	vm0 =	veq.s32 v7, v0  }
0x37: {  	v5 =	vsel vm0, v6, v5  }
0x38: {  	[tilespmem:s22+$0x1900] =	vst v5  }
0x39: {  	[tilespmem:$0x1B00] =	vst v1  }
0x3a: {  	s29 =	simm.s32 $0x1900;
	[tilespmem:$0x1B10] =	vst v1  }
0x3b: {  	v5 =	vld [tilespmem:s29+$0x0];
	_ =	sdelay $0x4  }
0x3c: {  	(xrf0) =	vmax.scan.msk.f32 $0xffff, v5  }
0x3d: {  	s23 =	simm.s32 $0x0  }
0x3e: {  	s30 =	sand.u32 $0x40, s23  }
0x3f: {  	s24 =	sshrl.u32 s30, $0x2  }
0x40: {  	v5 =	vld [tilespmem:s24+$0x1B00];
	_ =	sdelay $0x1  }
0x41: {  	s31 =	sand.u32 $0xF, s23;
	v6, _, _ =	vpop (xrf0)  }
0x42: {  	v7 =	vmov s31;
	v6 =	vbroadcast v6, $0xF  }
0x43: {  	vm0 =	veq.s32 v7, v0  }
0x44: {  	v5 =	vsel vm0, v6, v5  }
0x45: {  	s25 =	simm.s32 $0x1910;
	s28 =	simm.s32 $0x2;
	[tilespmem:s24+$0x1B00] =	vst v5  }
0x46: {  	s26 =	simm.s32 $0x0;
	s22 =	simm.s32 $0x1;
	s24 =	simm.s32 $0x1;
	v5 =	vld [tilespmem:s25+$0x0]  }
.LBB2_5:
0x47: {  	p0 =	sne.s32 s28, $0x18;
	_ =	sdelay $0x3  }
0x48: {  	(xrf0) =	vmax.scan.msk.f32 $0xffff, v5  }
0x49: {  	s26 =	sadd.s32 $0x4, s26  }
0x4a: {  	s29 =	sand.u32 $0x40, s26  }
0x4b: {  	s29 =	sshrl.u32 s29, $0x2  }
0x4c: {  	v5 =	vld [tilespmem:s29+$0x1B00];
	_ =	sdelay $0x1  }
0x4d: {  	s30 =	sand.u32 $0xF, s24;
	s24 =	smov.u32 s28;
	v6, _, _ =	vpop (xrf0)  }
.Ltmp1:
0x4e: {  	v7 =	vmov s30;
	v6 =	vbroadcast v6, $0xF;
	(pc) =	sbr.rel @p0 .LBB2_5-.Ltmp1, $4  }
0x4f: {  	vm1 =	veq.s32 v7, v0  }
0x50: {  	v5 =	vsel vm1, v6, v5  }
0x51: {  	s25 =	sadd.s32 $0x10, s25;
	[tilespmem:s29+$0x1B00] =	vst v5  }
0x52: {  	s28 =	sadd.s32 $0x1, s28;
	v5 =	vld [tilespmem:s25+$0x0]  }
0x53: {  	_ =	sdelay $0x3  }
0x54: {  	(xrf0) =	vmax.scan.msk.f32 $0xffff, v5  }
0x55: {  	s25 =	sadd.s32 $0x4, s26  }
0x56: {  	s25 =	sand.u32 $0x40, s25  }
0x57: {  	s25 =	sshrl.u32 s25, $0x2  }
0x58: {  	v5 =	vld [tilespmem:s25+$0x1B00];
	_ =	sdelay $0x1  }
0x59: {  	s24 =	sand.u32 $0xF, s24;
	v6, _, _ =	vpop (xrf0)  }
0x5a: {  	v7 =	vmov s24;
	v6 =	vbroadcast v6, $0xF  }
0x5b: {  	vm1 =	veq.s32 v7, v0  }
0x5c: {  	v5 =	vsel vm1, v6, v5  }
0x5d: {  	[tilespmem:s25+$0x1B00] =	vst v5  }
0x5e: {  	v5 =	vld [tilespmem:$0x1B00]  }
0x5f: {  	v6 =	vld [tilespmem:$0x1B10];
	_ =	sdelay $0x4  }
0x60: {  	v7 =	vmax.f32 v5, v6  }
0x61: {  	(xrf0) =	vmax.scan.msk.f32 $0xffff, v7;
	_ =	sdelay $0x5  }
0x62: {  	v7, _, _ =	vpop (xrf0)  }
0x63: {  	v7 =	vbroadcast v7, $0xF;
	_ =	sdelay $0x1  }
0x64: {  	vm10 =	veq.f32 v6, v7  }
0x65: {  	vm2 =	veq.f32 v5, v7;
	v5 =	vnsel vm10, $0xC0000000, v2  }
0x66: {  	v5 =	vsel vm2, v3, v5  }
0x67: {  	(xrf0) =	vmin.scan.msk.u32 $0xffff, v5;
	_ =	sdelay $0x5  }
0x68: {  	v5, _, _ =	vpop (xrf0)  }
0x69: {  	(v2sf) =	vpush v5, $0xF;
	_ =	sdelay $0xe  }
0x6a: {  	s24 =	spop (v2sf)  }
0x6b: {  	s25 =	sshll.u32 s24, $0x4  }
0x6c: {  	v5 =	vld [tilespmem:s25+$0x1900];
	_ =	sdelay $0x4  }
0x6d: {  	vm11 =	veq.f32 v5, v7  }
0x6e: {  	v6 =	vnsel vm11, $0xC0000000, v3  }
0x6f: {  	(xrf0) =	vmin.scan.msk.u32 $0xffff, v6;
	_ =	sdelay $0x5  }
0x70: {  	v6, _, _ =	vpop (xrf0)  }
0x71: {  	(v2sf) =	vpush v6, $0xF;
	_ =	sdelay $0xe  }
0x72: {  	s31 =	spop (v2sf)  }
0x73: {  	s28 =	sadd.s32 s31, s25  }
0x74: {  	s28 =	sshll.u32 s28, $0x4  }
0x75: {  	v6 =	vld [tilespmem:s28+$0x0];
	_ =	sdelay $0x4  }
0x76: {  	vm12 =	veq.f32 v6, v7  }
0x77: {  	v8 =	vnsel vm12, $0xC0000000, v3  }
0x78: {  	(xrf0) =	vmin.scan.msk.u32 $0xffff, v8;
	_ =	sdelay $0x5  }
0x79: {  	v8, _, _ =	vpop (xrf0)  }
0x7a: {  	(v2sf) =	vpush v8, $0xF;
	_ =	sdelay $0xe  }
0x7b: {  	s29 =	spop (v2sf)  }
0x7c: {  	s29 =	sxor.u32 $0x80000000, s29  }
0x7d: {  	v61 =	vmov s29  }
0x7e: {  	vm13 =	veq.s32 v61, v0  }
0x7f: {  	v6 =	vsel vm13, $0xF149F2CA, v6  }
0x80: {  	(xrf0) =	vmax.scan.msk.f32 $0xffff, v6;
	_ =	sdelay $0x2  }
0x81: {  	s23 =	sand.u32 $0x70, s23  }
0x82: {  	v62 =	vld [tilespmem:s23+$0x1C00]  }
0x83: {  	v9 =	vld [tilespmem:s23+$0x1B80]  }
0x84: {  	s30 =	sxor.u32 $0x80000000, s24;
	s26 =	sxor.u32 $0x80000000, s31;
	v10, _, _ =	vpop (xrf0)  }
0x85: {  	p0 =	sgt.s32 s24, $0xFFFFFFFF;
	s24 =	sand.u32 $0xF, s24;
	p1 =	slt.s32 s30, $0x1;
	v11 =	vmov s26;
	v10 =	vbroadcast v10, $0xF  }
0x86: {  	p6 =	sne.s32 s24, $0x0;
	p0 =	por p0, p1;
	s31 =	sshra.s32 s30, $0x1F;
	vm14 =	veq.s32 v11, v0  }
0x87: {  	p0 =	por !p6, !p0;
	s26 =	sshrl.u32 s31, $0x1C;
	v7 =	vsel vm0, v7, v62;
	s31 =	sadd.s32 s29, s28;
	v5 =	vsel vm14, v10, v5  }
0x88: {  	p0 =	por !p0, !p0;
	s24 =	sadd.s32 s26, s30;
	[tilespmem:s23+$0x1C00] =	vst v7;
	s29 =	simm.s32 $0x1;
	v63 =	vsel vm0, s31, v9;
	(xrf0) =	vmax.scan.msk.f32 $0xffff, v5  }
0x89: {  	s24 =	sshrl.u32 s24, $0x4;
	s29 =	simm.s32 @!p0 $0x0;
	[tilespmem:s23+$0x1B80] =	vst v63  }
0x8a: {  	s29 =	ssub.s32 s24, s29;
	[tilespmem:s28+$0x0] =	vst v6  }
0x8b: {  	s23 =	sshll.u32 s29, $0x4;
	[tilespmem:s25+$0x1900] =	vst v5  }
0x8c: {  	v5 =	vld [tilespmem:s23+$0x1B00];
	_ =	sdelay $0x1  }
0x8d: {  	s31 =	ssub.s32 s30, s23;
	v6, _, _ =	vpop (xrf0)  }
0x8e: {  	v7 =	vmov s31;
	v6 =	vbroadcast v6, $0xF  }
0x8f: {  	vm15 =	veq.s32 v7, v0  }
0x90: {  	v5 =	vsel vm15, v6, v5  }
.LBB2_7:
0x91: {  	p0 =	sne.s32 s22, $0x7F;
	[tilespmem:s23+$0x1B00] =	vst v5;
	s23 =	smov.u32 s22;
	s22 =	sadd.s32 $0x1, s22  }
0x92: {  	v6 =	vld [tilespmem:$0x1B00]  }
0x93: {  	v7 =	vld [tilespmem:$0x1B10];
	_ =	sdelay $0x4  }
0x94: {  	v5 =	vmax.f32 v6, v7  }
0x95: {  	(xrf0) =	vmax.scan.msk.f32 $0xffff, v5;
	_ =	sdelay $0x5  }
0x96: {  	v5, _, _ =	vpop (xrf0)  }
0x97: {  	v5 =	vbroadcast v5, $0xF;
	_ =	sdelay $0x1  }
0x98: {  	vm0 =	veq.f32 v6, v5;
	vm1 =	veq.f32 v7, v5  }
0x99: {  	v6 =	vnsel vm1, $0xC0000000, v2  }
0x9a: {  	v6 =	vsel vm0, v3, v6  }
0x9b: {  	(xrf0) =	vmin.scan.msk.u32 $0xffff, v6;
	_ =	sdelay $0x5  }
0x9c: {  	v6, _, _ =	vpop (xrf0)  }
0x9d: {  	(v2sf) =	vpush v6, $0xF;
	_ =	sdelay $0xe  }
0x9e: {  	s26 =	spop (v2sf)  }
0x9f: {  	s24 =	sxor.u32 $0x80000000, s26;
	s25 =	sshll.u32 s26, $0x4;
	p1 =	sgt.s32 s26, $0xFFFFFFFF  }
0xa0: {  	s26 =	sand.u32 $0xF, s26;
	v6 =	vld [tilespmem:s25+$0x1900];
	s28 =	sshra.s32 s24, $0x1F;
	p2 =	slt.s32 s24, $0x1  }
0xa1: {  	s28 =	sshrl.u32 s28, $0x1C;
	p1 =	por p1, p2;
	p2 =	sne.s32 s26, $0x0  }
0xa2: {  	s26 =	sadd.s32 s28, s24;
	p1 =	por !p2, !p1  }
0xa3: {  	s28 =	simm.s32 $0x1;
	p1 =	por !p1, !p1  }
0xa4: {  	s26 =	sshrl.u32 s26, $0x4;
	s28 =	simm.s32 @!p1 $0x0  }
0xa5: {  	vm0 =	veq.f32 v6, v5;
	s26 =	ssub.s32 s26, s28  }
0xa6: {  	v7 =	vnsel vm0, $0xC0000000, v3  }
0xa7: {  	(xrf0) =	vmin.scan.msk.u32 $0xffff, v7;
	_ =	sdelay $0x5  }
0xa8: {  	v7, _, _ =	vpop (xrf0)  }
0xa9: {  	(v2sf) =	vpush v7, $0xF;
	_ =	sdelay $0xe  }
0xaa: {  	s28 =	spop (v2sf)  }
0xab: {  	s29 =	sxor.u32 $0x80000000, s28;
	s28 =	sadd.s32 s28, s25  }
0xac: {  	s28 =	sshll.u32 s28, $0x4;
	v7 =	vmov s29  }
0xad: {  	v8 =	vld [tilespmem:s28+$0x0];
	_ =	sdelay $0x4  }
0xae: {  	vm0 =	veq.f32 v8, v5  }
0xaf: {  	v9 =	vnsel vm0, $0xC0000000, v3  }
0xb0: {  	(xrf0) =	vmin.scan.msk.u32 $0xffff, v9;
	_ =	sdelay $0x5  }
0xb1: {  	v9, _, _ =	vpop (xrf0)  }
0xb2: {  	(v2sf) =	vpush v9, $0xF;
	_ =	sdelay $0xa  }
0xb3: {  	s29 =	sand.u32 $0x70, s23  }
0xb4: {  	v9 =	vld [tilespmem:s29+$0x1C00]  }
0xb5: {  	v10 =	vld [tilespmem:s29+$0x1B80]  }
0xb6: {  	s23 =	sand.u32 $0xF, s23  }
0xb7: {  	v11 =	vmov s23;
	s23 =	spop (v2sf)  }
0xb8: {  	vm0 =	veq.s32 v11, v0;
	s23 =	sxor.u32 $0x80000000, s23  }
0xb9: {  	s30 =	sadd.s32 s23, s28;
	v5 =	vsel vm0, v5, v9;
	v9 =	vmov s23  }
0xba: {  	v10 =	vsel vm0, s30, v10;
	[tilespmem:s29+$0x1C00] =	vst v5;
	vm0 =	veq.s32 v9, v0  }
0xbb: {  	[tilespmem:s29+$0x1B80] =	vst v10;
	v5 =	vsel vm0, $0xF149F2CA, v8  }
0xbc: {  	[tilespmem:s28+$0x0] =	vst v5;
	(xrf0) =	vmax.scan.msk.f32 $0xffff, v5;
	_ =	sdelay $0x5  }
0xbd: {  	v5, _, _ =	vpop (xrf0)  }
0xbe: {  	v5 =	vbroadcast v5, $0xF  }
0xbf: {  	vm0 =	veq.s32 v7, v0  }
0xc0: {  	v5 =	vsel vm0, v5, v6  }
0xc1: {  	[tilespmem:s25+$0x1900] =	vst v5;
	(xrf0) =	vmax.scan.msk.f32 $0xffff, v5;
	_ =	sdelay $0x2  }
0xc2: {  	s23 =	sshll.u32 s26, $0x4  }
0xc3: {  	s24 =	ssub.s32 s24, s23;
	v5 =	vld [tilespmem:s23+$0x1B00]  }
.Ltmp2:
0xc4: {  	v6 =	vmov s24;
	(pc) =	sbr.rel @p0 .LBB2_7-.Ltmp2, $4  }
0xc5: {  	v7, _, _ =	vpop (xrf0)  }
0xc6: {  	v7 =	vbroadcast v7, $0xF  }
0xc7: {  	vm0 =	veq.s32 v6, v0  }
0xc8: {  	v5 =	vsel vm0, v7, v5  }
0xc9: {  	[tilespmem:s23+$0x1B00] =	vst v5  }
0xca: {  	v5 =	vld [tilespmem:$0x1B80]  }
0xcb: {  	v6 =	vld [tilespmem:$0x1B90]  }
0xcc: {  	v8 =	vld [tilespmem:$0x1BA0]  }
0xcd: {  	v10 =	vld [tilespmem:$0x1BB0];
	_ =	sdelay $0x2  }
0xce: {  	v7 =	vshra.s32 v5, $0x7;
	v5 =	vand.u32 $0x7F, v5  }
0xcf: {  	v55 =	vshra.s32 v6, $0x7;
	v6 =	vand.u32 $0x7F, v6;
	v12 =	vshra.s32 v8, $0x7  }
0xd0: {  	s21 =	sshll.u32 s21, $0x7;
	v57 =	vshra.s32 v10, $0x7;
	v9 =	vshll.u32 v7, $0x15;
	v7 =	vshll.u32 v7, $0xB  }
0xd1: {  	v11 =	vshll.u32 v55, $0xB;
	v9 =	vadd.s32 s21, v9;
	v7 =	vor.u32 v5, v7  }
0xd2: {  	v13 =	vld [tilespmem:$0x1BC0];
	v11 =	vor.u32 v6, v11;
	v5 =	vor.u32 v5, v9;
	v9 =	vshll.u32 v55, $0x15;
	[tilespmem:$0x1C80] =	vst v7  }
0xd3: {  	v56 =	vshll.u32 v12, $0x15;
	v7 =	vshll.u32 v12, $0xB;
	[tilespmem:$0x1C90] =	vst v11;
	v9 =	vadd.s32 s21, v9  }
0xd4: {  	v58 =	vld [tilespmem:$0x1BD0];
	[tilespmem:$0x1D00] =	vst v5;
	v5 =	vand.u32 $0x7F, v8;
	v8 =	vadd.s32 s21, v56;
	v6 =	vor.u32 v6, v9  }
0xd5: {  	v60 =	vld [tilespmem:$0x1BE0];
	v7 =	vor.u32 v5, v7;
	v5 =	vor.u32 v5, v8;
	v8 =	vshll.u32 v57, $0x15;
	[tilespmem:$0x1D10] =	vst v6  }
0xd6: {  	v59 =	vand.u32 $0x7F, v10;
	v12 =	vld [tilespmem:$0x1D00];
	v6 =	vshll.u32 v57, $0xB;
	v8 =	vadd.s32 s21, v8;
	[tilespmem:$0x1CA0] =	vst v7  }
0xd7: {  	[tilespmem:$0x1D20] =	vst v5;
	v6 =	vor.u32 v59, v6;
	v7 =	vor.u32 v59, v8;
	v8 =	vshra.s32 v13, $0x7  }
0xd8: {  	v61 =	vand.u32 $0x7F, v13;
	v5 =	vshll.u32 v8, $0xB;
	v8 =	vshll.u32 v8, $0x15;
	[tilespmem:$0x1CB0] =	vst v6  }
0xd9: {  	v62 =	vld [tilespmem:$0x1BF0];
	[tilespmem:$0x1D30] =	vst v7;
	v5 =	vor.u32 v61, v5;
	v6 =	vadd.s32 s21, v8;
	v8 =	vshra.s32 v58, $0x7  }
0xda: {  	v63 =	vshra.s32 v60, $0x7;
	v7 =	vshll.u32 v8, $0xB;
	v8 =	vshll.u32 v8, $0x15;
	[tilespmem:$0x1CC0] =	vst v5  }
0xdb: {  	v6 =	vor.u32 v61, v6;
	v5 =	vand.u32 $0x7F, v58;
	[tilespmem:$0x1D80] =	vst v12;
	v8 =	vadd.s32 s21, v8  }
0xdc: {  	[tilespmem:$0x1D40] =	vst v6;
	v6 =	vor.u32 v5, v7;
	v7 =	vshll.u32 v63, $0x15;
	v5 =	vor.u32 v5, v8  }
0xdd: {  	v16 =	vld [tilespmem:$0x1D00];
	[tilespmem:$0x1CD0] =	vst v6;
	v6 =	vshll.u32 v63, $0xB;
	v8 =	vand.u32 $0x7F, v60;
	v7 =	vadd.s32 s21, v7  }
0xde: {  	v14 =	vld [tilespmem:$0x1D20];
	[tilespmem:$0x1D50] =	vst v5;
	v5 =	vor.u32 v8, v6;
	v6 =	vor.u32 v8, v7;
	v7 =	vshra.s32 v62, $0x7  }
0xdf: {  	v13 =	vand.u32 $0x7F, v62;
	v8 =	vld [tilespmem:$0x1D10];
	[tilespmem:$0x1CE0] =	vst v5;
	v5 =	vshll.u32 v7, $0xB;
	v7 =	vshll.u32 v7, $0x15  }
0xe0: {  	[tilespmem:$0x1D60] =	vst v6;
	v5 =	vor.u32 v13, v5;
	v6 =	vadd.s32 s21, v7;
	v7 =	vld [tilespmem:$0x1D30]  }
0xe1: {  	[tilespmem:$0x1CF0] =	vst v5;
	v5 =	vor.u32 v13, v6;
	v6 =	vld [tilespmem:$0x1D40]  }
0xe2: {  	[tilespmem:$0x1D70] =	vst v5;
	v5 =	vld [tilespmem:$0x1D50]  }
0xe3: {  	[tilespmem:$0x1DA0] =	vst v14;
	v15 =	vld [tilespmem:$0x1D60]  }
0xe4: {  	[tilespmem:$0x1D90] =	vst v8;
	v8 =	vld [tilespmem:$0x1D70]  }
0xe5: {  	[tilespmem:$0x1DB0] =	vst v7;
	v7 =	vld [tilespmem:$0x1D10]  }
0xe6: {  	[tilespmem:$0x1DC0] =	vst v6;
	v6 =	vld [tilespmem:$0x1D20]  }
0xe7: {  	[tilespmem:$0x1DD0] =	vst v5;
	v5 =	vld [tilespmem:$0x1D30]  }
0xe8: {  	v17 =	vld [tilespmem:$0x1D40];
	[tilespmem:$0x1DE0] =	vst v15  }
0xe9: {  	v18 =	vld [tilespmem:$0x1D50];
	[tilespmem:$0x1DF0] =	vst v8;
	v8 =	vadd.s32 $0x20000, v16  }
0xea: {  	[tilespmem:$0x1E00] =	vst v8;
	v8 =	vld [tilespmem:$0x1D60];
	v7 =	vadd.s32 $0x20000, v7  }
0xeb: {  	[tilespmem:$0x1E10] =	vst v7;
	v6 =	vadd.s32 $0x20000, v6;
	v7 =	vld [tilespmem:$0x1D70]  }
0xec: {  	[tilespmem:$0x1E20] =	vst v6;
	v5 =	vadd.s32 $0x20000, v5;
	v6 =	vld [tilespmem:$0x1D00]  }
0xed: {  	v19 =	vld [tilespmem:$0x1D10];
	[tilespmem:$0x1E30] =	vst v5;
	v5 =	vadd.s32 $0x20000, v17  }
0xee: {  	v20 =	vld [tilespmem:$0x1D20];
	[tilespmem:$0x1E40] =	vst v5;
	v5 =	vadd.s32 $0x20000, v18  }
0xef: {  	[tilespmem:$0x1E50] =	vst v5;
	v5 =	vadd.s32 $0x20000, v8;
	v8 =	vld [tilespmem:$0x1D30]  }
0xf0: {  	[tilespmem:$0x1E60] =	vst v5;
	v5 =	vadd.s32 $0x20000, v7;
	v7 =	vld [tilespmem:$0x1D40]  }
0xf1: {  	[tilespmem:$0x1E70] =	vst v5;
	v5 =	vadd.s32 $0x40000, v6;
	v6 =	vld [tilespmem:$0x1D50]  }
0xf2: {  	v21 =	vld [tilespmem:$0x1D60];
	[tilespmem:$0x1E80] =	vst v5;
	v5 =	vadd.s32 $0x40000, v19  }
0xf3: {  	v22 =	vld [tilespmem:$0x1D70];
	[tilespmem:$0x1E90] =	vst v5;
	v5 =	vadd.s32 $0x40000, v20  }
0xf4: {  	[tilespmem:$0x1EA0] =	vst v5;
	v5 =	vadd.s32 $0x40000, v8;
	v8 =	vld [tilespmem:$0x1D00]  }
0xf5: {  	[tilespmem:$0x1EB0] =	vst v5;
	v5 =	vadd.s32 $0x40000, v7;
	v7 =	vld [tilespmem:$0x1D10]  }
0xf6: {  	[tilespmem:$0x1EC0] =	vst v5;
	v5 =	vadd.s32 $0x40000, v6;
	v6 =	vld [tilespmem:$0x1D20]  }
0xf7: {  	v23 =	vld [tilespmem:$0x1D30];
	[tilespmem:$0x1ED0] =	vst v5;
	v5 =	vadd.s32 $0x40000, v21  }
0xf8: {  	v24 =	vld [tilespmem:$0x1D40];
	[tilespmem:$0x1EE0] =	vst v5;
	v5 =	vadd.s32 $0x40000, v22  }
0xf9: {  	[tilespmem:$0x1EF0] =	vst v5;
	v5 =	vadd.s32 $0x60000, v8;
	v8 =	vld [tilespmem:$0x1D50]  }
0xfa: {  	[tilespmem:$0x1F00] =	vst v5;
	v5 =	vadd.s32 $0x60000, v7;
	v7 =	vld [tilespmem:$0x1D60]  }
0xfb: {  	[tilespmem:$0x1F10] =	vst v5;
	v5 =	vadd.s32 $0x60000, v6;
	v6 =	vld [tilespmem:$0x1D70]  }
0xfc: {  	v25 =	vld [tilespmem:$0x1D00];
	[tilespmem:$0x1F20] =	vst v5;
	v5 =	vadd.s32 $0x60000, v23  }
0xfd: {  	v26 =	vld [tilespmem:$0x1D10];
	[tilespmem:$0x1F30] =	vst v5;
	v5 =	vadd.s32 $0x60000, v24  }
0xfe: {  	[tilespmem:$0x1F40] =	vst v5;
	v5 =	vadd.s32 $0x60000, v8;
	v8 =	vld [tilespmem:$0x1D20]  }
0xff: {  	[tilespmem:$0x1F50] =	vst v5;
	v5 =	vadd.s32 $0x60000, v7;
	v7 =	vld [tilespmem:$0x1D30]  }
0x100: {  	[tilespmem:$0x1F60] =	vst v5;
	v5 =	vadd.s32 $0x60000, v6;
	v6 =	vld [tilespmem:$0x1D40]  }
0x101: {  	v27 =	vld [tilespmem:$0x1D50];
	[tilespmem:$0x1F70] =	vst v5;
	v5 =	vadd.s32 $0x80000, v25  }
0x102: {  	v28 =	vld [tilespmem:$0x1D60];
	[tilespmem:$0x1F80] =	vst v5;
	v5 =	vadd.s32 $0x80000, v26  }
0x103: {  	[tilespmem:$0x1F90] =	vst v5;
	v5 =	vadd.s32 $0x80000, v8;
	v8 =	vld [tilespmem:$0x1D70]  }
0x104: {  	[tilespmem:$0x1FA0] =	vst v5;
	v5 =	vadd.s32 $0x80000, v7;
	v7 =	vld [tilespmem:$0x1D00]  }
0x105: {  	[tilespmem:$0x1FB0] =	vst v5;
	v5 =	vadd.s32 $0x80000, v6;
	v6 =	vld [tilespmem:$0x1D10]  }
0x106: {  	v29 =	vld [tilespmem:$0x1D20];
	[tilespmem:$0x1FC0] =	vst v5;
	v5 =	vadd.s32 $0x80000, v27  }
0x107: {  	v30 =	vld [tilespmem:$0x1D30];
	[tilespmem:$0x1FD0] =	vst v5;
	v5 =	vadd.s32 $0x80000, v28  }
0x108: {  	[tilespmem:$0x1FE0] =	vst v5;
	v5 =	vadd.s32 $0x80000, v8;
	v8 =	vld [tilespmem:$0x1D40]  }
0x109: {  	[tilespmem:$0x1FF0] =	vst v5;
	v5 =	vadd.s32 $0xA0000, v7;
	v7 =	vld [tilespmem:$0x1D50]  }
0x10a: {  	[tilespmem:$0x2000] =	vst v5;
	v5 =	vadd.s32 $0xA0000, v6;
	v6 =	vld [tilespmem:$0x1D60]  }
0x10b: {  	v31 =	vld [tilespmem:$0x1D70];
	[tilespmem:$0x2010] =	vst v5;
	v5 =	vadd.s32 $0xA0000, v29  }
0x10c: {  	v32 =	vld [tilespmem:$0x1D00];
	[tilespmem:$0x2020] =	vst v5;
	v5 =	vadd.s32 $0xA0000, v30  }
0x10d: {  	[tilespmem:$0x2030] =	vst v5;
	v5 =	vadd.s32 $0xA0000, v8;
	v8 =	vld [tilespmem:$0x1D10]  }
0x10e: {  	[tilespmem:$0x2040] =	vst v5;
	v5 =	vadd.s32 $0xA0000, v7;
	v7 =	vld [tilespmem:$0x1D20]  }
0x10f: {  	[tilespmem:$0x2050] =	vst v5;
	v5 =	vadd.s32 $0xA0000, v6;
	v6 =	vld [tilespmem:$0x1D30]  }
0x110: {  	v33 =	vld [tilespmem:$0x1D40];
	[tilespmem:$0x2060] =	vst v5;
	v5 =	vadd.s32 $0xA0000, v31  }
0x111: {  	v34 =	vld [tilespmem:$0x1D50];
	[tilespmem:$0x2070] =	vst v5;
	v5 =	vadd.s32 $0xC0000, v32  }
0x112: {  	[tilespmem:$0x2080] =	vst v5;
	v5 =	vadd.s32 $0xC0000, v8;
	v8 =	vld [tilespmem:$0x1D60]  }
0x113: {  	[tilespmem:$0x2090] =	vst v5;
	v5 =	vadd.s32 $0xC0000, v7;
	v7 =	vld [tilespmem:$0x1D70]  }
0x114: {  	[tilespmem:$0x20A0] =	vst v5;
	v5 =	vadd.s32 $0xC0000, v6;
	v6 =	vld [tilespmem:$0x1D00]  }
0x115: {  	v35 =	vld [tilespmem:$0x1D10];
	[tilespmem:$0x20B0] =	vst v5;
	v5 =	vadd.s32 $0xC0000, v33  }
0x116: {  	v36 =	vld [tilespmem:$0x1D20];
	[tilespmem:$0x20C0] =	vst v5;
	v5 =	vadd.s32 $0xC0000, v34  }
0x117: {  	[tilespmem:$0x20D0] =	vst v5;
	v5 =	vadd.s32 $0xC0000, v8;
	v8 =	vld [tilespmem:$0x1D30]  }
0x118: {  	[tilespmem:$0x20E0] =	vst v5;
	v5 =	vadd.s32 $0xC0000, v7;
	v7 =	vld [tilespmem:$0x1D40]  }
0x119: {  	[tilespmem:$0x20F0] =	vst v5;
	v5 =	vadd.s32 $0xE0000, v6;
	v6 =	vld [tilespmem:$0x1D50]  }
0x11a: {  	v37 =	vld [tilespmem:$0x1D60];
	[tilespmem:$0x2100] =	vst v5;
	v5 =	vadd.s32 $0xE0000, v35  }
0x11b: {  	v38 =	vld [tilespmem:$0x1D70];
	[tilespmem:$0x2110] =	vst v5;
	v5 =	vadd.s32 $0xE0000, v36  }
0x11c: {  	[tilespmem:$0x2120] =	vst v5;
	v5 =	vadd.s32 $0xE0000, v8;
	v8 =	vld [tilespmem:$0x1D00]  }
0x11d: {  	[tilespmem:$0x2130] =	vst v5;
	v5 =	vadd.s32 $0xE0000, v7;
	v7 =	vld [tilespmem:$0x1D10]  }
0x11e: {  	[tilespmem:$0x2140] =	vst v5;
	v5 =	vadd.s32 $0xE0000, v6;
	v6 =	vld [tilespmem:$0x1D20]  }
0x11f: {  	v39 =	vld [tilespmem:$0x1D30];
	[tilespmem:$0x2150] =	vst v5;
	v5 =	vadd.s32 $0xE0000, v37  }
0x120: {  	v40 =	vld [tilespmem:$0x1D40];
	[tilespmem:$0x2160] =	vst v5;
	v5 =	vadd.s32 $0xE0000, v38  }
0x121: {  	[tilespmem:$0x2170] =	vst v5;
	v5 =	vadd.s32 $0x100000, v8;
	v8 =	vld [tilespmem:$0x1D50]  }
0x122: {  	[tilespmem:$0x2180] =	vst v5;
	v5 =	vadd.s32 $0x100000, v7;
	v7 =	vld [tilespmem:$0x1D60]  }
0x123: {  	[tilespmem:$0x2190] =	vst v5;
	v5 =	vadd.s32 $0x100000, v6;
	v6 =	vld [tilespmem:$0x1D70]  }
0x124: {  	v41 =	vld [tilespmem:$0x1D00];
	[tilespmem:$0x21A0] =	vst v5;
	v5 =	vadd.s32 $0x100000, v39  }
0x125: {  	v42 =	vld [tilespmem:$0x1D10];
	[tilespmem:$0x21B0] =	vst v5;
	v5 =	vadd.s32 $0x100000, v40  }
0x126: {  	[tilespmem:$0x21C0] =	vst v5;
	v5 =	vadd.s32 $0x100000, v8;
	v8 =	vld [tilespmem:$0x1D20]  }
0x127: {  	[tilespmem:$0x21D0] =	vst v5;
	v5 =	vadd.s32 $0x100000, v7;
	v7 =	vld [tilespmem:$0x1D30]  }
0x128: {  	[tilespmem:$0x21E0] =	vst v5;
	v5 =	vadd.s32 $0x100000, v6;
	v6 =	vld [tilespmem:$0x1D40]  }
0x129: {  	v43 =	vld [tilespmem:$0x1D50];
	[tilespmem:$0x21F0] =	vst v5;
	v5 =	vadd.s32 $0x120000, v41  }
0x12a: {  	v44 =	vld [tilespmem:$0x1D60];
	[tilespmem:$0x2200] =	vst v5;
	v5 =	vadd.s32 $0x120000, v42  }
0x12b: {  	[tilespmem:$0x2210] =	vst v5;
	v5 =	vadd.s32 $0x120000, v8;
	v8 =	vld [tilespmem:$0x1D70]  }
0x12c: {  	[tilespmem:$0x2220] =	vst v5;
	v5 =	vadd.s32 $0x120000, v7;
	v7 =	vld [tilespmem:$0x1D00]  }
0x12d: {  	[tilespmem:$0x2230] =	vst v5;
	v5 =	vadd.s32 $0x120000, v6;
	v6 =	vld [tilespmem:$0x1D10]  }
0x12e: {  	v45 =	vld [tilespmem:$0x1D20];
	[tilespmem:$0x2240] =	vst v5;
	v5 =	vadd.s32 $0x120000, v43  }
0x12f: {  	v46 =	vld [tilespmem:$0x1D30];
	[tilespmem:$0x2250] =	vst v5;
	v5 =	vadd.s32 $0x120000, v44  }
0x130: {  	[tilespmem:$0x2260] =	vst v5;
	v5 =	vadd.s32 $0x120000, v8;
	v8 =	vld [tilespmem:$0x1D40]  }
0x131: {  	[tilespmem:$0x2270] =	vst v5;
	v5 =	vadd.s32 $0x140000, v7;
	v7 =	vld [tilespmem:$0x1D50]  }
0x132: {  	[tilespmem:$0x2280] =	vst v5;
	v5 =	vadd.s32 $0x140000, v6;
	v6 =	vld [tilespmem:$0x1D60]  }
0x133: {  	v47 =	vld [tilespmem:$0x1D70];
	[tilespmem:$0x2290] =	vst v5;
	v5 =	vadd.s32 $0x140000, v45  }
0x134: {  	v48 =	vld [tilespmem:$0x1D00];
	[tilespmem:$0x22A0] =	vst v5;
	v5 =	vadd.s32 $0x140000, v46  }
0x135: {  	[tilespmem:$0x22B0] =	vst v5;
	v5 =	vadd.s32 $0x140000, v8;
	v8 =	vld [tilespmem:$0x1D10]  }
0x136: {  	[tilespmem:$0x22C0] =	vst v5;
	v5 =	vadd.s32 $0x140000, v7;
	v7 =	vld [tilespmem:$0x1D20]  }
0x137: {  	[tilespmem:$0x22D0] =	vst v5;
	v5 =	vadd.s32 $0x140000, v6;
	v6 =	vld [tilespmem:$0x1D30]  }
0x138: {  	v49 =	vld [tilespmem:$0x1D40];
	[tilespmem:$0x22E0] =	vst v5;
	v5 =	vadd.s32 $0x140000, v47  }
0x139: {  	v50 =	vld [tilespmem:$0x1D50];
	[tilespmem:$0x22F0] =	vst v5;
	v5 =	vadd.s32 $0x160000, v48  }
0x13a: {  	[tilespmem:$0x2300] =	vst v5;
	v5 =	vadd.s32 $0x160000, v8;
	v8 =	vld [tilespmem:$0x1D60]  }
0x13b: {  	[tilespmem:$0x2310] =	vst v5;
	v5 =	vadd.s32 $0x160000, v7;
	v7 =	vld [tilespmem:$0x1D70]  }
0x13c: {  	[tilespmem:$0x2320] =	vst v5;
	v5 =	vadd.s32 $0x160000, v6;
	v6 =	vld [tilespmem:$0x1D00]  }
0x13d: {  	v51 =	vld [tilespmem:$0x1D10];
	[tilespmem:$0x2330] =	vst v5;
	v5 =	vadd.s32 $0x160000, v49  }
0x13e: {  	v52 =	vld [tilespmem:$0x1D20];
	[tilespmem:$0x2340] =	vst v5;
	v5 =	vadd.s32 $0x160000, v50  }
0x13f: {  	[tilespmem:$0x2350] =	vst v5;
	v5 =	vadd.s32 $0x160000, v8;
	v8 =	vld [tilespmem:$0x1D30]  }
0x140: {  	[tilespmem:$0x2360] =	vst v5;
	v5 =	vadd.s32 $0x160000, v7;
	v7 =	vld [tilespmem:$0x1D40]  }
0x141: {  	[tilespmem:$0x2370] =	vst v5;
	v5 =	vadd.s32 $0x180000, v6;
	v6 =	vld [tilespmem:$0x1D50]  }
0x142: {  	v53 =	vld [tilespmem:$0x1D60];
	[tilespmem:$0x2380] =	vst v5;
	v5 =	vadd.s32 $0x180000, v51  }
0x143: {  	v54 =	vld [tilespmem:$0x1D70];
	[tilespmem:$0x2390] =	vst v5;
	v5 =	vadd.s32 $0x180000, v52  }
0x144: {  	[tilespmem:$0x23A0] =	vst v5;
	v5 =	vadd.s32 $0x180000, v8;
	v8 =	vld [tilespmem:$0x1D00]  }
0x145: {  	[tilespmem:$0x23B0] =	vst v5;
	v5 =	vadd.s32 $0x180000, v7;
	v7 =	vld [tilespmem:$0x1D10]  }
0x146: {  	[tilespmem:$0x23C0] =	vst v5;
	v5 =	vadd.s32 $0x180000, v6;
	v6 =	vld [tilespmem:$0x1D20]  }
0x147: {  	v55 =	vld [tilespmem:$0x1D30];
	[tilespmem:$0x23D0] =	vst v5;
	v5 =	vadd.s32 $0x180000, v53  }
0x148: {  	v56 =	vld [tilespmem:$0x1D40];
	[tilespmem:$0x23E0] =	vst v5;
	v5 =	vadd.s32 $0x180000, v54  }
0x149: {  	[tilespmem:$0x23F0] =	vst v5;
	v5 =	vadd.s32 $0x1A0000, v8;
	v8 =	vld [tilespmem:$0x1D50]  }
0x14a: {  	[tilespmem:$0x2400] =	vst v5;
	v5 =	vadd.s32 $0x1A0000, v7;
	v7 =	vld [tilespmem:$0x1D60]  }
0x14b: {  	[tilespmem:$0x2410] =	vst v5;
	v5 =	vadd.s32 $0x1A0000, v6;
	v6 =	vld [tilespmem:$0x1D70]  }
0x14c: {  	v57 =	vld [tilespmem:$0x1D00];
	[tilespmem:$0x2420] =	vst v5;
	v5 =	vadd.s32 $0x1A0000, v55  }
0x14d: {  	v58 =	vld [tilespmem:$0x1D10];
	[tilespmem:$0x2430] =	vst v5;
	v5 =	vadd.s32 $0x1A0000, v56  }
0x14e: {  	[tilespmem:$0x2440] =	vst v5;
	v5 =	vadd.s32 $0x1A0000, v8;
	v8 =	vld [tilespmem:$0x1D20]  }
0x14f: {  	[tilespmem:$0x2450] =	vst v5;
	v5 =	vadd.s32 $0x1A0000, v7;
	v7 =	vld [tilespmem:$0x1D30]  }
0x150: {  	[tilespmem:$0x2460] =	vst v5;
	v5 =	vadd.s32 $0x1A0000, v6;
	v6 =	vld [tilespmem:$0x1D40]  }
0x151: {  	v59 =	vld [tilespmem:$0x1D50];
	[tilespmem:$0x2470] =	vst v5;
	v5 =	vadd.s32 $0x1C0000, v57  }
0x152: {  	v60 =	vld [tilespmem:$0x1D60];
	[tilespmem:$0x2480] =	vst v5;
	v5 =	vadd.s32 $0x1C0000, v58  }
0x153: {  	[tilespmem:$0x2490] =	vst v5;
	v5 =	vadd.s32 $0x1C0000, v8;
	v8 =	vld [tilespmem:$0x1D70]  }
0x154: {  	[tilespmem:$0x24A0] =	vst v5;
	v5 =	vadd.s32 $0x1C0000, v7;
	v7 =	vld [tilespmem:$0x1D00]  }
0x155: {  	[tilespmem:$0x24B0] =	vst v5;
	v5 =	vadd.s32 $0x1C0000, v6;
	v6 =	vld [tilespmem:$0x1D10]  }
0x156: {  	v61 =	vld [tilespmem:$0x1D20];
	[tilespmem:$0x24C0] =	vst v5;
	v5 =	vadd.s32 $0x1C0000, v59  }
0x157: {  	v62 =	vld [tilespmem:$0x1D30];
	[tilespmem:$0x24D0] =	vst v5;
	v5 =	vadd.s32 $0x1C0000, v60  }
0x158: {  	[tilespmem:$0x24E0] =	vst v5;
	v5 =	vadd.s32 $0x1C0000, v8;
	v8 =	vld [tilespmem:$0x1D40]  }
0x159: {  	[tilespmem:$0x24F0] =	vst v5;
	v5 =	vadd.s32 $0x1E0000, v7;
	v7 =	vld [tilespmem:$0x1D50]  }
0x15a: {  	[tilespmem:$0x2500] =	vst v5;
	v5 =	vadd.s32 $0x1E0000, v6;
	v6 =	vld [tilespmem:$0x1D60]  }
0x15b: {  	v63 =	vld [tilespmem:$0x1D70];
	[tilespmem:$0x2510] =	vst v5;
	v5 =	vadd.s32 $0x1E0000, v61  }
0x15c: {  	[tilespmem:$0x2520] =	vst v5;
	v5 =	vadd.s32 $0x1E0000, v62  }
0x15d: {  	[tilespmem:$0x2530] =	vst v5;
	v5 =	vadd.s32 $0x1E0000, v8  }
0x15e: {  	[tilespmem:$0x2540] =	vst v5;
	v5 =	vadd.s32 $0x1E0000, v7  }
0x15f: {  	[tilespmem:$0x2550] =	vst v5;
	v5 =	vadd.s32 $0x1E0000, v6  }
0x160: {  	[tilespmem:$0x2560] =	vst v5;
	v5 =	vadd.s32 $0x1E0000, v63  }
0x161: {  	[tilespmem:$0x2570] =	vst v5  }
0x162: {  	[tilespmem:s14], [sflag:$0x1] =	stream.indirect.gather [hbm4b:s3+s12], $0x1, s13, s12, $0xb8;
	[tilespmem:$0x2E00] =	vst v63  }
0x163: {  	_ =	swait.ge [sflag:s11], $0x800  }
0x164: {  	[sflag:s11] =	ssyncset.done $0x0  }
0x165: {  	v5 =	vimm.f32 $-1.000000020e+30;
	[sflag:s11] =	ssyncadd.s32 $0xFFFFF800  }
0x166: {  	s22 =	simm.s32 $0x1C00;
	[tilespmem:$0x1B00] =	vst v5  }
0x167: {  	s24 =	simm.s32 $0x1;
	s23 =	simm.s32 $0x0;
	s21 =	simm.s32 $0x0;
	v6 =	vld [tilespmem:s22+$0x0]  }
.LBB2_9:
0x168: {  	p0 =	sne.s32 s24, $0x7;
	_ =	sdelay $0x3  }
0x169: {  	(xrf0) =	vmax.scan.msk.f32 $0xffff, v6;
	_ =	sdelay $0x5  }
0x16a: {  	v6, _, _ =	vpop (xrf0)  }
.Ltmp3:
0x16b: {  	v7 =	vmov s23;
	s23 =	smov.u32 s24;
	v6 =	vbroadcast v6, $0xF;
	(pc) =	sbr.rel @p0 .LBB2_9-.Ltmp3, $4  }
0x16c: {  	vm0 =	veq.s32 v7, v0  }
0x16d: {  	v5 =	vsel vm0, v6, v5  }
0x16e: {  	s22 =	sadd.s32 $0x10, s22;
	[tilespmem:$0x1B00] =	vst v5  }
0x16f: {  	s24 =	sadd.s32 $0x1, s24;
	v6 =	vld [tilespmem:s22+$0x0]  }
0x170: {  	_ =	sdelay $0x3  }
0x171: {  	(xrf0) =	vmax.scan.msk.f32 $0xffff, v6;
	_ =	sdelay $0x5  }
0x172: {  	v6, _, _ =	vpop (xrf0)  }
0x173: {  	v7 =	vmov s23;
	v6 =	vbroadcast v6, $0xF  }
0x174: {  	vm0 =	veq.s32 v7, v0  }
0x175: {  	v5 =	vsel vm0, v6, v5  }
0x176: {  	(xrf0) =	vmax.scan.msk.f32 $0xffff, v5;
	_ =	sdelay $0x5  }
0x177: {  	v6, _, _ =	vpop (xrf0)  }
0x178: {  	v6 =	vbroadcast v6, $0xF;
	_ =	sdelay $0x1  }
0x179: {  	vm0 =	veq.f32 v5, v6  }
0x17a: {  	v7 =	vnsel vm0, $0xC0000000, v3  }
0x17b: {  	(xrf0) =	vmin.scan.msk.u32 $0xffff, v7;
	_ =	sdelay $0x5  }
0x17c: {  	v7, _, _ =	vpop (xrf0)  }
0x17d: {  	(v2sf) =	vpush v7, $0xF;
	_ =	sdelay $0xe  }
0x17e: {  	s22 =	spop (v2sf)  }
0x17f: {  	[tilespmem:$0x1B00] =	vst v5;
	s23 =	sshll.u32 s22, $0x4  }
0x180: {  	v7 =	vld [tilespmem:s23+$0x1C00];
	_ =	sdelay $0x4  }
0x181: {  	vm10 =	veq.f32 v7, v6  }
0x182: {  	v8 =	vnsel vm10, $0xC0000000, v3  }
0x183: {  	(xrf0) =	vmin.scan.msk.u32 $0xffff, v8;
	_ =	sdelay $0x5  }
0x184: {  	v8, _, _ =	vpop (xrf0)  }
0x185: {  	(v2sf) =	vpush v8, $0xF;
	_ =	sdelay $0xe  }
0x186: {  	s24 =	spop (v2sf)  }
0x187: {  	s24 =	sxor.u32 $0x80000000, s24  }
0x188: {  	s25 =	sadd.s32 s24, s23  }
0x189: {  	v58 =	vadd.s32 s25, v4;
	_ =	sdelay $0x4  }
0x18a: {  	v9 =	vld.idx.msk [tilespmem:v58+s14+$0x0], $0xffff;
	_ =	sdelay $0x4  }
0x18b: {  	vm11 =	veq.f32 v9, v6  }
0x18c: {  	v6 =	vnsel vm11, $0xC0000000, v3  }
0x18d: {  	(xrf0) =	vmin.scan.msk.u32 $0xffff, v6;
	_ =	sdelay $0x5  }
0x18e: {  	v6, _, _ =	vpop (xrf0)  }
0x18f: {  	(v2sf) =	vpush v6, $0xF;
	_ =	sdelay $0xe  }
0x190: {  	s26 =	spop (v2sf)  }
0x191: {  	s28 =	sxor.u32 $0x80000000, s26  }
0x192: {  	v6 =	vmov s28  }
0x193: {  	vm12 =	veq.s32 v6, v0  }
0x194: {  	v6 =	vsel vm12, $0xF149F2CA, v9  }
0x195: {  	(xrf0) =	vmax.scan.msk.f32 $0xffff, v6;
	_ =	sdelay $0x4  }
0x196: {  	v59 =	vmov s25  }
0x197: {  	v10, _, _ =	vpop (xrf0)  }
0x198: {  	v11 =	vmov s24;
	v10 =	vbroadcast v10, $0xF  }
0x199: {  	vm13 =	veq.s32 v11, v0  }
0x19a: {  	v7 =	vsel vm13, v10, v7  }
0x19b: {  	s28 =	sand.u32 $0x70, s21;
	v9 =	vld.idx.msk [tilespmem:v59+s15+$0x0], $0xffff;
	(xrf0) =	vmax.scan.msk.f32 $0xffff, v7  }
0x19c: {  	v60 =	vld [tilespmem:s28+$0x2D80];
	_ =	sdelay $0x1  }
0x19d: {  	s29 =	sand.u32 $0xF, s21  }
0x19e: {  	v61 =	vmov s29;
	s30 =	sshll.u32 s26, $0x7  }
0x19f: {  	vm14 =	veq.s32 v61, v0;
	v9 =	vadd.s32 s30, v9  }
0x1a0: {  	s31 =	sxor.u32 $0x80000000, s22;
	v9 =	vsel vm14, v9, v60;
	v62, _, _ =	vpop (xrf0)  }
0x1a1: {  	v63 =	vmov s31;
	[tilespmem:s28+$0x2D80] =	vst v9;
	v10 =	vbroadcast v62, $0xF  }
0x1a2: {  	vm15 =	veq.s32 v63, v0;
	[tilespmem:v58+s14+$0x0] =	vst.idx.msk $0xffff, v6  }
0x1a3: {  	s21 =	simm.s32 $0x1;
	[tilespmem:s23+$0x1C00] =	vst v7;
	v5 =	vsel vm15, v10, v5  }
.LBB2_11:
0x1a4: {  	s22 =	sand.u32 $0x70, s21;
	p0 =	sne.s32 s21, $0x63;
	(xrf0) =	vmax.scan.msk.f32 $0xffff, v5;
	[tilespmem:$0x1B00] =	vst v5  }
0x1a5: {  	v6 =	vld [tilespmem:s22+$0x2D80];
	_ =	sdelay $0x4  }
0x1a6: {  	v7, _, _ =	vpop (xrf0)  }
0x1a7: {  	v7 =	vbroadcast v7, $0xF;
	_ =	sdelay $0x1  }
0x1a8: {  	vm0 =	veq.f32 v5, v7  }
0x1a9: {  	v8 =	vnsel vm0, $0xC0000000, v3  }
0x1aa: {  	(xrf0) =	vmin.scan.msk.u32 $0xffff, v8;
	_ =	sdelay $0x5  }
0x1ab: {  	v8, _, _ =	vpop (xrf0)  }
0x1ac: {  	(v2sf) =	vpush v8, $0xF;
	_ =	sdelay $0xe  }
0x1ad: {  	s23 =	spop (v2sf)  }
0x1ae: {  	s24 =	sshll.u32 s23, $0x4  }
0x1af: {  	v8 =	vld [tilespmem:s24+$0x1C00];
	_ =	sdelay $0x4  }
0x1b0: {  	vm0 =	veq.f32 v8, v7  }
0x1b1: {  	v9 =	vnsel vm0, $0xC0000000, v3  }
0x1b2: {  	(xrf0) =	vmin.scan.msk.u32 $0xffff, v9;
	_ =	sdelay $0x5  }
0x1b3: {  	v9, _, _ =	vpop (xrf0)  }
0x1b4: {  	(v2sf) =	vpush v9, $0xF;
	_ =	sdelay $0xe  }
0x1b5: {  	s25 =	spop (v2sf)  }
0x1b6: {  	s25 =	sxor.u32 $0x80000000, s25  }
0x1b7: {  	s26 =	sadd.s32 s25, s24  }
0x1b8: {  	v9 =	vmov s26;
	v10 =	vadd.s32 s26, v4;
	_ =	sdelay $0x4  }
0x1b9: {  	v11 =	vld.idx.msk [tilespmem:v10+s14+$0x0], $0xffff  }
0x1ba: {  	v9 =	vld.idx.msk [tilespmem:v9+s15+$0x0], $0xffff;
	_ =	sdelay $0x4  }
0x1bb: {  	vm0 =	veq.f32 v11, v7  }
0x1bc: {  	v7 =	vnsel vm0, $0xC0000000, v3  }
0x1bd: {  	(xrf0) =	vmin.scan.msk.u32 $0xffff, v7;
	_ =	sdelay $0x5  }
0x1be: {  	v7, _, _ =	vpop (xrf0)  }
0x1bf: {  	(v2sf) =	vpush v7, $0xF;
	_ =	sdelay $0xe  }
0x1c0: {  	s26 =	sand.u32 $0xF, s21;
	s28 =	spop (v2sf)  }
0x1c1: {  	v7 =	vmov s26;
	s29 =	sxor.u32 $0x80000000, s28;
	s28 =	sshll.u32 s28, $0x7  }
0x1c2: {  	vm0 =	veq.s32 v7, v0;
	v9 =	vadd.s32 s28, v9;
	v7 =	vmov s29  }
0x1c3: {  	v6 =	vsel vm0, v9, v6;
	vm0 =	veq.s32 v7, v0  }
0x1c4: {  	[tilespmem:s22+$0x2D80] =	vst v6;
	v6 =	vsel vm0, $0xF149F2CA, v11  }
0x1c5: {  	[tilespmem:v10+s14+$0x0] =	vst.idx.msk $0xffff, v6;
	(xrf0) =	vmax.scan.msk.f32 $0xffff, v6;
	_ =	sdelay $0x5  }
0x1c6: {  	v6, _, _ =	vpop (xrf0)  }
0x1c7: {  	v7 =	vmov s25;
	v6 =	vbroadcast v6, $0xF  }
0x1c8: {  	vm0 =	veq.s32 v7, v0  }
0x1c9: {  	v6 =	vsel vm0, v6, v8  }
0x1ca: {  	[tilespmem:s24+$0x1C00] =	vst v6;
	(xrf0) =	vmax.scan.msk.f32 $0xffff, v6;
	_ =	sdelay $0x4  }
.Ltmp4:
0x1cb: {  	(pc) =	sbr.rel @p0 .LBB2_11-.Ltmp4, $4  }
0x1cc: {  	s22 =	sxor.u32 $0x80000000, s23;
	v6, _, _ =	vpop (xrf0)  }
0x1cd: {  	v7 =	vmov s22;
	v6 =	vbroadcast v6, $0xF  }
0x1ce: {  	vm0 =	veq.s32 v7, v0  }
0x1cf: {  	s21 =	sadd.s32 $0x1, s21;
	v5 =	vsel vm0, v6, v5  }
0x1d0: {  	s19 =	sshll.u32 s19, $0xA  }
0x1d1: {  	s18 =	sadd.s32 $0x1, s18;
	s19 =	sor.u32 s20, s19  }
0x1d2: {  	p0 =	sne.s32 s18, $0x20;
	s19 =	sshrl.u32 s19, $0x3  }
.Ltmp5:
0x1d3: {  	[tilespmem:$0x1B00] =	vst v5;
	s19 =	sadd.s32 s5, s19;
	(pc) =	sbr.rel @p0 .LBB2_2-.Ltmp5, $4  }
0x1d4: {  	[hbm4b:s19+s1] =	stream.linear.scatter [tilespmem:s16], [sflag:$0x2], $0x80, $0x38;
	[tilespmem:$0x2E00] =	vst v63  }
0x1d5: {  	_ =	swait.ge [sflag:s10], $0x80  }
0x1d6: {  	[sflag:s10] =	ssyncset.done $0x0  }
0x1d7: {  	[sflag:s10] =	ssyncadd.s32 $0xFFFFFF80  }
0x1d8: {  	s17 =	sadd.s32 $0x1, s17  }
0x1d9: {  	p0 =	sne.s32 s17, s7  }
.Ltmp6:
0x1da: {  	_ = 	snop;
	(pc) =	sbr.rel @p0 .LBB2_1-.Ltmp6, $1  }
0x1db: {  	_ =	sdelay $0x3  }
0x1dc: {  	_ =	sfence.sel $0x180000  }
0x1dd: {  	[bflag:$0x0] =	sbarrier.arrive $0xFFFF  }
0x1de: {  	p0 =	sne.s32 s2, $0x0;
	_ =	strace $0x9000004A  }
0x1df: {  	s0 =	sadd.s32 @!p0 $0x100000, s0;
	[bflag:$0x2] =	sbarrier.arrive $0xFFFF  }
0x1e0: {  	[sflag:s0] =	ssyncadd.tile.s32 @!p0 $0x1;
	_ =	shalt  }
.Lfunc_end2:
_tile_overlayer_lowered:
.L_overlay_start_2:
0x1e1: {  	(tag) =	ssettag $0x2  }
0x1e2: {  	s0 =	rddreg [dreg:$0x0];
	s2 =	stileid.u32  }
0x1e3: {  	s1 =	rddreg [dreg:$0x1];
	p0 =	sne.s32 s2, $0x0  }
0x1e4: {  	s3 =	rddreg [dreg:$0x2];
	[bflag:$0x3] =	sbarrier.arrive $0xFFFF;
	s2 =	simm.s32 @!p0 $0x1C02  }
0x1e5: {  	[timem:s3], [sflag:s2] =	dma.local @!p0 [hbm:s0], s1  }
0x1e6: {  	s0 =	simm.s32 @!p0 $0x2  }
0x1e7: {  	_ =	swait.ge @!p0 [sflag:s0], s1  }
0x1e8: {  	s1 =	ssub.s32 @!p0 $0x0, s1;
	[sflag:s0] =	ssyncset.done @!p0 $0x0  }
0x1e9: {  	[sflag:s0] =	ssyncadd.s32 @!p0 s1  }
0x1ea: {  	[bflag:$0x3] =	sbarrier.arrive $0xFFFF  }
0x1eb: {  	_ =	shalt  }

</sc_bundles>
